<compile_context>
chip_gen: v7x
topology: tpu7x:2x2x1
jax: 0.10.2.dev20260603
libtpu: 0.0.44.dev20260713+nightly
codegen_flags: <defaults>
</compile_context>

<pallas_src>
import functools

import jax
import jax.numpy as jnp
from jax import lax
from jax.experimental import pallas as pl
from jax.experimental.pallas import tpu as pltpu
from jax.experimental.pallas import tpu_sc as plsc

F32 = jnp.float32
N_POINTS = 10000
NPAD = 10240
C1 = 2048
C2 = 512
K_NEIGH = 32
GRIPPER_DEPTH = 0.1034


def _mm(a, b):
    return jax.lax.dot_general(a, b, (((1,), (0,)), ((), ())),
                               preferred_element_type=F32)


_MASK_BIG = 1e30


def _argmin_oh(dist, iota):
    idx = jnp.argmin(dist, axis=1)
    return (iota == idx[:, None]).astype(F32)


def _sa_kernel(cpos_ref, pt_ref, table_ref, w1_ref, b1_ref, w2_ref, b2_ref,
               w3_ref, b3_ref, out_ref, hbuf_ref, *, k, feat_dim, blk):
    cb = cpos_ref[...]
    pt = pt_ref[...]
    table = table_ref[...]
    n = pt.shape[1]
    cn = jnp.sum(cb * cb, axis=1, keepdims=True)
    pn = jnp.sum(pt * pt, axis=0, keepdims=True)
    dist = cn + pn - 2.0 * _mm(cb, pt)
    iota = jax.lax.broadcasted_iota(jnp.int32, (1, n), 1)
    d = 3 + feat_dim
    cpad = jnp.concatenate([cb, jnp.zeros((blk, feat_dim), F32)], axis=1)

    def body(i, dist):
        ohf = _argmin_oh(dist, iota)
        g = _mm(ohf, table) - cpad
        hbuf_ref[pl.ds(i * blk, blk), :] = g
        return dist + ohf * _MASK_BIG

    jax.lax.fori_loop(0, k, body, dist)

    h = jnp.maximum(_mm(hbuf_ref[...], w1_ref[...]) + b1_ref[...], 0.0)
    h = jnp.maximum(_mm(h, w2_ref[...]) + b2_ref[...], 0.0)
    h = jnp.maximum(_mm(h, w3_ref[...]) + b3_ref[...], 0.0)
    out_ref[...] = jnp.max(h.reshape(k, blk, h.shape[1]), axis=0)


def _sa_call(cpos, cand_t, table, layers, blk):
    c = cpos.shape[0]
    feat_dim = table.shape[1] - 3
    (w1, b1), (w2, b2), (w3, b3) = layers
    dout = w3.shape[1]
    const = lambda s: pl.BlockSpec(s, lambda i: (0, 0))
    return pl.pallas_call(
        functools.partial(_sa_kernel, k=K_NEIGH, feat_dim=feat_dim, blk=blk),
        grid=(c // blk,),
        in_specs=[
            pl.BlockSpec((blk, 3), lambda i: (i, 0)),
            const(cand_t.shape),
            const(table.shape),
            const(w1.shape), const((1, b1.shape[0])),
            const(w2.shape), const((1, b2.shape[0])),
            const(w3.shape), const((1, b3.shape[0])),
        ],
        out_specs=pl.BlockSpec((blk, dout), lambda i: (i, 0)),
        out_shape=jax.ShapeDtypeStruct((c, dout), F32),
        scratch_shapes=[pltpu.VMEM((K_NEIGH * blk, feat_dim + 3), F32)],
    )(cpos, cand_t, table, w1, b1.reshape(1, -1), w2, b2.reshape(1, -1),
      w3, b3.reshape(1, -1))



_NC, _NS, _L = 2, 16, 16
_NW = _NC * _NS
_C1SC = 1280
_CPW = _C1SC // _NW
_NV = NPAD // _L
_SC_BIG = 1e30


def _sc_knn_kernel(d2h, xh, yh, zh, fxh, fyh, fzh, outh,
                   xv, yv, zv, fxv, fyv, fzv, dbuf, cv, civ, st, cmv,
                   selbuf):
    wid = lax.axis_index("s") * _NC + lax.axis_index("c")
    pltpu.sync_copy(xh, xv)
    pltpu.sync_copy(yh, yv)
    pltpu.sync_copy(zh, zv)
    pltpu.sync_copy(fxh, fxv)
    pltpu.sync_copy(fyh, fyv)
    pltpu.sync_copy(fzh, fzv)
    iota = lax.iota(jnp.int32, _L)
    big16 = jnp.full((_L,), _SC_BIG, F32)

    def center_body(i, c):
        cg = wid * _CPW + i
        p = cg * 4
        base = (p // _L) * _L
        lmf = jnp.where(iota == (p - base), 1.0, 0.0)
        cx = jnp.sum(xv[pl.ds(base, _L)] * lmf)
        cy = jnp.sum(yv[pl.ds(base, _L)] * lmf)
        cz = jnp.sum(zv[pl.ds(base, _L)] * lmf)

        pltpu.sync_copy(d2h.at[cg], dbuf)

        cmv[pl.ds(0, _L)] = big16
        cmv[pl.ds(_L, _L)] = big16

        def cm_body(j2, c2):
            ja = 2 * j2
            jb = ja + 1
            cmv[pl.ds(0, _L)] = jnp.minimum(cmv[pl.ds(0, _L)],
                                            dbuf[pl.ds(ja * _L, _L)])
            cmv[pl.ds(_L, _L)] = jnp.minimum(cmv[pl.ds(_L, _L)],
                                             dbuf[pl.ds(jb * _L, _L)])
            return c2

        lax.fori_loop(0, _NV // 2, cm_body, 0)
        thr = jnp.maximum(jnp.max(cmv[pl.ds(0, _L)]),
                          jnp.max(cmv[pl.ds(_L, _L)]))

        def comp_body(j, cnt):
            d2 = dbuf[pl.ds(j * _L, _L)]
            msk = d2 <= thr
            mi = jnp.where(msk, 1, 0)
            pre = plsc.cumsum(mi)
            offs = cnt + pre - mi
            plsc.store_scatter(cv, [offs], d2, mask=msk)
            plsc.store_scatter(civ, [offs], j * _L + iota, mask=msk)
            return cnt + jnp.sum(mi)

        cnt = lax.fori_loop(0, _NV, comp_body, 0)
        plsc.store_scatter(cv, [cnt + iota], big16)
        nvec = (cnt + _L - 1) // _L

        def ext_body(k, c3):
            def am_body(j, carry):
                bv, bp = carry
                v = cv[pl.ds(j * _L, _L)]
                m = jnp.min(v)
                upd = m < bv
                pos = j * _L + jnp.min(jnp.where(v == m, iota, _L))
                return (jnp.where(upd, m, bv), jnp.where(upd, pos, bp))

            _, bp = lax.fori_loop(0, nvec, am_body,
                                  (jnp.float32(_SC_BIG * 2), 0))
            bs = (bp // _L) * _L
            ln = bp - bs
            cv[pl.ds(bs, _L)] = jnp.where(iota == ln, _SC_BIG,
                                          cv[pl.ds(bs, _L)])
            gi = jnp.sum(civ[pl.ds(bs, _L)] * jnp.where(iota == ln, 1, 0))
            plsc.store_scatter(selbuf, [jnp.full((_L,), k, jnp.int32)],
                               jnp.full((_L,), gi, jnp.int32),
                               mask=iota == 0)
            return c3

        lax.fori_loop(0, K_NEIGH, ext_body, 0)

        wcols = _CPW * K_NEIGH
        for h in (0, 1):
            sel = selbuf[pl.ds(h * _L, _L)]
            cols = (h * _L + iota) * _CPW + i
            plsc.store_scatter(st, [cols],
                               plsc.load_gather(xv, [sel]) - cx)
            plsc.store_scatter(st, [1 * wcols + cols],
                               plsc.load_gather(yv, [sel]) - cy)
            plsc.store_scatter(st, [2 * wcols + cols],
                               plsc.load_gather(zv, [sel]) - cz)
            plsc.store_scatter(st, [3 * wcols + cols],
                               plsc.load_gather(fxv, [sel]))
            plsc.store_scatter(st, [4 * wcols + cols],
                               plsc.load_gather(fyv, [sel]))
            plsc.store_scatter(st, [5 * wcols + cols],
                               plsc.load_gather(fzv, [sel]))
        return c

    lax.fori_loop(0, _CPW, center_body, 0)
    for r in range(6):
        pltpu.sync_copy(
            st.at[pl.ds(r * _CPW * K_NEIGH, _CPW * K_NEIGH)],
            outh.at[pl.ds(r * _C1SC * K_NEIGH + wid * _CPW * K_NEIGH,
                          _CPW * K_NEIGH)])


def _d2_kernel(cpos_ref, pt_ref, out_ref):
    cb = cpos_ref[...]
    pt = pt_ref[...]
    cn = jnp.sum(cb * cb, axis=1, keepdims=True)
    pn = jnp.sum(pt * pt, axis=0, keepdims=True)
    out_ref[...] = cn + pn - 2.0 * _mm(cb, pt)


def _d2_call(cpos, pos_t):
    return pl.pallas_call(
        _d2_kernel,
        grid=(C1 // 128,),
        in_specs=[pl.BlockSpec((128, 3), lambda i: (i, 0)),
                  pl.BlockSpec(pos_t.shape, lambda i: (0, 0))],
        out_specs=pl.BlockSpec((128, NPAD), lambda i: (i, 0)),
        out_shape=jax.ShapeDtypeStruct((C1, NPAD), F32),
    )(cpos, pos_t)


def _sc_sa1_knn(d2m, pos_pad, feat_pad):
    mesh = plsc.VectorSubcoreMesh(core_axis_name="c", subcore_axis_name="s",
                                  num_cores=_NC, num_subcores=_NS)
    fn = pl.kernel(
        _sc_knn_kernel,
        out_type=jax.ShapeDtypeStruct((6 * _C1SC * K_NEIGH,), F32),
        mesh=mesh,
        compiler_params=pltpu.CompilerParams(needs_layout_passes=False),
        scratch_types=[pltpu.VMEM((NPAD,), F32)] * 6
        + [pltpu.VMEM((NPAD,), F32),
           pltpu.VMEM((NPAD + _L,), F32),
           pltpu.VMEM((NPAD + _L,), jnp.int32),
           pltpu.VMEM((6 * _CPW * K_NEIGH,), F32),
           pltpu.VMEM((2 * _L,), F32),
           pltpu.VMEM((K_NEIGH,), jnp.int32)],
    )
    out = fn(d2m, pos_pad[:, 0], pos_pad[:, 1], pos_pad[:, 2],
             feat_pad[:, 0], feat_pad[:, 1], feat_pad[:, 2])
    return out.reshape(6, _C1SC * K_NEIGH)


def _sa1_mlp_kernel(h_ref, w1_ref, b1_ref, w2_ref, b2_ref, w3_ref, b3_ref,
                    out_ref):
    a = jnp.maximum(_mm(w1_ref[...], h_ref[...]) + b1_ref[...], 0.0)
    a = jnp.maximum(_mm(w2_ref[...], a) + b2_ref[...], 0.0)
    a = jnp.maximum(_mm(w3_ref[...], a) + b3_ref[...], 0.0)
    m = a[:, 0:_CPW]
    for j in range(1, K_NEIGH):
        m = jnp.maximum(m, a[:, j * _CPW:(j + 1) * _CPW])
    out_ref[...] = m[None]


def _sa1_mlp_call(h_t, layers):
    (w1, b1), (w2, b2), (w3, b3) = layers
    dout = w3.shape[1]
    const = lambda s: pl.BlockSpec(s, lambda i: (0, 0))
    wcols = _CPW * K_NEIGH
    out = pl.pallas_call(
        _sa1_mlp_kernel,
        grid=(_NW,),
        in_specs=[
            pl.BlockSpec((6, wcols), lambda i: (0, i)),
            const((w1.shape[1], w1.shape[0])), const((w1.shape[1], 1)),
            const((w2.shape[1], w2.shape[0])), const((w2.shape[1], 1)),
            const((w3.shape[1], w3.shape[0])), const((w3.shape[1], 1)),
        ],
        out_specs=pl.BlockSpec((1, dout, _CPW), lambda i: (i, 0, 0)),
        out_shape=jax.ShapeDtypeStruct((_NW, dout, _CPW), F32),
    )(h_t, w1.T, b1.reshape(-1, 1), w2.T, b2.reshape(-1, 1),
      w3.T, b3.reshape(-1, 1))
    return out.transpose(0, 2, 1).reshape(_C1SC, dout)


def _fp_kernel(rpos_ref, skip_ref, ct_ref, featc_ref, w1_ref, b1_ref,
               w2_ref, b2_ref, out_ref):
    rb = rpos_ref[...]
    ct = ct_ref[...]
    n = ct.shape[1]
    rn = jnp.sum(rb * rb, axis=1, keepdims=True)
    cn = jnp.sum(ct * ct, axis=0, keepdims=True)
    dist = rn + cn - 2.0 * _mm(rb, ct)
    iota = jax.lax.broadcasted_iota(jnp.int32, (1, n), 1)
    wacc = jnp.zeros_like(dist)
    wsum = jnp.zeros_like(rn)
    for _ in range(3):
        m = jnp.min(dist, axis=1, keepdims=True)
        ohf = _argmin_oh(dist, iota)
        wi = 1.0 / (jnp.maximum(m, 0.0) + 1e-8)
        wacc = wacc + ohf * wi
        wsum = wsum + wi
        dist = dist + ohf * _MASK_BIG
    interp = _mm(wacc / wsum, featc_ref[...])
    h = jnp.concatenate([interp, skip_ref[...]], axis=1)
    h = jnp.maximum(_mm(h, w1_ref[...]) + b1_ref[...], 0.0)
    out_ref[...] = jnp.maximum(_mm(h, w2_ref[...]) + b2_ref[...], 0.0)


def _fp_call(rpos, skip, cand_t, featc, layers, blk):
    c = rpos.shape[0]
    (w1, b1), (w2, b2) = layers
    dout = w2.shape[1]
    const = lambda s: pl.BlockSpec(s, lambda i: (0, 0))
    return pl.pallas_call(
        _fp_kernel,
        grid=(c // blk,),
        in_specs=[
            pl.BlockSpec((blk, 3), lambda i: (i, 0)),
            pl.BlockSpec((blk, skip.shape[1]), lambda i: (i, 0)),
            const(cand_t.shape),
            const(featc.shape),
            const(w1.shape), const((1, b1.shape[0])),
            const(w2.shape), const((1, b2.shape[0])),
        ],
        out_specs=pl.BlockSpec((blk, dout), lambda i: (i, 0)),
        out_shape=jax.ShapeDtypeStruct((c, dout), F32),
    )(rpos, skip, cand_t, featc, w1, b1.reshape(1, -1), w2, b2.reshape(1, -1))


def _head_kernel(pos_ref, f0_ref, ws1, bs1, ws2, bs2, wz11, bz11, wz12, bz12,
                 wz21, bz21, wz22, bz22, ww1, bw1, ww2, bw2, zz_ref, ss_ref):
    pf = jnp.concatenate([pos_ref[...], f0_ref[...]], axis=1)

    def head(w1, b1, w2, b2):
        h = jnp.maximum(_mm(pf, w1[...]) + b1[...], 0.0)
        return _mm(h, w2[...]) + b2[...]

    s = jax.nn.sigmoid(head(ws1, bs1, ws2, bs2))
    z1 = head(wz11, bz11, wz12, bz12)
    z2 = head(wz21, bz21, wz22, bz22)
    w = head(ww1, bw1, ww2, bw2)
    zz_ref[...] = jnp.concatenate([z1, z2, s, w], axis=1)

    part = jnp.concatenate(
        [jnp.sum(z1 * z1, keepdims=True).reshape(1, 1),
         jnp.sum(z2 * z2, keepdims=True).reshape(1, 1)], axis=1)

    @pl.when(pl.program_id(0) == 0)
    def _():
        ss_ref[...] = jnp.zeros_like(ss_ref)

    ss_ref[...] += part


def _grasp_kernel(pos_ref, zz_ref, ss_ref, g_ref, sw_ref):
    contact = pos_ref[...]
    zz = zz_ref[...]
    z1 = zz[:, 0:3]
    z2 = zz[:, 3:6]
    s = zz[:, 6:7]
    w = zz[:, 7:8]

    base = z1 / jnp.sqrt(ss_ref[0, 0])
    inner = jnp.sum(base * z2, axis=1, keepdims=True)
    approach = (z2 - base * inner) / jnp.sqrt(ss_ref[0, 1])
    c0 = base / jnp.sqrt(jnp.sum(base * base, axis=1, keepdims=True))
    c2 = approach / jnp.sqrt(jnp.sum(approach * approach, axis=1,
                                     keepdims=True))
    y = jnp.concatenate([
        c2[:, 1:2] * c0[:, 2:3] - c2[:, 2:3] * c0[:, 1:2],
        c2[:, 2:3] * c0[:, 0:1] - c2[:, 0:1] * c0[:, 2:3],
        c2[:, 0:1] * c0[:, 1:2] - c2[:, 1:2] * c0[:, 0:1],
    ], axis=1)
    c1 = y / jnp.sqrt(jnp.sum(y * y, axis=1, keepdims=True))
    t = contact + (w * 0.5) * c0 - GRIPPER_DEPTH * c2

    nrows = contact.shape[0]
    cols = []
    for i in range(3):
        cols += [c0[:, i:i + 1], c1[:, i:i + 1], c2[:, i:i + 1], t[:, i:i + 1]]
    cols += [jnp.zeros((nrows, 3), F32), jnp.ones((nrows, 1), F32)]
    g_ref[...] = jnp.concatenate(cols, axis=1)
    sw_ref[...] = jnp.concatenate([s, w], axis=1)


def _head_call(pos, f0, params, blk=2000):
    flat = []
    for name in ('head_s', 'head_z1', 'head_z2', 'head_w'):
        (w1, b1), (w2, b2) = params[name]
        flat += [w1, b1.reshape(1, -1), w2, b2.reshape(1, -1)]
    n = pos.shape[0]
    const = lambda s: pl.BlockSpec(s, lambda i: (0, 0))
    wspecs = [const(a.shape) for a in flat]
    zz, ss = pl.pallas_call(
        _head_kernel,
        grid=(n // blk,),
        in_specs=[pl.BlockSpec((blk, 3), lambda i: (i, 0)),
                  pl.BlockSpec((blk, f0.shape[1]), lambda i: (i, 0))] + wspecs,
        out_specs=[pl.BlockSpec((blk, 8), lambda i: (i, 0)),
                   pl.BlockSpec((1, 2), lambda i: (0, 0))],
        out_shape=[jax.ShapeDtypeStruct((n, 8), F32),
                   jax.ShapeDtypeStruct((1, 2), F32)],
    )(pos, f0, *flat)
    return pl.pallas_call(
        _grasp_kernel,
        grid=(n // blk,),
        in_specs=[pl.BlockSpec((blk, 3), lambda i: (i, 0)),
                  pl.BlockSpec((blk, 8), lambda i: (i, 0)),
                  const((1, 2))],
        out_specs=[pl.BlockSpec((blk, 16), lambda i: (i, 0)),
                   pl.BlockSpec((blk, 2), lambda i: (i, 0))],
        out_shape=[jax.ShapeDtypeStruct((n, 16), F32),
                   jax.ShapeDtypeStruct((n, 2), F32)],
    )(pos, zz, ss)


def kernel(input_pcd, pos, batch, params):
    npad = NPAD - N_POINTS
    pos_pad = jnp.concatenate(
        [pos, jnp.full((npad, 3), 1e6, F32)], axis=0)
    feat_pad = jnp.concatenate(
        [input_pcd, jnp.zeros((npad, 3), F32)], axis=0)
    pos1 = pos[:C1 * 4:4]
    pos_t = pos_pad.T
    d2m = _d2_call(pos1, pos_t)
    h_t = _sc_sa1_knn(d2m, pos_pad, feat_pad)
    feat1_sc = _sa1_mlp_call(h_t, params['sa1'])
    table1 = jnp.concatenate([pos_pad, feat_pad], axis=1)
    feat1_tc = _sa_call(pos1[_C1SC:], pos_t, table1,
                        params['sa1'], blk=128)
    feat1 = jnp.concatenate([feat1_sc, feat1_tc], axis=0)

    pos1_t = pos1.T
    table2 = jnp.concatenate([pos1, feat1], axis=1)
    pos2 = pos1[:C2 * 4:4]
    feat2 = _sa_call(pos2, pos1_t, table2, params['sa2'], blk=128)

    f1 = _fp_call(pos1, feat1, pos2.T, feat2, params['fp1'], blk=256)
    f0 = _fp_call(pos, input_pcd, pos1_t, f1, params['fp0'], blk=400)

    g16, sw = _head_call(pos, f0, params)
    grasps = g16.reshape(N_POINTS, 4, 4)
    return grasps, sw[:, 0:1], sw[:, 1:2]

# --- scband reference (transcript-rebuilt; emitter-appended) ---
"""Pipeline reference for scband-contact-net-18519898980984 (READ-ONLY COPY).

The authoritative reference and input builder live on the scoring server;
editing this copy changes nothing except your own understanding.
"""

import jax, jax.numpy as jnp
import numpy as np

GRIPPER_DEPTH = 0.1034
N_POINTS = 10000
C1 = 2048
C2 = 512
K_NEIGH = 32

def _init_linear(key, din, dout):
    k1, _ = jax.random.split(key)
    W = jax.random.normal(k1, (din, dout), jnp.float32) * (1.0 / np.sqrt(din))
    b = jnp.zeros((dout,), jnp.float32)
    return (W, b)

def _init_mlp(key, dims):
    layers = []
    for i in range(len(dims) - 1):
        key, sub = jax.random.split(key)
        layers.append(_init_linear(sub, dims[i], dims[i + 1]))
    return layers

def _mlp(h, layers, act_last=True):
    n = len(layers)
    for i, (W, b) in enumerate(layers):
        h = h @ W + b
        if act_last or i < n - 1:
            h = jax.nn.relu(h)
    return h

def _pairwise_d2(a, b):
    return jnp.sum(a * a, -1)[:, None] + jnp.sum(b * b, -1)[None, :] - 2.0 * (a @ b.T)

def _knn(q, r, k):
    d2 = _pairwise_d2(q, r)
    neg, idx = jax.lax.top_k(-d2, k)
    return idx, jnp.maximum(-neg, 0.0)

def _sa(feat, pos, centers_idx, k, layers):
    cpos = pos[centers_idx]
    idx, _ = _knn(cpos, pos, k)
    rel = pos[idx] - cpos[:, None, :]
    h = jnp.concatenate([rel, feat[idx]], axis=-1)
    h = _mlp(h, layers, act_last=True)
    return jnp.max(h, axis=1), cpos

def _fp(pos_f, pos_c, feat_c, skip, layers):
    idx, d2 = _knn(pos_f, pos_c, 3)
    wgt = 1.0 / (d2 + 1e-8)
    wgt = wgt / jnp.sum(wgt, axis=-1, keepdims=True)
    interp = jnp.sum(feat_c[idx] * wgt[..., None], axis=1)
    return _mlp(jnp.concatenate([interp, skip], axis=-1), layers, act_last=True)

def _build_6d_grasps(contact, z1, z2, w, depth):
    base = z1 / jnp.linalg.norm(z1)
    inner = jnp.sum(base * z2, axis=-1)
    prod = base * inner[:, None]
    approach = (z2 - prod) / jnp.linalg.norm(z2)
    c0 = base / jnp.linalg.norm(base, axis=1, keepdims=True)
    c2 = approach / jnp.linalg.norm(approach, axis=1, keepdims=True)
    y = jnp.cross(c2, c0)
    c1 = y / jnp.linalg.norm(y, axis=1, keepdims=True)
    t = contact + (w / 2.0) * c0 - depth * c2
    R = jnp.stack([c0, c1, c2], axis=-1)
    top = jnp.concatenate([R, t[:, :, None]], axis=-1)
    bottom = jnp.broadcast_to(jnp.array([0.0, 0.0, 0.0, 1.0], jnp.float32), (contact.shape[0], 1, 4))
    return jnp.concatenate([top, bottom], axis=1)

def _forward(input_pcd, pos, batch, params):
    n = pos.shape[0]
    idx_c1 = jnp.arange(C1) * (n // C1)
    feat1, pos1 = _sa(input_pcd, pos, idx_c1, K_NEIGH, params['sa1'])
    idx_c2 = jnp.arange(C2) * (C1 // C2)
    feat2, pos2 = _sa(feat1, pos1, idx_c2, K_NEIGH, params['sa2'])
    f1 = _fp(pos1, pos2, feat2, feat1, params['fp1'])
    f0 = _fp(pos, pos1, f1, input_pcd, params['fp0'])
    pf = jnp.concatenate([pos, f0], axis=-1)
    s = jax.nn.sigmoid(_mlp(pf, params['head_s'], act_last=False))
    z1 = _mlp(pf, params['head_z1'], act_last=False)
    z2 = _mlp(pf, params['head_z2'], act_last=False)
    w = _mlp(pf, params['head_w'], act_last=False)
    grasps = _build_6d_grasps(pos, z1, z2, w, GRIPPER_DEPTH)
    return (grasps, s, w)

def setup_inputs(seed: int = 0):
    key = jax.random.key(seed)
    k_pcd, k_pos, kp = jax.random.split(key, 3)
    input_pcd = jax.random.normal(k_pcd, (N_POINTS, 3), jnp.float32)
    pos = jax.random.normal(k_pos, (N_POINTS, 3), jnp.float32)
    batch = jnp.zeros((N_POINTS,), jnp.int32)
    ks = jax.random.split(kp, 8)
    params = {
        'sa1': _init_mlp(ks[0], [6, 64, 64, 128]),
        'sa2': _init_mlp(ks[1], [131, 128, 128, 256]),
        'fp1': _init_mlp(ks[2], [384, 256, 256]),
        'fp0': _init_mlp(ks[3], [259, 256, 128]),
        'head_s': _init_mlp(ks[4], [131, 128, 1]),
        'head_z1': _init_mlp(ks[5], [131, 128, 3]),
        'head_z2': _init_mlp(ks[6], [131, 128, 3]),
        'head_w': _init_mlp(ks[7], [131, 128, 1]),
    }
    return {'input_pcd': input_pcd, 'pos': pos, 'batch': batch, 'params': params}

def reference(input_pcd, pos, batch, params):
    return _forward(input_pcd, pos, batch, params)

if __name__ == "__main__":
    import jax
    _d = setup_inputs()
    print(jax.jit(kernel)(*tuple(_d.values())))

</pallas_src>

<mosaic_0001>
#map = affine_map<(d0, d1) -> (0, 0)>
#map1 = affine_map<(d0, d1) -> (0)>
module attributes {stable_mosaic.version = 14 : i64} {
  func.func @_sc_knn_kernel(%arg0: i32, %arg1: i32, %arg2: memref<2048x10240xf32, #tpu.memory_space<hbm>>, %arg3: memref<10240xf32, #tpu.memory_space<hbm>>, %arg4: memref<10240xf32, #tpu.memory_space<hbm>>, %arg5: memref<10240xf32, #tpu.memory_space<hbm>>, %arg6: memref<10240xf32, #tpu.memory_space<hbm>>, %arg7: memref<10240xf32, #tpu.memory_space<hbm>>, %arg8: memref<10240xf32, #tpu.memory_space<hbm>>, %arg9: memref<245760xf32, #tpu.memory_space<hbm>>, %arg10: memref<10240xf32, #tpu.memory_space<vmem>>, %arg11: memref<10240xf32, #tpu.memory_space<vmem>>, %arg12: memref<10240xf32, #tpu.memory_space<vmem>>, %arg13: memref<10240xf32, #tpu.memory_space<vmem>>, %arg14: memref<10240xf32, #tpu.memory_space<vmem>>, %arg15: memref<10240xf32, #tpu.memory_space<vmem>>, %arg16: memref<10240xf32, #tpu.memory_space<vmem>>, %arg17: memref<10256xf32, #tpu.memory_space<vmem>>, %arg18: memref<10256xi32, #tpu.memory_space<vmem>>, %arg19: memref<7680xf32, #tpu.memory_space<vmem>>, %arg20: memref<32xf32, #tpu.memory_space<vmem>>, %arg21: memref<32xi32, #tpu.memory_space<vmem>>) attributes {dimension_semantics = [#tpu.dimension_semantics<core_parallel>, #tpu.dimension_semantics<subcore_parallel>], iteration_bounds = array<i64: 2, 16>, scalar_prefetch = 0 : i64, scratch_operands = 12 : i64, tpu.core_type = #tpu.core_type<sc_vector_subcore>, window_params = [{transform_indices = #map}, {transform_indices = #map1}, {transform_indices = #map1}, {transform_indices = #map1}, {transform_indices = #map1}, {transform_indices = #map1}, {transform_indices = #map1}, {transform_indices = #map1}]} {
    %mul3A = arith.constant 2 : i32
    %mul3A_0 = arith.muli %arg1, %mul3A : i32
    %add3A = arith.addi %mul3A_0, %arg0 : i32
    "tpu.region"() ({
      %run_scoped3A = tpu.sem_alloc : memref<!tpu.dma_semaphore, #tpu.memory_space<semaphore_mem>>
      tpu.enqueue_dma source(%arg3 : memref<10240xf32, #tpu.memory_space<hbm>>) target(%arg10 : memref<10240xf32, #tpu.memory_space<vmem>>) target_semaphore(%run_scoped3A : memref<!tpu.dma_semaphore, #tpu.memory_space<semaphore_mem>>)
      tpu.wait_dma2 semaphore(%run_scoped3A : memref<!tpu.dma_semaphore, #tpu.memory_space<semaphore_mem>>) src(%arg3 : memref<10240xf32, #tpu.memory_space<hbm>>) dst(%arg10 : memref<10240xf32, #tpu.memory_space<vmem>>)
      tpu.yield
    }) : () -> ()
    "tpu.region"() ({
      %run_scoped3A = tpu.sem_alloc : memref<!tpu.dma_semaphore, #tpu.memory_space<semaphore_mem>>
      tpu.enqueue_dma source(%arg4 : memref<10240xf32, #tpu.memory_space<hbm>>) target(%arg11 : memref<10240xf32, #tpu.memory_space<vmem>>) target_semaphore(%run_scoped3A : memref<!tpu.dma_semaphore, #tpu.memory_space<semaphore_mem>>)
      tpu.wait_dma2 semaphore(%run_scoped3A : memref<!tpu.dma_semaphore, #tpu.memory_space<semaphore_mem>>) src(%arg4 : memref<10240xf32, #tpu.memory_space<hbm>>) dst(%arg11 : memref<10240xf32, #tpu.memory_space<vmem>>)
      tpu.yield
    }) : () -> ()
    "tpu.region"() ({
      %run_scoped3A = tpu.sem_alloc : memref<!tpu.dma_semaphore, #tpu.memory_space<semaphore_mem>>
      tpu.enqueue_dma source(%arg5 : memref<10240xf32, #tpu.memory_space<hbm>>) target(%arg12 : memref<10240xf32, #tpu.memory_space<vmem>>) target_semaphore(%run_scoped3A : memref<!tpu.dma_semaphore, #tpu.memory_space<semaphore_mem>>)
      tpu.wait_dma2 semaphore(%run_scoped3A : memref<!tpu.dma_semaphore, #tpu.memory_space<semaphore_mem>>) src(%arg5 : memref<10240xf32, #tpu.memory_space<hbm>>) dst(%arg12 : memref<10240xf32, #tpu.memory_space<vmem>>)
      tpu.yield
    }) : () -> ()
    "tpu.region"() ({
      %run_scoped3A = tpu.sem_alloc : memref<!tpu.dma_semaphore, #tpu.memory_space<semaphore_mem>>
      tpu.enqueue_dma source(%arg6 : memref<10240xf32, #tpu.memory_space<hbm>>) target(%arg13 : memref<10240xf32, #tpu.memory_space<vmem>>) target_semaphore(%run_scoped3A : memref<!tpu.dma_semaphore, #tpu.memory_space<semaphore_mem>>)
      tpu.wait_dma2 semaphore(%run_scoped3A : memref<!tpu.dma_semaphore, #tpu.memory_space<semaphore_mem>>) src(%arg6 : memref<10240xf32, #tpu.memory_space<hbm>>) dst(%arg13 : memref<10240xf32, #tpu.memory_space<vmem>>)
      tpu.yield
    }) : () -> ()
    "tpu.region"() ({
      %run_scoped3A = tpu.sem_alloc : memref<!tpu.dma_semaphore, #tpu.memory_space<semaphore_mem>>
      tpu.enqueue_dma source(%arg7 : memref<10240xf32, #tpu.memory_space<hbm>>) target(%arg14 : memref<10240xf32, #tpu.memory_space<vmem>>) target_semaphore(%run_scoped3A : memref<!tpu.dma_semaphore, #tpu.memory_space<semaphore_mem>>)
      tpu.wait_dma2 semaphore(%run_scoped3A : memref<!tpu.dma_semaphore, #tpu.memory_space<semaphore_mem>>) src(%arg7 : memref<10240xf32, #tpu.memory_space<hbm>>) dst(%arg14 : memref<10240xf32, #tpu.memory_space<vmem>>)
      tpu.yield
    }) : () -> ()
    "tpu.region"() ({
      %run_scoped3A = tpu.sem_alloc : memref<!tpu.dma_semaphore, #tpu.memory_space<semaphore_mem>>
      tpu.enqueue_dma source(%arg8 : memref<10240xf32, #tpu.memory_space<hbm>>) target(%arg15 : memref<10240xf32, #tpu.memory_space<vmem>>) target_semaphore(%run_scoped3A : memref<!tpu.dma_semaphore, #tpu.memory_space<semaphore_mem>>)
      tpu.wait_dma2 semaphore(%run_scoped3A : memref<!tpu.dma_semaphore, #tpu.memory_space<semaphore_mem>>) src(%arg8 : memref<10240xf32, #tpu.memory_space<hbm>>) dst(%arg15 : memref<10240xf32, #tpu.memory_space<vmem>>)
      tpu.yield
    }) : () -> ()
    %iota3A = tpu.iota {dimensions = array<i32: 0>} : vector<16xi32>
    %broadcast_in_dim3A = arith.constant 1.000000e+30 : f32
    %broadcast_in_dim3A_1 = vector.broadcast %broadcast_in_dim3A : f32 to vector<16xf32>
    %scan3A = arith.constant 0 : i32
    %scan3A_2 = arith.constant 0 : i32
    %scan3A_3 = arith.constant 40 : i32
    %scan3A_4 = arith.addi %scan3A_2, %scan3A_3 : i32
    %scan3A_5 = arith.constant 1 : i32
    scf.for %scan3A_43 = %scan3A_2 to %scan3A_4 step %scan3A_5  : i32 {
      %mul3A_44 = arith.constant 40 : i32
      %mul3A_45 = arith.muli %add3A, %mul3A_44 : i32
      %add3A_46 = arith.addi %mul3A_45, %scan3A_43 : i32
      %mul3A_47 = arith.constant 4 : i32
      %mul3A_48 = arith.muli %add3A_46, %mul3A_47 : i32
      %jit3A = arith.constant 16 : i32
      %div3A = arith.divsi %mul3A_48, %jit3A : i32
      %sign3A = arith.constant 0 : i32
      %sign3A_49 = arith.cmpi sgt, %mul3A_48, %sign3A : i32
      %sign3A_50 = arith.extui %sign3A_49 : i1 to i32
      %sign3A_51 = arith.constant 0 : i32
      %sign3A_52 = arith.cmpi slt, %mul3A_48, %sign3A_51 : i32
      %sign3A_53 = arith.extui %sign3A_52 : i1 to i32
      %sign3A_54 = arith.subi %sign3A_50, %sign3A_53 : i32
      %sign3A_55 = arith.constant 0 : i32
      %sign3A_56 = arith.cmpi sgt, %jit3A, %sign3A_55 : i32
      %sign3A_57 = arith.extui %sign3A_56 : i1 to i32
      %sign3A_58 = arith.constant 0 : i32
      %sign3A_59 = arith.cmpi slt, %jit3A, %sign3A_58 : i32
      %sign3A_60 = arith.extui %sign3A_59 : i1 to i32
      %sign3A_61 = arith.subi %sign3A_57, %sign3A_60 : i32
      %ne3A = arith.cmpi ne, %sign3A_54, %sign3A_61 : i32
      %rem3A = arith.remsi %mul3A_48, %jit3A : i32
      %ne3A_62 = arith.constant 0 : i32
      %ne3A_63 = arith.cmpi ne, %rem3A, %ne3A_62 : i32
      %and3A = arith.andi %ne3A, %ne3A_63 : i1
      %sub3A = arith.constant 1 : i32
      %sub3A_64 = arith.subi %div3A, %sub3A : i32
      %select_n3A = arith.select %and3A, %sub3A_64, %div3A : i32
      %mul3A_65 = arith.constant 16 : i32
      %mul3A_66 = arith.muli %select_n3A, %mul3A_65 : i32
      %sub3A_67 = arith.subi %mul3A_48, %mul3A_66 : i32
      %eq3A = vector.broadcast %sub3A_67 : i32 to vector<16xi32>
      %eq3A_68 = arith.cmpi eq, %iota3A, %eq3A : vector<16xi32>
      %jit3A_69 = arith.constant 1.000000e+00 : f32
      %jit3A_70 = arith.constant 0.000000e+00 : f32
      %broadcast_in_dim3A_71 = vector.broadcast %jit3A_69 : f32 to vector<16xf32>
      %broadcast_in_dim3A_72 = vector.broadcast %jit3A_70 : f32 to vector<16xf32>
      %select_n3A_73 = arith.select %eq3A_68, %broadcast_in_dim3A_71, %broadcast_in_dim3A_72 : vector<16xi1>, vector<16xf32>
      %get3A = arith.index_cast %mul3A_66 : i32 to index
      %get3A_74 = tpu.vector_load %arg10[%get3A] {strides = array<i32>} : memref<10240xf32, #tpu.memory_space<vmem>>, vector<16xf32>,
      %mul3A_75 = arith.mulf %get3A_74, %select_n3A_73 : vector<16xf32>
      %reduce_sum3A = arith.constant true
      %reduce_sum3A_76 = vector.broadcast %reduce_sum3A : i1 to vector<16xi1>
      %reduce_sum3A_77 = tpu.scan <sum>, %mul3A_75 masked %reduce_sum3A_76 : vector<16xf32>, vector<16xi1> -> vector<16xf32>
      %reduce_sum3A_78 = vector.extract %reduce_sum3A_77[15] : f32 from vector<16xf32>
      %get3A_79 = arith.index_cast %mul3A_66 : i32 to index
      %get3A_80 = tpu.vector_load %arg11[%get3A_79] {strides = array<i32>} : memref<10240xf32, #tpu.memory_space<vmem>>, vector<16xf32>,
      %mul3A_81 = arith.mulf %get3A_80, %select_n3A_73 : vector<16xf32>
      %reduce_sum3A_82 = arith.constant true
      %reduce_sum3A_83 = vector.broadcast %reduce_sum3A_82 : i1 to vector<16xi1>
      %reduce_sum3A_84 = tpu.scan <sum>, %mul3A_81 masked %reduce_sum3A_83 : vector<16xf32>, vector<16xi1> -> vector<16xf32>
      %reduce_sum3A_85 = vector.extract %reduce_sum3A_84[15] : f32 from vector<16xf32>
      %get3A_86 = arith.index_cast %mul3A_66 : i32 to index
      %get3A_87 = tpu.vector_load %arg12[%get3A_86] {strides = array<i32>} : memref<10240xf32, #tpu.memory_space<vmem>>, vector<16xf32>,
      %mul3A_88 = arith.mulf %get3A_87, %select_n3A_73 : vector<16xf32>
      %reduce_sum3A_89 = arith.constant true
      %reduce_sum3A_90 = vector.broadcast %reduce_sum3A_89 : i1 to vector<16xi1>
      %reduce_sum3A_91 = tpu.scan <sum>, %mul3A_88 masked %reduce_sum3A_90 : vector<16xf32>, vector<16xi1> -> vector<16xf32>
      %reduce_sum3A_92 = vector.extract %reduce_sum3A_91[15] : f32 from vector<16xf32>
      "tpu.region"() ({
        %run_scoped3A = tpu.sem_alloc : memref<!tpu.dma_semaphore, #tpu.memory_space<semaphore_mem>>
        %dma_start3A = arith.constant 0 : i32
        %dma_start3A_229 = tpu.memref_slice %arg2[%add3A_46, %dma_start3A] : memref<2048x10240xf32, #tpu.memory_space<hbm>> -> memref<1x10240xf32, #tpu.memory_space<hbm>>
        %dma_start3A_230 = tpu.memref_squeeze %dma_start3A_229 : memref<1x10240xf32, #tpu.memory_space<hbm>> -> memref<10240xf32, #tpu.memory_space<hbm>>
        %dma_start3A_231 = arith.constant 0 : i32
        %dma_start3A_232 = tpu.memref_slice %arg2[%add3A_46, %dma_start3A_231] : memref<2048x10240xf32, #tpu.memory_space<hbm>> -> memref<1x10240xf32, #tpu.memory_space<hbm>>
        %dma_start3A_233 = tpu.memref_squeeze %dma_start3A_232 : memref<1x10240xf32, #tpu.memory_space<hbm>> -> memref<10240xf32, #tpu.memory_space<hbm>>
        tpu.enqueue_dma source(%dma_start3A_233 : memref<10240xf32, #tpu.memory_space<hbm>>) target(%arg16 : memref<10240xf32, #tpu.memory_space<vmem>>) target_semaphore(%run_scoped3A : memref<!tpu.dma_semaphore, #tpu.memory_space<semaphore_mem>>)
        %dma_wait3A = arith.constant 0 : i32
        %dma_wait3A_234 = tpu.memref_slice %arg2[%add3A_46, %dma_wait3A] : memref<2048x10240xf32, #tpu.memory_space<hbm>> -> memref<1x10240xf32, #tpu.memory_space<hbm>>
        %dma_wait3A_235 = tpu.memref_squeeze %dma_wait3A_234 : memref<1x10240xf32, #tpu.memory_space<hbm>> -> memref<10240xf32, #tpu.memory_space<hbm>>
        %dma_wait3A_236 = arith.constant 0 : i32
        %dma_wait3A_237 = tpu.memref_slice %arg2[%add3A_46, %dma_wait3A_236] : memref<2048x10240xf32, #tpu.memory_space<hbm>> -> memref<1x10240xf32, #tpu.memory_space<hbm>>
        %dma_wait3A_238 = tpu.memref_squeeze %dma_wait3A_237 : memref<1x10240xf32, #tpu.memory_space<hbm>> -> memref<10240xf32, #tpu.memory_space<hbm>>
        tpu.wait_dma2 semaphore(%run_scoped3A : memref<!tpu.dma_semaphore, #tpu.memory_space<semaphore_mem>>) src(%dma_wait3A_238 : memref<10240xf32, #tpu.memory_space<hbm>>) dst(%arg16 : memref<10240xf32, #tpu.memory_space<vmem>>)
        tpu.yield
      }) : () -> ()
      %swap3A = arith.constant 0 : index
      %swap3A_93 = tpu.vector_load %arg20[%swap3A] {strides = array<i32>} : memref<32xf32, #tpu.memory_space<vmem>>, vector<16xf32>,
      tpu.vector_store %arg20[%swap3A], %broadcast_in_dim3A_1 {strides = array<i32>} : memref<32xf32, #tpu.memory_space<vmem>>, vector<16xf32>,
      %swap3A_94 = arith.constant 16 : index
      %swap3A_95 = tpu.vector_load %arg20[%swap3A_94] {strides = array<i32>} : memref<32xf32, #tpu.memory_space<vmem>>, vector<16xf32>,
      tpu.vector_store %arg20[%swap3A_94], %broadcast_in_dim3A_1 {strides = array<i32>} : memref<32xf32, #tpu.memory_space<vmem>>, vector<16xf32>,
      %scan3A_96 = arith.constant 0 : i32
      %scan3A_97 = arith.constant 0 : i32
      %scan3A_98 = arith.constant 320 : i32
      %scan3A_99 = arith.addi %scan3A_97, %scan3A_98 : i32
      %scan3A_100 = arith.constant 1 : i32
      scf.for %scan3A_229 = %scan3A_97 to %scan3A_99 step %scan3A_100  : i32 {
        %mul3A_230 = arith.constant 2 : i32
        %mul3A_231 = arith.muli %mul3A_230, %scan3A_229 : i32
        %add3A_232 = arith.constant 1 : i32
        %add3A_233 = arith.addi %mul3A_231, %add3A_232 : i32
        %get3A_234 = arith.constant 0 : index
        %get3A_235 = tpu.vector_load %arg20[%get3A_234] {strides = array<i32>} : memref<32xf32, #tpu.memory_space<vmem>>, vector<16xf32>,
        %mul3A_236 = arith.constant 16 : i32
        %mul3A_237 = arith.muli %mul3A_231, %mul3A_236 : i32
        %get3A_238 = arith.index_cast %mul3A_237 : i32 to index
        %get3A_239 = tpu.vector_load %arg16[%get3A_238] {strides = array<i32>} : memref<10240xf32, #tpu.memory_space<vmem>>, vector<16xf32>,
        %min3A = arith.minimumf %get3A_235, %get3A_239 : vector<16xf32>
        %swap3A_240 = arith.constant 0 : index
        %swap3A_241 = tpu.vector_load %arg20[%swap3A_240] {strides = array<i32>} : memref<32xf32, #tpu.memory_space<vmem>>, vector<16xf32>,
        tpu.vector_store %arg20[%swap3A_240], %min3A {strides = array<i32>} : memref<32xf32, #tpu.memory_space<vmem>>, vector<16xf32>,
        %get3A_242 = arith.constant 16 : index
        %get3A_243 = tpu.vector_load %arg20[%get3A_242] {strides = array<i32>} : memref<32xf32, #tpu.memory_space<vmem>>, vector<16xf32>,
        %mul3A_244 = arith.constant 16 : i32
        %mul3A_245 = arith.muli %add3A_233, %mul3A_244 : i32
        %get3A_246 = arith.index_cast %mul3A_245 : i32 to index
        %get3A_247 = tpu.vector_load %arg16[%get3A_246] {strides = array<i32>} : memref<10240xf32, #tpu.memory_space<vmem>>, vector<16xf32>,
        %min3A_248 = arith.minimumf %get3A_243, %get3A_247 : vector<16xf32>
        %swap3A_249 = arith.constant 16 : index
        %swap3A_250 = tpu.vector_load %arg20[%swap3A_249] {strides = array<i32>} : memref<32xf32, #tpu.memory_space<vmem>>, vector<16xf32>,
        tpu.vector_store %arg20[%swap3A_249], %min3A_248 {strides = array<i32>} : memref<32xf32, #tpu.memory_space<vmem>>, vector<16xf32>,
      }
      %scan3A_101 = arith.constant 320 : i32
      %get3A_102 = arith.constant 0 : index
      %get3A_103 = tpu.vector_load %arg20[%get3A_102] {strides = array<i32>} : memref<32xf32, #tpu.memory_space<vmem>>, vector<16xf32>,
      %reduce_max3A = arith.constant true
      %reduce_max3A_104 = vector.broadcast %reduce_max3A : i1 to vector<16xi1>
      %reduce_max3A_105 = tpu.scan <max>, %get3A_103 masked %reduce_max3A_104 : vector<16xf32>, vector<16xi1> -> vector<16xf32>
      %reduce_max3A_106 = vector.extract %reduce_max3A_105[15] : f32 from vector<16xf32>
      %get3A_107 = arith.constant 16 : index
      %get3A_108 = tpu.vector_load %arg20[%get3A_107] {strides = array<i32>} : memref<32xf32, #tpu.memory_space<vmem>>, vector<16xf32>,
      %reduce_max3A_109 = arith.constant true
      %reduce_max3A_110 = vector.broadcast %reduce_max3A_109 : i1 to vector<16xi1>
      %reduce_max3A_111 = tpu.scan <max>, %get3A_108 masked %reduce_max3A_110 : vector<16xf32>, vector<16xi1> -> vector<16xf32>
      %reduce_max3A_112 = vector.extract %reduce_max3A_111[15] : f32 from vector<16xf32>
      %max3A = arith.maximumf %reduce_max3A_106, %reduce_max3A_112 : f32
      %scan3A_113 = arith.constant 0 : i32
      %scan3A_114 = arith.constant 0 : i32
      %scan3A_115 = arith.constant 640 : i32
      %scan3A_116 = arith.addi %scan3A_114, %scan3A_115 : i32
      %scan3A_117 = arith.constant 1 : i32
      %scan3A_118 = scf.for %scan3A_229 = %scan3A_114 to %scan3A_116 step %scan3A_117 iter_args(%scan3A_230 = %scan3A_113) -> (i32)  : i32 {
        %mul3A_231 = arith.constant 16 : i32
        %mul3A_232 = arith.muli %scan3A_229, %mul3A_231 : i32
        %get3A_233 = arith.index_cast %mul3A_232 : i32 to index
        %get3A_234 = tpu.vector_load %arg16[%get3A_233] {strides = array<i32>} : memref<10240xf32, #tpu.memory_space<vmem>>, vector<16xf32>,
        %le3A = vector.broadcast %max3A : f32 to vector<16xf32>
        %le3A_235 = arith.cmpf ole, %get3A_234, %le3A : vector<16xf32>
        %jit3A_236 = arith.constant 1 : i32
        %jit3A_237 = arith.constant 0 : i32
        %broadcast_in_dim3A_238 = vector.broadcast %jit3A_236 : i32 to vector<16xi32>
        %broadcast_in_dim3A_239 = vector.broadcast %jit3A_237 : i32 to vector<16xi32>
        %select_n3A_240 = arith.select %le3A_235, %broadcast_in_dim3A_238, %broadcast_in_dim3A_239 : vector<16xi1>, vector<16xi32>
        %broadcast_in_dim3A_241 = arith.constant true
        %broadcast_in_dim3A_242 = vector.broadcast %broadcast_in_dim3A_241 : i1 to vector<16xi1>
        %masked_cumsum3A = tpu.scan <sum>, %select_n3A_240 masked %broadcast_in_dim3A_242 : vector<16xi32>, vector<16xi1> -> vector<16xi32>
        %add3A_243 = vector.broadcast %scan3A_230 : i32 to vector<16xi32>
        %add3A_244 = arith.addi %add3A_243, %masked_cumsum3A : vector<16xi32>
        %sub3A_245 = arith.subi %add3A_244, %select_n3A_240 : vector<16xi32>
        tpu.vector_store_idx %arg17[%sub3A_245], %get3A_234 masked %le3A_235 : memref<10256xf32, #tpu.memory_space<vmem>>[vector<16xi32>], vector<16xf32>, vector<16xi1>
        %mul3A_246 = arith.constant 16 : i32
        %mul3A_247 = arith.muli %scan3A_229, %mul3A_246 : i32
        %add3A_248 = vector.broadcast %mul3A_247 : i32 to vector<16xi32>
        %add3A_249 = arith.addi %add3A_248, %iota3A : vector<16xi32>
        tpu.vector_store_idx %arg18[%sub3A_245], %add3A_249 masked %le3A_235 : memref<10256xi32, #tpu.memory_space<vmem>>[vector<16xi32>], vector<16xi32>, vector<16xi1>
        %reduce_sum3A_250 = arith.constant true
        %reduce_sum3A_251 = vector.broadcast %reduce_sum3A_250 : i1 to vector<16xi1>
        %reduce_sum3A_252 = tpu.scan <sum>, %select_n3A_240 masked %reduce_sum3A_251 : vector<16xi32>, vector<16xi1> -> vector<16xi32>
        %reduce_sum3A_253 = vector.extract %reduce_sum3A_252[15] : i32 from vector<16xi32>
        %add3A_254 = arith.addi %scan3A_230, %reduce_sum3A_253 : i32
        scf.yield %add3A_254 : i32
      }
      %scan3A_119 = arith.constant 640 : i32
      %add3A_120 = vector.broadcast %scan3A_118 : i32 to vector<16xi32>
      %add3A_121 = arith.addi %add3A_120, %iota3A : vector<16xi32>
      tpu.vector_store_idx %arg17[%add3A_121], %broadcast_in_dim3A_1 : memref<10256xf32, #tpu.memory_space<vmem>>[vector<16xi32>], vector<16xf32>,
      %add3A_122 = arith.constant 16 : i32
      %add3A_123 = arith.addi %scan3A_118, %add3A_122 : i32
      %sub3A_124 = arith.constant 1 : i32
      %sub3A_125 = arith.subi %add3A_123, %sub3A_124 : i32
      %jit3A_126 = arith.constant 16 : i32
      %div3A_127 = arith.divsi %sub3A_125, %jit3A_126 : i32
      %sign3A_128 = arith.constant 0 : i32
      %sign3A_129 = arith.cmpi sgt, %sub3A_125, %sign3A_128 : i32
      %sign3A_130 = arith.extui %sign3A_129 : i1 to i32
      %sign3A_131 = arith.constant 0 : i32
      %sign3A_132 = arith.cmpi slt, %sub3A_125, %sign3A_131 : i32
      %sign3A_133 = arith.extui %sign3A_132 : i1 to i32
      %sign3A_134 = arith.subi %sign3A_130, %sign3A_133 : i32
      %sign3A_135 = arith.constant 0 : i32
      %sign3A_136 = arith.cmpi sgt, %jit3A_126, %sign3A_135 : i32
      %sign3A_137 = arith.extui %sign3A_136 : i1 to i32
      %sign3A_138 = arith.constant 0 : i32
      %sign3A_139 = arith.cmpi slt, %jit3A_126, %sign3A_138 : i32
      %sign3A_140 = arith.extui %sign3A_139 : i1 to i32
      %sign3A_141 = arith.subi %sign3A_137, %sign3A_140 : i32
      %ne3A_142 = arith.cmpi ne, %sign3A_134, %sign3A_141 : i32
      %rem3A_143 = arith.remsi %sub3A_125, %jit3A_126 : i32
      %ne3A_144 = arith.constant 0 : i32
      %ne3A_145 = arith.cmpi ne, %rem3A_143, %ne3A_144 : i32
      %and3A_146 = arith.andi %ne3A_142, %ne3A_145 : i1
      %sub3A_147 = arith.constant 1 : i32
      %sub3A_148 = arith.subi %div3A_127, %sub3A_147 : i32
      %select_n3A_149 = arith.select %and3A_146, %sub3A_148, %div3A_127 : i32
      %scan3A_150 = arith.constant 0 : i32
      %scan3A_151 = arith.constant 0 : i32
      %scan3A_152 = arith.constant 32 : i32
      %scan3A_153 = arith.addi %scan3A_151, %scan3A_152 : i32
      %scan3A_154 = arith.constant 1 : i32
      scf.for %scan3A_229 = %scan3A_151 to %scan3A_153 step %scan3A_154  : i32 {
        %while3A = arith.constant 0 : i32
        %while3A_230 = arith.constant 2.000000e+30 : f32
        %while3A_231 = arith.constant 0 : i32
        %while3A_232 = arith.subi %select_n3A_149, %while3A : i32
        %while3A_233 = arith.addi %while3A, %while3A_232 : i32
        %while3A_234 = arith.constant 1 : i32
        %while3A_235 = arith.divsi %while3A_232, %while3A_234 : i32
        %while3A_236 = arith.muli %while3A_235, %while3A_234 : i32
        %while3A_237 = arith.addi %while3A, %while3A_236 : i32
        %while3A_238 = arith.constant 1 : i32
        %while3A_239:2 = scf.for %while3A_297 = %while3A to %while3A_237 step %while3A_238 iter_args(%while3A_298 = %while3A_230, %while3A_299 = %while3A_231) -> (f32, i32)  : i32 {
          %mul3A_300 = arith.constant 16 : i32
          %mul3A_301 = arith.muli %while3A_297, %mul3A_300 : i32
          %get3A_302 = arith.index_cast %mul3A_301 : i32 to index
          %get3A_303 = tpu.vector_load %arg17[%get3A_302] {strides = array<i32>} : memref<10256xf32, #tpu.memory_space<vmem>>, vector<16xf32>,
          %reduce_min3A = arith.constant true
          %reduce_min3A_304 = vector.broadcast %reduce_min3A : i1 to vector<16xi1>
          %reduce_min3A_305 = tpu.scan <min>, %get3A_303 masked %reduce_min3A_304 : vector<16xf32>, vector<16xi1> -> vector<16xf32>
          %reduce_min3A_306 = vector.extract %reduce_min3A_305[15] : f32 from vector<16xf32>
          %lt3A = arith.cmpf olt, %reduce_min3A_306, %while3A_298 : f32
          %mul3A_307 = arith.constant 16 : i32
          %mul3A_308 = arith.muli %while3A_297, %mul3A_307 : i32
          %eq3A_309 = vector.broadcast %reduce_min3A_306 : f32 to vector<16xf32>
          %eq3A_310 = arith.cmpf oeq, %get3A_303, %eq3A_309 : vector<16xf32>
          %jit3A_311 = arith.constant 16 : i32
          %broadcast_in_dim3A_312 = vector.broadcast %jit3A_311 : i32 to vector<16xi32>
          %select_n3A_313 = arith.select %eq3A_310, %iota3A, %broadcast_in_dim3A_312 : vector<16xi1>, vector<16xi32>
          %reduce_min3A_314 = arith.constant true
          %reduce_min3A_315 = vector.broadcast %reduce_min3A_314 : i1 to vector<16xi1>
          %reduce_min3A_316 = arith.constant -2147483648 : i32
          %reduce_min3A_317 = vector.broadcast %reduce_min3A_316 : i32 to vector<16xi32>
          %reduce_min3A_318 = arith.xori %select_n3A_313, %reduce_min3A_317 : vector<16xi32>
          %reduce_min3A_319 = tpu.scan <min>, %reduce_min3A_318 masked %reduce_min3A_315 : vector<16xi32>, vector<16xi1> -> vector<16xi32>
          %reduce_min3A_320 = arith.xori %reduce_min3A_319, %reduce_min3A_317 : vector<16xi32>
          %reduce_min3A_321 = vector.extract %reduce_min3A_320[15] : i32 from vector<16xi32>
          %add3A_322 = arith.addi %mul3A_308, %reduce_min3A_321 : i32
          %select_n3A_323 = arith.select %lt3A, %reduce_min3A_306, %while3A_298 : f32
          %select_n3A_324 = arith.select %lt3A, %add3A_322, %while3A_299 : i32
          scf.yield %select_n3A_323, %select_n3A_324 : f32, i32
        }
        %while3A_240 = arith.constant 1 : i32
        %while3A_241:2 = scf.for %while3A_297 = %while3A_237 to %while3A_233 step %while3A_240 iter_args(%while3A_298 = %while3A_239#0, %while3A_299 = %while3A_239#1) -> (f32, i32)  : i32 {
          %mul3A_300 = arith.constant 16 : i32
          %mul3A_301 = arith.muli %while3A_297, %mul3A_300 : i32
          %get3A_302 = arith.index_cast %mul3A_301 : i32 to index
          %get3A_303 = tpu.vector_load %arg17[%get3A_302] {strides = array<i32>} : memref<10256xf32, #tpu.memory_space<vmem>>, vector<16xf32>,
          %reduce_min3A = arith.constant true
          %reduce_min3A_304 = vector.broadcast %reduce_min3A : i1 to vector<16xi1>
          %reduce_min3A_305 = tpu.scan <min>, %get3A_303 masked %reduce_min3A_304 : vector<16xf32>, vector<16xi1> -> vector<16xf32>
          %reduce_min3A_306 = vector.extract %reduce_min3A_305[15] : f32 from vector<16xf32>
          %lt3A = arith.cmpf olt, %reduce_min3A_306, %while3A_298 : f32
          %mul3A_307 = arith.constant 16 : i32
          %mul3A_308 = arith.muli %while3A_297, %mul3A_307 : i32
          %eq3A_309 = vector.broadcast %reduce_min3A_306 : f32 to vector<16xf32>
          %eq3A_310 = arith.cmpf oeq, %get3A_303, %eq3A_309 : vector<16xf32>
          %jit3A_311 = arith.constant 16 : i32
          %broadcast_in_dim3A_312 = vector.broadcast %jit3A_311 : i32 to vector<16xi32>
          %select_n3A_313 = arith.select %eq3A_310, %iota3A, %broadcast_in_dim3A_312 : vector<16xi1>, vector<16xi32>
          %reduce_min3A_314 = arith.constant true
          %reduce_min3A_315 = vector.broadcast %reduce_min3A_314 : i1 to vector<16xi1>
          %reduce_min3A_316 = arith.constant -2147483648 : i32
          %reduce_min3A_317 = vector.broadcast %reduce_min3A_316 : i32 to vector<16xi32>
          %reduce_min3A_318 = arith.xori %select_n3A_313, %reduce_min3A_317 : vector<16xi32>
          %reduce_min3A_319 = tpu.scan <min>, %reduce_min3A_318 masked %reduce_min3A_315 : vector<16xi32>, vector<16xi1> -> vector<16xi32>
          %reduce_min3A_320 = arith.xori %reduce_min3A_319, %reduce_min3A_317 : vector<16xi32>
          %reduce_min3A_321 = vector.extract %reduce_min3A_320[15] : i32 from vector<16xi32>
          %add3A_322 = arith.addi %mul3A_308, %reduce_min3A_321 : i32
          %select_n3A_323 = arith.select %lt3A, %reduce_min3A_306, %while3A_298 : f32
          %select_n3A_324 = arith.select %lt3A, %add3A_322, %while3A_299 : i32
          scf.yield %select_n3A_323, %select_n3A_324 : f32, i32
        }
        %jit3A_242 = arith.constant 16 : i32
        %div3A_243 = arith.divsi %while3A_241#1, %jit3A_242 : i32
        %sign3A_244 = arith.constant 0 : i32
        %sign3A_245 = arith.cmpi sgt, %while3A_241#1, %sign3A_244 : i32
        %sign3A_246 = arith.extui %sign3A_245 : i1 to i32
        %sign3A_247 = arith.constant 0 : i32
        %sign3A_248 = arith.cmpi slt, %while3A_241#1, %sign3A_247 : i32
        %sign3A_249 = arith.extui %sign3A_248 : i1 to i32
        %sign3A_250 = arith.subi %sign3A_246, %sign3A_249 : i32
        %sign3A_251 = arith.constant 0 : i32
        %sign3A_252 = arith.cmpi sgt, %jit3A_242, %sign3A_251 : i32
        %sign3A_253 = arith.extui %sign3A_252 : i1 to i32
        %sign3A_254 = arith.constant 0 : i32
        %sign3A_255 = arith.cmpi slt, %jit3A_242, %sign3A_254 : i32
        %sign3A_256 = arith.extui %sign3A_255 : i1 to i32
        %sign3A_257 = arith.subi %sign3A_253, %sign3A_256 : i32
        %ne3A_258 = arith.cmpi ne, %sign3A_250, %sign3A_257 : i32
        %rem3A_259 = arith.remsi %while3A_241#1, %jit3A_242 : i32
        %ne3A_260 = arith.constant 0 : i32
        %ne3A_261 = arith.cmpi ne, %rem3A_259, %ne3A_260 : i32
        %and3A_262 = arith.andi %ne3A_258, %ne3A_261 : i1
        %sub3A_263 = arith.constant 1 : i32
        %sub3A_264 = arith.subi %div3A_243, %sub3A_263 : i32
        %select_n3A_265 = arith.select %and3A_262, %sub3A_264, %div3A_243 : i32
        %mul3A_266 = arith.constant 16 : i32
        %mul3A_267 = arith.muli %select_n3A_265, %mul3A_266 : i32
        %sub3A_268 = arith.subi %while3A_241#1, %mul3A_267 : i32
        %eq3A_269 = vector.broadcast %sub3A_268 : i32 to vector<16xi32>
        %eq3A_270 = arith.cmpi eq, %iota3A, %eq3A_269 : vector<16xi32>
        %get3A_271 = arith.index_cast %mul3A_267 : i32 to index
        %get3A_272 = tpu.vector_load %arg17[%get3A_271] {strides = array<i32>} : memref<10256xf32, #tpu.memory_space<vmem>>, vector<16xf32>,
        %jit3A_273 = arith.constant 1.000000e+30 : f32
        %broadcast_in_dim3A_274 = vector.broadcast %jit3A_273 : f32 to vector<16xf32>
        %select_n3A_275 = arith.select %eq3A_270, %broadcast_in_dim3A_274, %get3A_272 : vector<16xi1>, vector<16xf32>
        %swap3A_276 = arith.index_cast %mul3A_267 : i32 to index
        %swap3A_277 = tpu.vector_load %arg17[%swap3A_276] {strides = array<i32>} : memref<10256xf32, #tpu.memory_space<vmem>>, vector<16xf32>,
        tpu.vector_store %arg17[%swap3A_276], %select_n3A_275 {strides = array<i32>} : memref<10256xf32, #tpu.memory_space<vmem>>, vector<16xf32>,
        %get3A_278 = arith.index_cast %mul3A_267 : i32 to index
        %get3A_279 = tpu.vector_load %arg18[%get3A_278] {strides = array<i32>} : memref<10256xi32, #tpu.memory_space<vmem>>, vector<16xi32>,
        %eq3A_280 = vector.broadcast %sub3A_268 : i32 to vector<16xi32>
        %eq3A_281 = arith.cmpi eq, %iota3A, %eq3A_280 : vector<16xi32>
        %jit3A_282 = arith.constant 1 : i32
        %jit3A_283 = arith.constant 0 : i32
        %broadcast_in_dim3A_284 = vector.broadcast %jit3A_282 : i32 to vector<16xi32>
        %broadcast_in_dim3A_285 = vector.broadcast %jit3A_283 : i32 to vector<16xi32>
        %select_n3A_286 = arith.select %eq3A_281, %broadcast_in_dim3A_284, %broadcast_in_dim3A_285 : vector<16xi1>, vector<16xi32>
        %mul3A_287 = arith.muli %get3A_279, %select_n3A_286 : vector<16xi32>
        %reduce_sum3A_288 = arith.constant true
        %reduce_sum3A_289 = vector.broadcast %reduce_sum3A_288 : i1 to vector<16xi1>
        %reduce_sum3A_290 = tpu.scan <sum>, %mul3A_287 masked %reduce_sum3A_289 : vector<16xi32>, vector<16xi1> -> vector<16xi32>
        %reduce_sum3A_291 = vector.extract %reduce_sum3A_290[15] : i32 from vector<16xi32>
        %broadcast_in_dim3A_292 = vector.broadcast %scan3A_229 : i32 to vector<16xi32>
        %broadcast_in_dim3A_293 = vector.broadcast %reduce_sum3A_291 : i32 to vector<16xi32>
        %eq3A_294 = arith.constant 0 : i32
        %eq3A_295 = vector.broadcast %eq3A_294 : i32 to vector<16xi32>
        %eq3A_296 = arith.cmpi eq, %iota3A, %eq3A_295 : vector<16xi32>
        tpu.vector_store_idx %arg21[%broadcast_in_dim3A_292], %broadcast_in_dim3A_293 masked %eq3A_296 : memref<32xi32, #tpu.memory_space<vmem>>[vector<16xi32>], vector<16xi32>, vector<16xi1>
      }
      %scan3A_155 = arith.constant 32 : i32
      %get3A_156 = arith.constant 0 : index
      %get3A_157 = tpu.vector_load %arg21[%get3A_156] {strides = array<i32>} : memref<32xi32, #tpu.memory_space<vmem>>, vector<16xi32>,
      %add3A_158 = arith.constant 0 : i32
      %add3A_159 = vector.broadcast %add3A_158 : i32 to vector<16xi32>
      %add3A_160 = arith.addi %add3A_159, %iota3A : vector<16xi32>
      %mul3A_161 = arith.constant 40 : i32
      %mul3A_162 = vector.broadcast %mul3A_161 : i32 to vector<16xi32>
      %mul3A_163 = arith.muli %add3A_160, %mul3A_162 : vector<16xi32>
      %add3A_164 = vector.broadcast %scan3A_43 : i32 to vector<16xi32>
      %add3A_165 = arith.addi %mul3A_163, %add3A_164 : vector<16xi32>
      %gather3A = tpu.vector_load_idx %arg10[%get3A_157] : memref<10240xf32, #tpu.memory_space<vmem>>[vector<16xi32>], vector<16xf32>,
      %sub3A_166 = vector.broadcast %reduce_sum3A_78 : f32 to vector<16xf32>
      %sub3A_167 = arith.subf %gather3A, %sub3A_166 : vector<16xf32>
      tpu.vector_store_idx %arg19[%add3A_165], %sub3A_167 : memref<7680xf32, #tpu.memory_space<vmem>>[vector<16xi32>], vector<16xf32>,
      %add3A_168 = arith.constant 1280 : i32
      %add3A_169 = vector.broadcast %add3A_168 : i32 to vector<16xi32>
      %add3A_170 = arith.addi %add3A_169, %add3A_165 : vector<16xi32>
      %gather3A_171 = tpu.vector_load_idx %arg11[%get3A_157] : memref<10240xf32, #tpu.memory_space<vmem>>[vector<16xi32>], vector<16xf32>,
      %sub3A_172 = vector.broadcast %reduce_sum3A_85 : f32 to vector<16xf32>
      %sub3A_173 = arith.subf %gather3A_171, %sub3A_172 : vector<16xf32>
      tpu.vector_store_idx %arg19[%add3A_170], %sub3A_173 : memref<7680xf32, #tpu.memory_space<vmem>>[vector<16xi32>], vector<16xf32>,
      %add3A_174 = arith.constant 2560 : i32
      %add3A_175 = vector.broadcast %add3A_174 : i32 to vector<16xi32>
      %add3A_176 = arith.addi %add3A_175, %add3A_165 : vector<16xi32>
      %gather3A_177 = tpu.vector_load_idx %arg12[%get3A_157] : memref<10240xf32, #tpu.memory_space<vmem>>[vector<16xi32>], vector<16xf32>,
      %sub3A_178 = vector.broadcast %reduce_sum3A_92 : f32 to vector<16xf32>
      %sub3A_179 = arith.subf %gather3A_177, %sub3A_178 : vector<16xf32>
      tpu.vector_store_idx %arg19[%add3A_176], %sub3A_179 : memref<7680xf32, #tpu.memory_space<vmem>>[vector<16xi32>], vector<16xf32>,
      %add3A_180 = arith.constant 3840 : i32
      %add3A_181 = vector.broadcast %add3A_180 : i32 to vector<16xi32>
      %add3A_182 = arith.addi %add3A_181, %add3A_165 : vector<16xi32>
      %gather3A_183 = tpu.vector_load_idx %arg13[%get3A_157] : memref<10240xf32, #tpu.memory_space<vmem>>[vector<16xi32>], vector<16xf32>,
      tpu.vector_store_idx %arg19[%add3A_182], %gather3A_183 : memref<7680xf32, #tpu.memory_space<vmem>>[vector<16xi32>], vector<16xf32>,
      %add3A_184 = arith.constant 5120 : i32
      %add3A_185 = vector.broadcast %add3A_184 : i32 to vector<16xi32>
      %add3A_186 = arith.addi %add3A_185, %add3A_165 : vector<16xi32>
      %gather3A_187 = tpu.vector_load_idx %arg14[%get3A_157] : memref<10240xf32, #tpu.memory_space<vmem>>[vector<16xi32>], vector<16xf32>,
      tpu.vector_store_idx %arg19[%add3A_186], %gather3A_187 : memref<7680xf32, #tpu.memory_space<vmem>>[vector<16xi32>], vector<16xf32>,
      %add3A_188 = arith.constant 6400 : i32
      %add3A_189 = vector.broadcast %add3A_188 : i32 to vector<16xi32>
      %add3A_190 = arith.addi %add3A_189, %add3A_165 : vector<16xi32>
      %gather3A_191 = tpu.vector_load_idx %arg15[%get3A_157] : memref<10240xf32, #tpu.memory_space<vmem>>[vector<16xi32>], vector<16xf32>,
      tpu.vector_store_idx %arg19[%add3A_190], %gather3A_191 : memref<7680xf32, #tpu.memory_space<vmem>>[vector<16xi32>], vector<16xf32>,
      %get3A_192 = arith.constant 16 : index
      %get3A_193 = tpu.vector_load %arg21[%get3A_192] {strides = array<i32>} : memref<32xi32, #tpu.memory_space<vmem>>, vector<16xi32>,
      %add3A_194 = arith.constant 16 : i32
      %add3A_195 = vector.broadcast %add3A_194 : i32 to vector<16xi32>
      %add3A_196 = arith.addi %add3A_195, %iota3A : vector<16xi32>
      %mul3A_197 = arith.constant 40 : i32
      %mul3A_198 = vector.broadcast %mul3A_197 : i32 to vector<16xi32>
      %mul3A_199 = arith.muli %add3A_196, %mul3A_198 : vector<16xi32>
      %add3A_200 = vector.broadcast %scan3A_43 : i32 to vector<16xi32>
      %add3A_201 = arith.addi %mul3A_199, %add3A_200 : vector<16xi32>
      %gather3A_202 = tpu.vector_load_idx %arg10[%get3A_193] : memref<10240xf32, #tpu.memory_space<vmem>>[vector<16xi32>], vector<16xf32>,
      %sub3A_203 = vector.broadcast %reduce_sum3A_78 : f32 to vector<16xf32>
      %sub3A_204 = arith.subf %gather3A_202, %sub3A_203 : vector<16xf32>
      tpu.vector_store_idx %arg19[%add3A_201], %sub3A_204 : memref<7680xf32, #tpu.memory_space<vmem>>[vector<16xi32>], vector<16xf32>,
      %add3A_205 = arith.constant 1280 : i32
      %add3A_206 = vector.broadcast %add3A_205 : i32 to vector<16xi32>
      %add3A_207 = arith.addi %add3A_206, %add3A_201 : vector<16xi32>
      %gather3A_208 = tpu.vector_load_idx %arg11[%get3A_193] : memref<10240xf32, #tpu.memory_space<vmem>>[vector<16xi32>], vector<16xf32>,
      %sub3A_209 = vector.broadcast %reduce_sum3A_85 : f32 to vector<16xf32>
      %sub3A_210 = arith.subf %gather3A_208, %sub3A_209 : vector<16xf32>
      tpu.vector_store_idx %arg19[%add3A_207], %sub3A_210 : memref<7680xf32, #tpu.memory_space<vmem>>[vector<16xi32>], vector<16xf32>,
      %add3A_211 = arith.constant 2560 : i32
      %add3A_212 = vector.broadcast %add3A_211 : i32 to vector<16xi32>
      %add3A_213 = arith.addi %add3A_212, %add3A_201 : vector<16xi32>
      %gather3A_214 = tpu.vector_load_idx %arg12[%get3A_193] : memref<10240xf32, #tpu.memory_space<vmem>>[vector<16xi32>], vector<16xf32>,
      %sub3A_215 = vector.broadcast %reduce_sum3A_92 : f32 to vector<16xf32>
      %sub3A_216 = arith.subf %gather3A_214, %sub3A_215 : vector<16xf32>
      tpu.vector_store_idx %arg19[%add3A_213], %sub3A_216 : memref<7680xf32, #tpu.memory_space<vmem>>[vector<16xi32>], vector<16xf32>,
      %add3A_217 = arith.constant 3840 : i32
      %add3A_218 = vector.broadcast %add3A_217 : i32 to vector<16xi32>
      %add3A_219 = arith.addi %add3A_218, %add3A_201 : vector<16xi32>
      %gather3A_220 = tpu.vector_load_idx %arg13[%get3A_193] : memref<10240xf32, #tpu.memory_space<vmem>>[vector<16xi32>], vector<16xf32>,
      tpu.vector_store_idx %arg19[%add3A_219], %gather3A_220 : memref<7680xf32, #tpu.memory_space<vmem>>[vector<16xi32>], vector<16xf32>,
      %add3A_221 = arith.constant 5120 : i32
      %add3A_222 = vector.broadcast %add3A_221 : i32 to vector<16xi32>
      %add3A_223 = arith.addi %add3A_222, %add3A_201 : vector<16xi32>
      %gather3A_224 = tpu.vector_load_idx %arg14[%get3A_193] : memref<10240xf32, #tpu.memory_space<vmem>>[vector<16xi32>], vector<16xf32>,
      tpu.vector_store_idx %arg19[%add3A_223], %gather3A_224 : memref<7680xf32, #tpu.memory_space<vmem>>[vector<16xi32>], vector<16xf32>,
      %add3A_225 = arith.constant 6400 : i32
      %add3A_226 = vector.broadcast %add3A_225 : i32 to vector<16xi32>
      %add3A_227 = arith.addi %add3A_226, %add3A_201 : vector<16xi32>
      %gather3A_228 = tpu.vector_load_idx %arg15[%get3A_193] : memref<10240xf32, #tpu.memory_space<vmem>>[vector<16xi32>], vector<16xf32>,
      tpu.vector_store_idx %arg19[%add3A_227], %gather3A_228 : memref<7680xf32, #tpu.memory_space<vmem>>[vector<16xi32>], vector<16xf32>,
    }
    %scan3A_6 = arith.constant 40 : i32
    %mul3A_7 = arith.constant 40 : i32
    %mul3A_8 = arith.muli %add3A, %mul3A_7 : i32
    %mul3A_9 = arith.constant 32 : i32
    %mul3A_10 = arith.muli %mul3A_8, %mul3A_9 : i32
    %add3A_11 = arith.constant 0 : i32
    %add3A_12 = arith.addi %add3A_11, %mul3A_10 : i32
    "tpu.region"() ({
      %run_scoped3A = tpu.sem_alloc : memref<!tpu.dma_semaphore, #tpu.memory_space<semaphore_mem>>
      %dma_start3A = arith.constant 0 : i32
      %dma_start3A_43 = tpu.memref_slice %arg19[%dma_start3A] : memref<7680xf32, #tpu.memory_space<vmem>> -> memref<1280xf32, #tpu.memory_space<vmem>>
      %dma_start3A_44 = tpu.memref_slice %arg9[%add3A_12] : memref<245760xf32, #tpu.memory_space<hbm>> -> memref<1280xf32, #tpu.memory_space<hbm>>
      %dma_start3A_45 = tpu.memref_slice %arg9[%add3A_12] : memref<245760xf32, #tpu.memory_space<hbm>> -> memref<1280xf32, #tpu.memory_space<hbm>>
      %dma_start3A_46 = arith.constant 0 : i32
      %dma_start3A_47 = tpu.memref_slice %arg19[%dma_start3A_46] : memref<7680xf32, #tpu.memory_space<vmem>> -> memref<1280xf32, #tpu.memory_space<vmem>>
      tpu.enqueue_dma source(%dma_start3A_47 : memref<1280xf32, #tpu.memory_space<vmem>>) target(%dma_start3A_45 : memref<1280xf32, #tpu.memory_space<hbm>>) target_semaphore(%run_scoped3A : memref<!tpu.dma_semaphore, #tpu.memory_space<semaphore_mem>>)
      %dma_wait3A = arith.constant 0 : i32
      %dma_wait3A_48 = tpu.memref_slice %arg19[%dma_wait3A] : memref<7680xf32, #tpu.memory_space<vmem>> -> memref<1280xf32, #tpu.memory_space<vmem>>
      %dma_wait3A_49 = tpu.memref_slice %arg9[%add3A_12] : memref<245760xf32, #tpu.memory_space<hbm>> -> memref<1280xf32, #tpu.memory_space<hbm>>
      %dma_wait3A_50 = tpu.memref_slice %arg9[%add3A_12] : memref<245760xf32, #tpu.memory_space<hbm>> -> memref<1280xf32, #tpu.memory_space<hbm>>
      %dma_wait3A_51 = arith.constant 0 : i32
      %dma_wait3A_52 = tpu.memref_slice %arg19[%dma_wait3A_51] : memref<7680xf32, #tpu.memory_space<vmem>> -> memref<1280xf32, #tpu.memory_space<vmem>>
      tpu.wait_dma2 semaphore(%run_scoped3A : memref<!tpu.dma_semaphore, #tpu.memory_space<semaphore_mem>>) src(%dma_wait3A_52 : memref<1280xf32, #tpu.memory_space<vmem>>) dst(%dma_wait3A_50 : memref<1280xf32, #tpu.memory_space<hbm>>)
      tpu.yield
    }) : () -> ()
    %mul3A_13 = arith.constant 40 : i32
    %mul3A_14 = arith.muli %add3A, %mul3A_13 : i32
    %mul3A_15 = arith.constant 32 : i32
    %mul3A_16 = arith.muli %mul3A_14, %mul3A_15 : i32
    %add3A_17 = arith.constant 40960 : i32
    %add3A_18 = arith.addi %add3A_17, %mul3A_16 : i32
    "tpu.region"() ({
      %run_scoped3A = tpu.sem_alloc : memref<!tpu.dma_semaphore, #tpu.memory_space<semaphore_mem>>
      %dma_start3A = arith.constant 1280 : i32
      %dma_start3A_43 = tpu.memref_slice %arg19[%dma_start3A] : memref<7680xf32, #tpu.memory_space<vmem>> -> memref<1280xf32, #tpu.memory_space<vmem>>
      %dma_start3A_44 = tpu.memref_slice %arg9[%add3A_18] : memref<245760xf32, #tpu.memory_space<hbm>> -> memref<1280xf32, #tpu.memory_space<hbm>>
      %dma_start3A_45 = tpu.memref_slice %arg9[%add3A_18] : memref<245760xf32, #tpu.memory_space<hbm>> -> memref<1280xf32, #tpu.memory_space<hbm>>
      %dma_start3A_46 = arith.constant 1280 : i32
      %dma_start3A_47 = tpu.memref_slice %arg19[%dma_start3A_46] : memref<7680xf32, #tpu.memory_space<vmem>> -> memref<1280xf32, #tpu.memory_space<vmem>>
      tpu.enqueue_dma source(%dma_start3A_47 : memref<1280xf32, #tpu.memory_space<vmem>>) target(%dma_start3A_45 : memref<1280xf32, #tpu.memory_space<hbm>>) target_semaphore(%run_scoped3A : memref<!tpu.dma_semaphore, #tpu.memory_space<semaphore_mem>>)
      %dma_wait3A = arith.constant 1280 : i32
      %dma_wait3A_48 = tpu.memref_slice %arg19[%dma_wait3A] : memref<7680xf32, #tpu.memory_space<vmem>> -> memref<1280xf32, #tpu.memory_space<vmem>>
      %dma_wait3A_49 = tpu.memref_slice %arg9[%add3A_18] : memref<245760xf32, #tpu.memory_space<hbm>> -> memref<1280xf32, #tpu.memory_space<hbm>>
      %dma_wait3A_50 = tpu.memref_slice %arg9[%add3A_18] : memref<245760xf32, #tpu.memory_space<hbm>> -> memref<1280xf32, #tpu.memory_space<hbm>>
      %dma_wait3A_51 = arith.constant 1280 : i32
      %dma_wait3A_52 = tpu.memref_slice %arg19[%dma_wait3A_51] : memref<7680xf32, #tpu.memory_space<vmem>> -> memref<1280xf32, #tpu.memory_space<vmem>>
      tpu.wait_dma2 semaphore(%run_scoped3A : memref<!tpu.dma_semaphore, #tpu.memory_space<semaphore_mem>>) src(%dma_wait3A_52 : memref<1280xf32, #tpu.memory_space<vmem>>) dst(%dma_wait3A_50 : memref<1280xf32, #tpu.memory_space<hbm>>)
      tpu.yield
    }) : () -> ()
    %mul3A_19 = arith.constant 40 : i32
    %mul3A_20 = arith.muli %add3A, %mul3A_19 : i32
    %mul3A_21 = arith.constant 32 : i32
    %mul3A_22 = arith.muli %mul3A_20, %mul3A_21 : i32
    %add3A_23 = arith.constant 81920 : i32
    %add3A_24 = arith.addi %add3A_23, %mul3A_22 : i32
    "tpu.region"() ({
      %run_scoped3A = tpu.sem_alloc : memref<!tpu.dma_semaphore, #tpu.memory_space<semaphore_mem>>
      %dma_start3A = arith.constant 2560 : i32
      %dma_start3A_43 = tpu.memref_slice %arg19[%dma_start3A] : memref<7680xf32, #tpu.memory_space<vmem>> -> memref<1280xf32, #tpu.memory_space<vmem>>
      %dma_start3A_44 = tpu.memref_slice %arg9[%add3A_24] : memref<245760xf32, #tpu.memory_space<hbm>> -> memref<1280xf32, #tpu.memory_space<hbm>>
      %dma_start3A_45 = tpu.memref_slice %arg9[%add3A_24] : memref<245760xf32, #tpu.memory_space<hbm>> -> memref<1280xf32, #tpu.memory_space<hbm>>
      %dma_start3A_46 = arith.constant 2560 : i32
      %dma_start3A_47 = tpu.memref_slice %arg19[%dma_start3A_46] : memref<7680xf32, #tpu.memory_space<vmem>> -> memref<1280xf32, #tpu.memory_space<vmem>>
      tpu.enqueue_dma source(%dma_start3A_47 : memref<1280xf32, #tpu.memory_space<vmem>>) target(%dma_start3A_45 : memref<1280xf32, #tpu.memory_space<hbm>>) target_semaphore(%run_scoped3A : memref<!tpu.dma_semaphore, #tpu.memory_space<semaphore_mem>>)
      %dma_wait3A = arith.constant 2560 : i32
      %dma_wait3A_48 = tpu.memref_slice %arg19[%dma_wait3A] : memref<7680xf32, #tpu.memory_space<vmem>> -> memref<1280xf32, #tpu.memory_space<vmem>>
      %dma_wait3A_49 = tpu.memref_slice %arg9[%add3A_24] : memref<245760xf32, #tpu.memory_space<hbm>> -> memref<1280xf32, #tpu.memory_space<hbm>>
      %dma_wait3A_50 = tpu.memref_slice %arg9[%add3A_24] : memref<245760xf32, #tpu.memory_space<hbm>> -> memref<1280xf32, #tpu.memory_space<hbm>>
      %dma_wait3A_51 = arith.constant 2560 : i32
      %dma_wait3A_52 = tpu.memref_slice %arg19[%dma_wait3A_51] : memref<7680xf32, #tpu.memory_space<vmem>> -> memref<1280xf32, #tpu.memory_space<vmem>>
      tpu.wait_dma2 semaphore(%run_scoped3A : memref<!tpu.dma_semaphore, #tpu.memory_space<semaphore_mem>>) src(%dma_wait3A_52 : memref<1280xf32, #tpu.memory_space<vmem>>) dst(%dma_wait3A_50 : memref<1280xf32, #tpu.memory_space<hbm>>)
      tpu.yield
    }) : () -> ()
    %mul3A_25 = arith.constant 40 : i32
    %mul3A_26 = arith.muli %add3A, %mul3A_25 : i32
    %mul3A_27 = arith.constant 32 : i32
    %mul3A_28 = arith.muli %mul3A_26, %mul3A_27 : i32
    %add3A_29 = arith.constant 122880 : i32
    %add3A_30 = arith.addi %add3A_29, %mul3A_28 : i32
    "tpu.region"() ({
      %run_scoped3A = tpu.sem_alloc : memref<!tpu.dma_semaphore, #tpu.memory_space<semaphore_mem>>
      %dma_start3A = arith.constant 3840 : i32
      %dma_start3A_43 = tpu.memref_slice %arg19[%dma_start3A] : memref<7680xf32, #tpu.memory_space<vmem>> -> memref<1280xf32, #tpu.memory_space<vmem>>
      %dma_start3A_44 = tpu.memref_slice %arg9[%add3A_30] : memref<245760xf32, #tpu.memory_space<hbm>> -> memref<1280xf32, #tpu.memory_space<hbm>>
      %dma_start3A_45 = tpu.memref_slice %arg9[%add3A_30] : memref<245760xf32, #tpu.memory_space<hbm>> -> memref<1280xf32, #tpu.memory_space<hbm>>
      %dma_start3A_46 = arith.constant 3840 : i32
      %dma_start3A_47 = tpu.memref_slice %arg19[%dma_start3A_46] : memref<7680xf32, #tpu.memory_space<vmem>> -> memref<1280xf32, #tpu.memory_space<vmem>>
      tpu.enqueue_dma source(%dma_start3A_47 : memref<1280xf32, #tpu.memory_space<vmem>>) target(%dma_start3A_45 : memref<1280xf32, #tpu.memory_space<hbm>>) target_semaphore(%run_scoped3A : memref<!tpu.dma_semaphore, #tpu.memory_space<semaphore_mem>>)
      %dma_wait3A = arith.constant 3840 : i32
      %dma_wait3A_48 = tpu.memref_slice %arg19[%dma_wait3A] : memref<7680xf32, #tpu.memory_space<vmem>> -> memref<1280xf32, #tpu.memory_space<vmem>>
      %dma_wait3A_49 = tpu.memref_slice %arg9[%add3A_30] : memref<245760xf32, #tpu.memory_space<hbm>> -> memref<1280xf32, #tpu.memory_space<hbm>>
      %dma_wait3A_50 = tpu.memref_slice %arg9[%add3A_30] : memref<245760xf32, #tpu.memory_space<hbm>> -> memref<1280xf32, #tpu.memory_space<hbm>>
      %dma_wait3A_51 = arith.constant 3840 : i32
      %dma_wait3A_52 = tpu.memref_slice %arg19[%dma_wait3A_51] : memref<7680xf32, #tpu.memory_space<vmem>> -> memref<1280xf32, #tpu.memory_space<vmem>>
      tpu.wait_dma2 semaphore(%run_scoped3A : memref<!tpu.dma_semaphore, #tpu.memory_space<semaphore_mem>>) src(%dma_wait3A_52 : memref<1280xf32, #tpu.memory_space<vmem>>) dst(%dma_wait3A_50 : memref<1280xf32, #tpu.memory_space<hbm>>)
      tpu.yield
    }) : () -> ()
    %mul3A_31 = arith.constant 40 : i32
    %mul3A_32 = arith.muli %add3A, %mul3A_31 : i32
    %mul3A_33 = arith.constant 32 : i32
    %mul3A_34 = arith.muli %mul3A_32, %mul3A_33 : i32
    %add3A_35 = arith.constant 163840 : i32
    %add3A_36 = arith.addi %add3A_35, %mul3A_34 : i32
    "tpu.region"() ({
      %run_scoped3A = tpu.sem_alloc : memref<!tpu.dma_semaphore, #tpu.memory_space<semaphore_mem>>
      %dma_start3A = arith.constant 5120 : i32
      %dma_start3A_43 = tpu.memref_slice %arg19[%dma_start3A] : memref<7680xf32, #tpu.memory_space<vmem>> -> memref<1280xf32, #tpu.memory_space<vmem>>
      %dma_start3A_44 = tpu.memref_slice %arg9[%add3A_36] : memref<245760xf32, #tpu.memory_space<hbm>> -> memref<1280xf32, #tpu.memory_space<hbm>>
      %dma_start3A_45 = tpu.memref_slice %arg9[%add3A_36] : memref<245760xf32, #tpu.memory_space<hbm>> -> memref<1280xf32, #tpu.memory_space<hbm>>
      %dma_start3A_46 = arith.constant 5120 : i32
      %dma_start3A_47 = tpu.memref_slice %arg19[%dma_start3A_46] : memref<7680xf32, #tpu.memory_space<vmem>> -> memref<1280xf32, #tpu.memory_space<vmem>>
      tpu.enqueue_dma source(%dma_start3A_47 : memref<1280xf32, #tpu.memory_space<vmem>>) target(%dma_start3A_45 : memref<1280xf32, #tpu.memory_space<hbm>>) target_semaphore(%run_scoped3A : memref<!tpu.dma_semaphore, #tpu.memory_space<semaphore_mem>>)
      %dma_wait3A = arith.constant 5120 : i32
      %dma_wait3A_48 = tpu.memref_slice %arg19[%dma_wait3A] : memref<7680xf32, #tpu.memory_space<vmem>> -> memref<1280xf32, #tpu.memory_space<vmem>>
      %dma_wait3A_49 = tpu.memref_slice %arg9[%add3A_36] : memref<245760xf32, #tpu.memory_space<hbm>> -> memref<1280xf32, #tpu.memory_space<hbm>>
      %dma_wait3A_50 = tpu.memref_slice %arg9[%add3A_36] : memref<245760xf32, #tpu.memory_space<hbm>> -> memref<1280xf32, #tpu.memory_space<hbm>>
      %dma_wait3A_51 = arith.constant 5120 : i32
      %dma_wait3A_52 = tpu.memref_slice %arg19[%dma_wait3A_51] : memref<7680xf32, #tpu.memory_space<vmem>> -> memref<1280xf32, #tpu.memory_space<vmem>>
      tpu.wait_dma2 semaphore(%run_scoped3A : memref<!tpu.dma_semaphore, #tpu.memory_space<semaphore_mem>>) src(%dma_wait3A_52 : memref<1280xf32, #tpu.memory_space<vmem>>) dst(%dma_wait3A_50 : memref<1280xf32, #tpu.memory_space<hbm>>)
      tpu.yield
    }) : () -> ()
    %mul3A_37 = arith.constant 40 : i32
    %mul3A_38 = arith.muli %add3A, %mul3A_37 : i32
    %mul3A_39 = arith.constant 32 : i32
    %mul3A_40 = arith.muli %mul3A_38, %mul3A_39 : i32
    %add3A_41 = arith.constant 204800 : i32
    %add3A_42 = arith.addi %add3A_41, %mul3A_40 : i32
    "tpu.region"() ({
      %run_scoped3A = tpu.sem_alloc : memref<!tpu.dma_semaphore, #tpu.memory_space<semaphore_mem>>
      %dma_start3A = arith.constant 6400 : i32
      %dma_start3A_43 = tpu.memref_slice %arg19[%dma_start3A] : memref<7680xf32, #tpu.memory_space<vmem>> -> memref<1280xf32, #tpu.memory_space<vmem>>
      %dma_start3A_44 = tpu.memref_slice %arg9[%add3A_42] : memref<245760xf32, #tpu.memory_space<hbm>> -> memref<1280xf32, #tpu.memory_space<hbm>>
      %dma_start3A_45 = tpu.memref_slice %arg9[%add3A_42] : memref<245760xf32, #tpu.memory_space<hbm>> -> memref<1280xf32, #tpu.memory_space<hbm>>
      %dma_start3A_46 = arith.constant 6400 : i32
      %dma_start3A_47 = tpu.memref_slice %arg19[%dma_start3A_46] : memref<7680xf32, #tpu.memory_space<vmem>> -> memref<1280xf32, #tpu.memory_space<vmem>>
      tpu.enqueue_dma source(%dma_start3A_47 : memref<1280xf32, #tpu.memory_space<vmem>>) target(%dma_start3A_45 : memref<1280xf32, #tpu.memory_space<hbm>>) target_semaphore(%run_scoped3A : memref<!tpu.dma_semaphore, #tpu.memory_space<semaphore_mem>>)
      %dma_wait3A = arith.constant 6400 : i32
      %dma_wait3A_48 = tpu.memref_slice %arg19[%dma_wait3A] : memref<7680xf32, #tpu.memory_space<vmem>> -> memref<1280xf32, #tpu.memory_space<vmem>>
      %dma_wait3A_49 = tpu.memref_slice %arg9[%add3A_42] : memref<245760xf32, #tpu.memory_space<hbm>> -> memref<1280xf32, #tpu.memory_space<hbm>>
      %dma_wait3A_50 = tpu.memref_slice %arg9[%add3A_42] : memref<245760xf32, #tpu.memory_space<hbm>> -> memref<1280xf32, #tpu.memory_space<hbm>>
      %dma_wait3A_51 = arith.constant 6400 : i32
      %dma_wait3A_52 = tpu.memref_slice %arg19[%dma_wait3A_51] : memref<7680xf32, #tpu.memory_space<vmem>> -> memref<1280xf32, #tpu.memory_space<vmem>>
      tpu.wait_dma2 semaphore(%run_scoped3A : memref<!tpu.dma_semaphore, #tpu.memory_space<semaphore_mem>>) src(%dma_wait3A_52 : memref<1280xf32, #tpu.memory_space<vmem>>) dst(%dma_wait3A_50 : memref<1280xf32, #tpu.memory_space<hbm>>)
      tpu.yield
    }) : () -> ()
    return
  }
}

module attributes {stable_mosaic.version = 14 : i64} {
  func.func @_d2_kernel(%arg0: i32, %arg1: memref<128x3xf32, #tpu.memory_space<vmem>>, %arg2: memref<3x10240xf32, #tpu.memory_space<vmem>>, %arg3: memref<128x10240xf32, #tpu.memory_space<vmem>>) attributes {dimension_semantics = [#tpu.dimension_semantics<arbitrary>], iteration_bounds = array<i64: 16>, scalar_prefetch = 0 : i64, scratch_operands = 0 : i64, tpu.core_type = #tpu.core_type<tc>, window_params = [{transform_indices = @transform_0, window_bounds = array<i64: 128, 3>}, {pipeline_mode = #tpu.pipeline_mode<synchronous>, transform_indices = @transform_1, window_bounds = array<i64: 3, 10240>}, {transform_indices = @transform_2, window_bounds = array<i64: 128, 10240>}]} {
    %get3A = arith.constant 0 : index
    %get3A_0 = arith.constant 0 : index
    %get3A_1 = vector.load %arg1[%get3A, %get3A_0] : memref<128x3xf32, #tpu.memory_space<vmem>>, vector<128x3xf32>
    %get3A_2 = arith.constant 0 : index
    %get3A_3 = arith.constant 0 : index
    %get3A_4 = vector.load %arg2[%get3A_2, %get3A_3] : memref<3x10240xf32, #tpu.memory_space<vmem>>, vector<3x10240xf32>
    %mul3A = arith.mulf %get3A_1, %get3A_1 : vector<128x3xf32>
    %reduce_sum3A = arith.constant dense<0.000000e+00> : vector<128xf32>
    %reduce_sum3A_5 = vector.multi_reduction <add>, %mul3A, %reduce_sum3A [1] : vector<128x3xf32> to vector<128xf32>
    %broadcast_in_dim3A = vector.shape_cast %reduce_sum3A_5 : vector<128xf32> to vector<128x1xf32>
    %mul3A_6 = arith.mulf %get3A_4, %get3A_4 : vector<3x10240xf32>
    %reduce_sum3A_7 = arith.constant dense<0.000000e+00> : vector<10240xf32>
    %reduce_sum3A_8 = vector.multi_reduction <add>, %mul3A_6, %reduce_sum3A_7 [0] : vector<3x10240xf32> to vector<10240xf32>
    %broadcast_in_dim3A_9 = vector.shape_cast %reduce_sum3A_8 : vector<10240xf32> to vector<1x10240xf32>
    %add3A = vector.broadcast %broadcast_in_dim3A : vector<128x1xf32> to vector<128x10240xf32>
    %add3A_10 = vector.broadcast %broadcast_in_dim3A_9 : vector<1x10240xf32> to vector<128x10240xf32>
    %add3A_11 = arith.addf %add3A, %add3A_10 : vector<128x10240xf32>
    %dot_general3A = arith.constant dense<0.000000e+00> : vector<128x10240xf32>
    %dot_general3A_12 = tpu.matmul %get3A_1, %get3A_4, %dot_general3A {dimension_numbers = #tpu.dot_dimension_numbers<[1], [0], [0], [1], [0, 0, 1, 1], [], []>, transpose_lhs_hint = false} : vector<128x3xf32>, vector<3x10240xf32>, vector<128x10240xf32> -> vector<128x10240xf32>
    %mul3A_13 = arith.constant 2.000000e+00 : f32
    %mul3A_14 = vector.broadcast %mul3A_13 : f32 to vector<128x10240xf32>
    %mul3A_15 = arith.mulf %mul3A_14, %dot_general3A_12 : vector<128x10240xf32>
    %sub3A = arith.subf %add3A_11, %mul3A_15 : vector<128x10240xf32>
    %swap3A = arith.constant 0 : index
    %swap3A_16 = arith.constant 0 : index
    %swap3A_17 = vector.load %arg3[%swap3A, %swap3A_16] : memref<128x10240xf32, #tpu.memory_space<vmem>>, vector<128x10240xf32>
    tpu.vector_store %arg3[%swap3A, %swap3A_16], %sub3A {strides = array<i32>} : memref<128x10240xf32, #tpu.memory_space<vmem>>, vector<128x10240xf32>,
    return
  }
  func.func @transform_0(%arg0: i32) -> (i32, i32) {
    %c0_i32 = arith.constant 0 : i32
    %c0_i32_0 = arith.constant 0 : i32
    return %arg0, %c0_i32 : i32, i32
  }
  func.func @transform_1(%arg0: i32) -> (i32, i32) {
    %c0_i32 = arith.constant 0 : i32
    %c0_i32_0 = arith.constant 0 : i32
    %c0_i32_1 = arith.constant 0 : i32
    return %c0_i32, %c0_i32_0 : i32, i32
  }
  func.func @transform_2(%arg0: i32) -> (i32, i32) {
    %c0_i32 = arith.constant 0 : i32
    %c0_i32_0 = arith.constant 0 : i32
    return %arg0, %c0_i32 : i32, i32
  }
}

module attributes {stable_mosaic.version = 14 : i64} {
  func.func @_sa_kernel(%arg0: i32, %arg1: memref<128x3xf32, #tpu.memory_space<vmem>>, %arg2: memref<3x10240xf32, #tpu.memory_space<vmem>>, %arg3: memref<10240x6xf32, #tpu.memory_space<vmem>>, %arg4: memref<6x64xf32, #tpu.memory_space<vmem>>, %arg5: memref<1x64xf32, #tpu.memory_space<vmem>>, %arg6: memref<64x64xf32, #tpu.memory_space<vmem>>, %arg7: memref<1x64xf32, #tpu.memory_space<vmem>>, %arg8: memref<64x128xf32, #tpu.memory_space<vmem>>, %arg9: memref<1x128xf32, #tpu.memory_space<vmem>>, %arg10: memref<128x128xf32, #tpu.memory_space<vmem>>, %arg11: memref<4096x6xf32, #tpu.memory_space<vmem>>) attributes {dimension_semantics = [#tpu.dimension_semantics<arbitrary>], iteration_bounds = array<i64: 6>, scalar_prefetch = 0 : i64, scratch_operands = 1 : i64, tpu.core_type = #tpu.core_type<tc>, window_params = [{transform_indices = @transform_0, window_bounds = array<i64: 128, 3>}, {pipeline_mode = #tpu.pipeline_mode<synchronous>, transform_indices = @transform_1, window_bounds = array<i64: 3, 10240>}, {pipeline_mode = #tpu.pipeline_mode<synchronous>, transform_indices = @transform_2, window_bounds = array<i64: 10240, 6>}, {pipeline_mode = #tpu.pipeline_mode<synchronous>, transform_indices = @transform_3, window_bounds = array<i64: 6, 64>}, {pipeline_mode = #tpu.pipeline_mode<synchronous>, transform_indices = @transform_4, window_bounds = array<i64: 1, 64>}, {pipeline_mode = #tpu.pipeline_mode<synchronous>, transform_indices = @transform_5, window_bounds = array<i64: 64, 64>}, {pipeline_mode = #tpu.pipeline_mode<synchronous>, transform_indices = @transform_6, window_bounds = array<i64: 1, 64>}, {pipeline_mode = #tpu.pipeline_mode<synchronous>, transform_indices = @transform_7, window_bounds = array<i64: 64, 128>}, {pipeline_mode = #tpu.pipeline_mode<synchronous>, transform_indices = @transform_8, window_bounds = array<i64: 1, 128>}, {transform_indices = @transform_9, window_bounds = array<i64: 128, 128>}]} {
    %get3A = arith.constant 0 : index
    %get3A_0 = arith.constant 0 : index
    %get3A_1 = vector.load %arg1[%get3A, %get3A_0] : memref<128x3xf32, #tpu.memory_space<vmem>>, vector<128x3xf32>
    %get3A_2 = arith.constant 0 : index
    %get3A_3 = arith.constant 0 : index
    %get3A_4 = vector.load %arg2[%get3A_2, %get3A_3] : memref<3x10240xf32, #tpu.memory_space<vmem>>, vector<3x10240xf32>
    %get3A_5 = arith.constant 0 : index
    %get3A_6 = arith.constant 0 : index
    %get3A_7 = vector.load %arg3[%get3A_5, %get3A_6] : memref<10240x6xf32, #tpu.memory_space<vmem>>, vector<10240x6xf32>
    %mul3A = arith.mulf %get3A_1, %get3A_1 : vector<128x3xf32>
    %reduce_sum3A = arith.constant dense<0.000000e+00> : vector<128xf32>
    %reduce_sum3A_8 = vector.multi_reduction <add>, %mul3A, %reduce_sum3A [1] : vector<128x3xf32> to vector<128xf32>
    %broadcast_in_dim3A = vector.shape_cast %reduce_sum3A_8 : vector<128xf32> to vector<128x1xf32>
    %mul3A_9 = arith.mulf %get3A_4, %get3A_4 : vector<3x10240xf32>
    %reduce_sum3A_10 = arith.constant dense<0.000000e+00> : vector<10240xf32>
    %reduce_sum3A_11 = vector.multi_reduction <add>, %mul3A_9, %reduce_sum3A_10 [0] : vector<3x10240xf32> to vector<10240xf32>
    %broadcast_in_dim3A_12 = vector.shape_cast %reduce_sum3A_11 : vector<10240xf32> to vector<1x10240xf32>
    %add3A = vector.broadcast %broadcast_in_dim3A : vector<128x1xf32> to vector<128x10240xf32>
    %add3A_13 = vector.broadcast %broadcast_in_dim3A_12 : vector<1x10240xf32> to vector<128x10240xf32>
    %add3A_14 = arith.addf %add3A, %add3A_13 : vector<128x10240xf32>
    %dot_general3A = arith.constant dense<0.000000e+00> : vector<128x10240xf32>
    %dot_general3A_15 = tpu.matmul %get3A_1, %get3A_4, %dot_general3A {dimension_numbers = #tpu.dot_dimension_numbers<[1], [0], [0], [1], [0, 0, 1, 1], [], []>, transpose_lhs_hint = false} : vector<128x3xf32>, vector<3x10240xf32>, vector<128x10240xf32> -> vector<128x10240xf32>
    %mul3A_16 = arith.constant 2.000000e+00 : f32
    %mul3A_17 = vector.broadcast %mul3A_16 : f32 to vector<128x10240xf32>
    %mul3A_18 = arith.mulf %mul3A_17, %dot_general3A_15 : vector<128x10240xf32>
    %sub3A = arith.subf %add3A_14, %mul3A_18 : vector<128x10240xf32>
    %iota3A = tpu.iota {dimensions = array<i32: 1>} : vector<1x10240xi32>
    %broadcast_in_dim3A_19 = arith.constant 0.000000e+00 : f32
    %broadcast_in_dim3A_20 = vector.broadcast %broadcast_in_dim3A_19 : f32 to vector<128x3xf32>
    %concatenate3A = tpu.concatenate %get3A_1, %broadcast_in_dim3A_20 in 1 : vector<128x3xf32>, vector<128x3xf32> -> vector<128x6xf32>
    %scan3A = arith.constant 0 : i32
    %scan3A_21 = arith.constant 32 : i32
    %scan3A_22 = arith.addi %scan3A, %scan3A_21 : i32
    %scan3A_23 = arith.constant 1 : i32
    %scan3A_24 = scf.for %scan3A_70 = %scan3A to %scan3A_22 step %scan3A_23 iter_args(%scan3A_71 = %sub3A) -> (vector<128x10240xf32>)  : i32 {
      %argmin3A = tpu.reduce_index %scan3A_71 {axis = 1 : i32, kind = #tpu.reduction_kind<arg_min>} : vector<128x10240xf32> -> vector<128xi32>
      %broadcast_in_dim3A_72 = vector.shape_cast %argmin3A : vector<128xi32> to vector<128x1xi32>
      %eq3A = vector.broadcast %iota3A : vector<1x10240xi32> to vector<128x10240xi32>
      %eq3A_73 = vector.broadcast %broadcast_in_dim3A_72 : vector<128x1xi32> to vector<128x10240xi32>
      %eq3A_74 = arith.cmpi eq, %eq3A, %eq3A_73 : vector<128x10240xi32>
      %convert_element_type3A = arith.extui %eq3A_74 : vector<128x10240xi1> to vector<128x10240xi32>
      %convert_element_type3A_75 = arith.sitofp %convert_element_type3A : vector<128x10240xi32> to vector<128x10240xf32>
      %dot_general3A_76 = arith.constant dense<0.000000e+00> : vector<128x6xf32>
      %dot_general3A_77 = tpu.matmul %convert_element_type3A_75, %get3A_7, %dot_general3A_76 {dimension_numbers = #tpu.dot_dimension_numbers<[1], [0], [0], [1], [0, 0, 1, 1], [], []>, transpose_lhs_hint = false} : vector<128x10240xf32>, vector<10240x6xf32>, vector<128x6xf32> -> vector<128x6xf32>
      %sub3A_78 = arith.subf %dot_general3A_77, %concatenate3A : vector<128x6xf32>
      %mul3A_79 = arith.constant 128 : i32
      %mul3A_80 = arith.muli %scan3A_70, %mul3A_79 : i32
      %swap3A_81 = arith.index_cast %mul3A_80 : i32 to index
      %swap3A_82 = arith.constant 0 : index
      %swap3A_83 = vector.load %arg11[%swap3A_81, %swap3A_82] : memref<4096x6xf32, #tpu.memory_space<vmem>>, vector<128x6xf32>
      tpu.vector_store %arg11[%swap3A_81, %swap3A_82], %sub3A_78 {strides = array<i32>} : memref<4096x6xf32, #tpu.memory_space<vmem>>, vector<128x6xf32>,
      %mul3A_84 = arith.constant 1.000000e+30 : f32
      %mul3A_85 = vector.broadcast %mul3A_84 : f32 to vector<128x10240xf32>
      %mul3A_86 = arith.mulf %convert_element_type3A_75, %mul3A_85 : vector<128x10240xf32>
      %add3A_87 = arith.addf %scan3A_71, %mul3A_86 : vector<128x10240xf32>
      scf.yield %add3A_87 : vector<128x10240xf32>
    }
    %scan3A_25 = arith.constant 32 : i32
    %get3A_26 = arith.constant 0 : index
    %get3A_27 = arith.constant 0 : index
    %get3A_28 = vector.load %arg11[%get3A_26, %get3A_27] : memref<4096x6xf32, #tpu.memory_space<vmem>>, vector<4096x6xf32>
    %get3A_29 = arith.constant 0 : index
    %get3A_30 = arith.constant 0 : index
    %get3A_31 = vector.load %arg4[%get3A_29, %get3A_30] : memref<6x64xf32, #tpu.memory_space<vmem>>, vector<6x64xf32>
    %dot_general3A_32 = arith.constant dense<0.000000e+00> : vector<4096x64xf32>
    %dot_general3A_33 = tpu.matmul %get3A_28, %get3A_31, %dot_general3A_32 {dimension_numbers = #tpu.dot_dimension_numbers<[1], [0], [0], [1], [0, 0, 1, 1], [], []>, transpose_lhs_hint = false} : vector<4096x6xf32>, vector<6x64xf32>, vector<4096x64xf32> -> vector<4096x64xf32>
    %get3A_34 = arith.constant 0 : index
    %get3A_35 = arith.constant 0 : index
    %get3A_36 = vector.load %arg5[%get3A_34, %get3A_35] : memref<1x64xf32, #tpu.memory_space<vmem>>, vector<1x64xf32>
    %add3A_37 = vector.broadcast %get3A_36 : vector<1x64xf32> to vector<4096x64xf32>
    %add3A_38 = arith.addf %dot_general3A_33, %add3A_37 : vector<4096x64xf32>
    %max3A = arith.constant 0.000000e+00 : f32
    %max3A_39 = vector.broadcast %max3A : f32 to vector<4096x64xf32>
    %max3A_40 = arith.maximumf %add3A_38, %max3A_39 : vector<4096x64xf32>
    %get3A_41 = arith.constant 0 : index
    %get3A_42 = arith.constant 0 : index
    %get3A_43 = vector.load %arg6[%get3A_41, %get3A_42] : memref<64x64xf32, #tpu.memory_space<vmem>>, vector<64x64xf32>
    %dot_general3A_44 = arith.constant dense<0.000000e+00> : vector<4096x64xf32>
    %dot_general3A_45 = tpu.matmul %max3A_40, %get3A_43, %dot_general3A_44 {dimension_numbers = #tpu.dot_dimension_numbers<[1], [0], [0], [1], [0, 0, 1, 1], [], []>, transpose_lhs_hint = false} : vector<4096x64xf32>, vector<64x64xf32>, vector<4096x64xf32> -> vector<4096x64xf32>
    %get3A_46 = arith.constant 0 : index
    %get3A_47 = arith.constant 0 : index
    %get3A_48 = vector.load %arg7[%get3A_46, %get3A_47] : memref<1x64xf32, #tpu.memory_space<vmem>>, vector<1x64xf32>
    %add3A_49 = vector.broadcast %get3A_48 : vector<1x64xf32> to vector<4096x64xf32>
    %add3A_50 = arith.addf %dot_general3A_45, %add3A_49 : vector<4096x64xf32>
    %max3A_51 = arith.constant 0.000000e+00 : f32
    %max3A_52 = vector.broadcast %max3A_51 : f32 to vector<4096x64xf32>
    %max3A_53 = arith.maximumf %add3A_50, %max3A_52 : vector<4096x64xf32>
    %get3A_54 = arith.constant 0 : index
    %get3A_55 = arith.constant 0 : index
    %get3A_56 = vector.load %arg8[%get3A_54, %get3A_55] : memref<64x128xf32, #tpu.memory_space<vmem>>, vector<64x128xf32>
    %dot_general3A_57 = arith.constant dense<0.000000e+00> : vector<4096x128xf32>
    %dot_general3A_58 = tpu.matmul %max3A_53, %get3A_56, %dot_general3A_57 {dimension_numbers = #tpu.dot_dimension_numbers<[1], [0], [0], [1], [0, 0, 1, 1], [], []>, transpose_lhs_hint = false} : vector<4096x64xf32>, vector<64x128xf32>, vector<4096x128xf32> -> vector<4096x128xf32>
    %get3A_59 = arith.constant 0 : index
    %get3A_60 = arith.constant 0 : index
    %get3A_61 = vector.load %arg9[%get3A_59, %get3A_60] : memref<1x128xf32, #tpu.memory_space<vmem>>, vector<1x128xf32>
    %add3A_62 = vector.broadcast %get3A_61 : vector<1x128xf32> to vector<4096x128xf32>
    %add3A_63 = arith.addf %dot_general3A_58, %add3A_62 : vector<4096x128xf32>
    %max3A_64 = arith.constant 0.000000e+00 : f32
    %max3A_65 = vector.broadcast %max3A_64 : f32 to vector<4096x128xf32>
    %max3A_66 = arith.maximumf %add3A_63, %max3A_65 : vector<4096x128xf32>
    %reshape3A = vector.shape_cast %max3A_66 : vector<4096x128xf32> to vector<32x128x128xf32>
    %reduce_max3A = arith.constant dense<0xFF800000> : vector<128x128xf32>
    %reduce_max3A_67 = vector.multi_reduction <maximumf>, %reshape3A, %reduce_max3A [0] : vector<32x128x128xf32> to vector<128x128xf32>
    %swap3A = arith.constant 0 : index
    %swap3A_68 = arith.constant 0 : index
    %swap3A_69 = vector.load %arg10[%swap3A, %swap3A_68] : memref<128x128xf32, #tpu.memory_space<vmem>>, vector<128x128xf32>
    tpu.vector_store %arg10[%swap3A, %swap3A_68], %reduce_max3A_67 {strides = array<i32>} : memref<128x128xf32, #tpu.memory_space<vmem>>, vector<128x128xf32>,
    return
  }
  func.func @transform_0(%arg0: i32) -> (i32, i32) {
    %c0_i32 = arith.constant 0 : i32
    %c0_i32_0 = arith.constant 0 : i32
    return %arg0, %c0_i32 : i32, i32
  }
  func.func @transform_1(%arg0: i32) -> (i32, i32) {
    %c0_i32 = arith.constant 0 : i32
    %c0_i32_0 = arith.constant 0 : i32
    %c0_i32_1 = arith.constant 0 : i32
    return %c0_i32, %c0_i32_0 : i32, i32
  }
  func.func @transform_2(%arg0: i32) -> (i32, i32) {
    %c0_i32 = arith.constant 0 : i32
    %c0_i32_0 = arith.constant 0 : i32
    %c0_i32_1 = arith.constant 0 : i32
    return %c0_i32, %c0_i32_0 : i32, i32
  }
  func.func @transform_3(%arg0: i32) -> (i32, i32) {
    %c0_i32 = arith.constant 0 : i32
    %c0_i32_0 = arith.constant 0 : i32
    %c0_i32_1 = arith.constant 0 : i32
    return %c0_i32, %c0_i32_0 : i32, i32
  }
  func.func @transform_4(%arg0: i32) -> (i32, i32) {
    %c0_i32 = arith.constant 0 : i32
    %c0_i32_0 = arith.constant 0 : i32
    %c0_i32_1 = arith.constant 0 : i32
    return %c0_i32, %c0_i32_0 : i32, i32
  }
  func.func @transform_5(%arg0: i32) -> (i32, i32) {
    %c0_i32 = arith.constant 0 : i32
    %c0_i32_0 = arith.constant 0 : i32
    %c0_i32_1 = arith.constant 0 : i32
    return %c0_i32, %c0_i32_0 : i32, i32
  }
  func.func @transform_6(%arg0: i32) -> (i32, i32) {
    %c0_i32 = arith.constant 0 : i32
    %c0_i32_0 = arith.constant 0 : i32
    %c0_i32_1 = arith.constant 0 : i32
    return %c0_i32, %c0_i32_0 : i32, i32
  }
  func.func @transform_7(%arg0: i32) -> (i32, i32) {
    %c0_i32 = arith.constant 0 : i32
    %c0_i32_0 = arith.constant 0 : i32
    %c0_i32_1 = arith.constant 0 : i32
    return %c0_i32, %c0_i32_0 : i32, i32
  }
  func.func @transform_8(%arg0: i32) -> (i32, i32) {
    %c0_i32 = arith.constant 0 : i32
    %c0_i32_0 = arith.constant 0 : i32
    %c0_i32_1 = arith.constant 0 : i32
    return %c0_i32, %c0_i32_0 : i32, i32
  }
  func.func @transform_9(%arg0: i32) -> (i32, i32) {
    %c0_i32 = arith.constant 0 : i32
    %c0_i32_0 = arith.constant 0 : i32
    return %arg0, %c0_i32 : i32, i32
  }
}

module attributes {stable_mosaic.version = 14 : i64} {
  func.func @_sa1_mlp_kernel(%arg0: i32, %arg1: memref<6x1280xf32, #tpu.memory_space<vmem>>, %arg2: memref<64x6xf32, #tpu.memory_space<vmem>>, %arg3: memref<64x1xf32, #tpu.memory_space<vmem>>, %arg4: memref<64x64xf32, #tpu.memory_space<vmem>>, %arg5: memref<64x1xf32, #tpu.memory_space<vmem>>, %arg6: memref<128x64xf32, #tpu.memory_space<vmem>>, %arg7: memref<128x1xf32, #tpu.memory_space<vmem>>, %arg8: memref<1x128x40xf32, #tpu.memory_space<vmem>>) attributes {dimension_semantics = [#tpu.dimension_semantics<arbitrary>], iteration_bounds = array<i64: 32>, scalar_prefetch = 0 : i64, scratch_operands = 0 : i64, tpu.core_type = #tpu.core_type<tc>, window_params = [{transform_indices = @transform_0, window_bounds = array<i64: 6, 1280>}, {pipeline_mode = #tpu.pipeline_mode<synchronous>, transform_indices = @transform_1, window_bounds = array<i64: 64, 6>}, {pipeline_mode = #tpu.pipeline_mode<synchronous>, transform_indices = @transform_2, window_bounds = array<i64: 64, 1>}, {pipeline_mode = #tpu.pipeline_mode<synchronous>, transform_indices = @transform_3, window_bounds = array<i64: 64, 64>}, {pipeline_mode = #tpu.pipeline_mode<synchronous>, transform_indices = @transform_4, window_bounds = array<i64: 64, 1>}, {pipeline_mode = #tpu.pipeline_mode<synchronous>, transform_indices = @transform_5, window_bounds = array<i64: 128, 64>}, {pipeline_mode = #tpu.pipeline_mode<synchronous>, transform_indices = @transform_6, window_bounds = array<i64: 128, 1>}, {transform_indices = @transform_7, window_bounds = array<i64: 1, 128, 40>}]} {
    %get3A = arith.constant 0 : index
    %get3A_0 = arith.constant 0 : index
    %get3A_1 = vector.load %arg2[%get3A, %get3A_0] : memref<64x6xf32, #tpu.memory_space<vmem>>, vector<64x6xf32>
    %get3A_2 = arith.constant 0 : index
    %get3A_3 = arith.constant 0 : index
    %get3A_4 = vector.load %arg1[%get3A_2, %get3A_3] : memref<6x1280xf32, #tpu.memory_space<vmem>>, vector<6x1280xf32>
    %dot_general3A = arith.constant dense<0.000000e+00> : vector<64x1280xf32>
    %dot_general3A_5 = tpu.matmul %get3A_1, %get3A_4, %dot_general3A {dimension_numbers = #tpu.dot_dimension_numbers<[1], [0], [0], [1], [0, 0, 1, 1], [], []>, transpose_lhs_hint = false} : vector<64x6xf32>, vector<6x1280xf32>, vector<64x1280xf32> -> vector<64x1280xf32>
    %get3A_6 = arith.constant 0 : index
    %get3A_7 = arith.constant 0 : index
    %get3A_8 = vector.load %arg3[%get3A_6, %get3A_7] : memref<64x1xf32, #tpu.memory_space<vmem>>, vector<64x1xf32>
    %add3A = vector.broadcast %get3A_8 : vector<64x1xf32> to vector<64x1280xf32>
    %add3A_9 = arith.addf %dot_general3A_5, %add3A : vector<64x1280xf32>
    %max3A = arith.constant 0.000000e+00 : f32
    %max3A_10 = vector.broadcast %max3A : f32 to vector<64x1280xf32>
    %max3A_11 = arith.maximumf %add3A_9, %max3A_10 : vector<64x1280xf32>
    %get3A_12 = arith.constant 0 : index
    %get3A_13 = arith.constant 0 : index
    %get3A_14 = vector.load %arg4[%get3A_12, %get3A_13] : memref<64x64xf32, #tpu.memory_space<vmem>>, vector<64x64xf32>
    %dot_general3A_15 = arith.constant dense<0.000000e+00> : vector<64x1280xf32>
    %dot_general3A_16 = tpu.matmul %get3A_14, %max3A_11, %dot_general3A_15 {dimension_numbers = #tpu.dot_dimension_numbers<[1], [0], [0], [1], [0, 0, 1, 1], [], []>, transpose_lhs_hint = false} : vector<64x64xf32>, vector<64x1280xf32>, vector<64x1280xf32> -> vector<64x1280xf32>
    %get3A_17 = arith.constant 0 : index
    %get3A_18 = arith.constant 0 : index
    %get3A_19 = vector.load %arg5[%get3A_17, %get3A_18] : memref<64x1xf32, #tpu.memory_space<vmem>>, vector<64x1xf32>
    %add3A_20 = vector.broadcast %get3A_19 : vector<64x1xf32> to vector<64x1280xf32>
    %add3A_21 = arith.addf %dot_general3A_16, %add3A_20 : vector<64x1280xf32>
    %max3A_22 = arith.constant 0.000000e+00 : f32
    %max3A_23 = vector.broadcast %max3A_22 : f32 to vector<64x1280xf32>
    %max3A_24 = arith.maximumf %add3A_21, %max3A_23 : vector<64x1280xf32>
    %get3A_25 = arith.constant 0 : index
    %get3A_26 = arith.constant 0 : index
    %get3A_27 = vector.load %arg6[%get3A_25, %get3A_26] : memref<128x64xf32, #tpu.memory_space<vmem>>, vector<128x64xf32>
    %dot_general3A_28 = arith.constant dense<0.000000e+00> : vector<128x1280xf32>
    %dot_general3A_29 = tpu.matmul %get3A_27, %max3A_24, %dot_general3A_28 {dimension_numbers = #tpu.dot_dimension_numbers<[1], [0], [0], [1], [0, 0, 1, 1], [], []>, transpose_lhs_hint = false} : vector<128x64xf32>, vector<64x1280xf32>, vector<128x1280xf32> -> vector<128x1280xf32>
    %get3A_30 = arith.constant 0 : index
    %get3A_31 = arith.constant 0 : index
    %get3A_32 = vector.load %arg7[%get3A_30, %get3A_31] : memref<128x1xf32, #tpu.memory_space<vmem>>, vector<128x1xf32>
    %add3A_33 = vector.broadcast %get3A_32 : vector<128x1xf32> to vector<128x1280xf32>
    %add3A_34 = arith.addf %dot_general3A_29, %add3A_33 : vector<128x1280xf32>
    %max3A_35 = arith.constant 0.000000e+00 : f32
    %max3A_36 = vector.broadcast %max3A_35 : f32 to vector<128x1280xf32>
    %max3A_37 = arith.maximumf %add3A_34, %max3A_36 : vector<128x1280xf32>
    %slice3A = vector.extract_strided_slice %max3A_37 {offsets = [0, 0], sizes = [128, 40], strides = [1, 1]} : vector<128x1280xf32> to vector<128x40xf32>
    %slice3A_38 = vector.extract_strided_slice %max3A_37 {offsets = [0, 40], sizes = [128, 40], strides = [1, 1]} : vector<128x1280xf32> to vector<128x40xf32>
    %max3A_39 = arith.maximumf %slice3A, %slice3A_38 : vector<128x40xf32>
    %slice3A_40 = vector.extract_strided_slice %max3A_37 {offsets = [0, 80], sizes = [128, 40], strides = [1, 1]} : vector<128x1280xf32> to vector<128x40xf32>
    %max3A_41 = arith.maximumf %max3A_39, %slice3A_40 : vector<128x40xf32>
    %slice3A_42 = vector.extract_strided_slice %max3A_37 {offsets = [0, 120], sizes = [128, 40], strides = [1, 1]} : vector<128x1280xf32> to vector<128x40xf32>
    %max3A_43 = arith.maximumf %max3A_41, %slice3A_42 : vector<128x40xf32>
    %slice3A_44 = vector.extract_strided_slice %max3A_37 {offsets = [0, 160], sizes = [128, 40], strides = [1, 1]} : vector<128x1280xf32> to vector<128x40xf32>
    %max3A_45 = arith.maximumf %max3A_43, %slice3A_44 : vector<128x40xf32>
    %slice3A_46 = vector.extract_strided_slice %max3A_37 {offsets = [0, 200], sizes = [128, 40], strides = [1, 1]} : vector<128x1280xf32> to vector<128x40xf32>
    %max3A_47 = arith.maximumf %max3A_45, %slice3A_46 : vector<128x40xf32>
    %slice3A_48 = vector.extract_strided_slice %max3A_37 {offsets = [0, 240], sizes = [128, 40], strides = [1, 1]} : vector<128x1280xf32> to vector<128x40xf32>
    %max3A_49 = arith.maximumf %max3A_47, %slice3A_48 : vector<128x40xf32>
    %slice3A_50 = vector.extract_strided_slice %max3A_37 {offsets = [0, 280], sizes = [128, 40], strides = [1, 1]} : vector<128x1280xf32> to vector<128x40xf32>
    %max3A_51 = arith.maximumf %max3A_49, %slice3A_50 : vector<128x40xf32>
    %slice3A_52 = vector.extract_strided_slice %max3A_37 {offsets = [0, 320], sizes = [128, 40], strides = [1, 1]} : vector<128x1280xf32> to vector<128x40xf32>
    %max3A_53 = arith.maximumf %max3A_51, %slice3A_52 : vector<128x40xf32>
    %slice3A_54 = vector.extract_strided_slice %max3A_37 {offsets = [0, 360], sizes = [128, 40], strides = [1, 1]} : vector<128x1280xf32> to vector<128x40xf32>
    %max3A_55 = arith.maximumf %max3A_53, %slice3A_54 : vector<128x40xf32>
    %slice3A_56 = vector.extract_strided_slice %max3A_37 {offsets = [0, 400], sizes = [128, 40], strides = [1, 1]} : vector<128x1280xf32> to vector<128x40xf32>
    %max3A_57 = arith.maximumf %max3A_55, %slice3A_56 : vector<128x40xf32>
    %slice3A_58 = vector.extract_strided_slice %max3A_37 {offsets = [0, 440], sizes = [128, 40], strides = [1, 1]} : vector<128x1280xf32> to vector<128x40xf32>
    %max3A_59 = arith.maximumf %max3A_57, %slice3A_58 : vector<128x40xf32>
    %slice3A_60 = vector.extract_strided_slice %max3A_37 {offsets = [0, 480], sizes = [128, 40], strides = [1, 1]} : vector<128x1280xf32> to vector<128x40xf32>
    %max3A_61 = arith.maximumf %max3A_59, %slice3A_60 : vector<128x40xf32>
    %slice3A_62 = vector.extract_strided_slice %max3A_37 {offsets = [0, 520], sizes = [128, 40], strides = [1, 1]} : vector<128x1280xf32> to vector<128x40xf32>
    %max3A_63 = arith.maximumf %max3A_61, %slice3A_62 : vector<128x40xf32>
    %slice3A_64 = vector.extract_strided_slice %max3A_37 {offsets = [0, 560], sizes = [128, 40], strides = [1, 1]} : vector<128x1280xf32> to vector<128x40xf32>
    %max3A_65 = arith.maximumf %max3A_63, %slice3A_64 : vector<128x40xf32>
    %slice3A_66 = vector.extract_strided_slice %max3A_37 {offsets = [0, 600], sizes = [128, 40], strides = [1, 1]} : vector<128x1280xf32> to vector<128x40xf32>
    %max3A_67 = arith.maximumf %max3A_65, %slice3A_66 : vector<128x40xf32>
    %slice3A_68 = vector.extract_strided_slice %max3A_37 {offsets = [0, 640], sizes = [128, 40], strides = [1, 1]} : vector<128x1280xf32> to vector<128x40xf32>
    %max3A_69 = arith.maximumf %max3A_67, %slice3A_68 : vector<128x40xf32>
    %slice3A_70 = vector.extract_strided_slice %max3A_37 {offsets = [0, 680], sizes = [128, 40], strides = [1, 1]} : vector<128x1280xf32> to vector<128x40xf32>
    %max3A_71 = arith.maximumf %max3A_69, %slice3A_70 : vector<128x40xf32>
    %slice3A_72 = vector.extract_strided_slice %max3A_37 {offsets = [0, 720], sizes = [128, 40], strides = [1, 1]} : vector<128x1280xf32> to vector<128x40xf32>
    %max3A_73 = arith.maximumf %max3A_71, %slice3A_72 : vector<128x40xf32>
    %slice3A_74 = vector.extract_strided_slice %max3A_37 {offsets = [0, 760], sizes = [128, 40], strides = [1, 1]} : vector<128x1280xf32> to vector<128x40xf32>
    %max3A_75 = arith.maximumf %max3A_73, %slice3A_74 : vector<128x40xf32>
    %slice3A_76 = vector.extract_strided_slice %max3A_37 {offsets = [0, 800], sizes = [128, 40], strides = [1, 1]} : vector<128x1280xf32> to vector<128x40xf32>
    %max3A_77 = arith.maximumf %max3A_75, %slice3A_76 : vector<128x40xf32>
    %slice3A_78 = vector.extract_strided_slice %max3A_37 {offsets = [0, 840], sizes = [128, 40], strides = [1, 1]} : vector<128x1280xf32> to vector<128x40xf32>
    %max3A_79 = arith.maximumf %max3A_77, %slice3A_78 : vector<128x40xf32>
    %slice3A_80 = vector.extract_strided_slice %max3A_37 {offsets = [0, 880], sizes = [128, 40], strides = [1, 1]} : vector<128x1280xf32> to vector<128x40xf32>
    %max3A_81 = arith.maximumf %max3A_79, %slice3A_80 : vector<128x40xf32>
    %slice3A_82 = vector.extract_strided_slice %max3A_37 {offsets = [0, 920], sizes = [128, 40], strides = [1, 1]} : vector<128x1280xf32> to vector<128x40xf32>
    %max3A_83 = arith.maximumf %max3A_81, %slice3A_82 : vector<128x40xf32>
    %slice3A_84 = vector.extract_strided_slice %max3A_37 {offsets = [0, 960], sizes = [128, 40], strides = [1, 1]} : vector<128x1280xf32> to vector<128x40xf32>
    %max3A_85 = arith.maximumf %max3A_83, %slice3A_84 : vector<128x40xf32>
    %slice3A_86 = vector.extract_strided_slice %max3A_37 {offsets = [0, 1000], sizes = [128, 40], strides = [1, 1]} : vector<128x1280xf32> to vector<128x40xf32>
    %max3A_87 = arith.maximumf %max3A_85, %slice3A_86 : vector<128x40xf32>
    %slice3A_88 = vector.extract_strided_slice %max3A_37 {offsets = [0, 1040], sizes = [128, 40], strides = [1, 1]} : vector<128x1280xf32> to vector<128x40xf32>
    %max3A_89 = arith.maximumf %max3A_87, %slice3A_88 : vector<128x40xf32>
    %slice3A_90 = vector.extract_strided_slice %max3A_37 {offsets = [0, 1080], sizes = [128, 40], strides = [1, 1]} : vector<128x1280xf32> to vector<128x40xf32>
    %max3A_91 = arith.maximumf %max3A_89, %slice3A_90 : vector<128x40xf32>
    %slice3A_92 = vector.extract_strided_slice %max3A_37 {offsets = [0, 1120], sizes = [128, 40], strides = [1, 1]} : vector<128x1280xf32> to vector<128x40xf32>
    %max3A_93 = arith.maximumf %max3A_91, %slice3A_92 : vector<128x40xf32>
    %slice3A_94 = vector.extract_strided_slice %max3A_37 {offsets = [0, 1160], sizes = [128, 40], strides = [1, 1]} : vector<128x1280xf32> to vector<128x40xf32>
    %max3A_95 = arith.maximumf %max3A_93, %slice3A_94 : vector<128x40xf32>
    %slice3A_96 = vector.extract_strided_slice %max3A_37 {offsets = [0, 1200], sizes = [128, 40], strides = [1, 1]} : vector<128x1280xf32> to vector<128x40xf32>
    %max3A_97 = arith.maximumf %max3A_95, %slice3A_96 : vector<128x40xf32>
    %slice3A_98 = vector.extract_strided_slice %max3A_37 {offsets = [0, 1240], sizes = [128, 40], strides = [1, 1]} : vector<128x1280xf32> to vector<128x40xf32>
    %max3A_99 = arith.maximumf %max3A_97, %slice3A_98 : vector<128x40xf32>
    %broadcast_in_dim3A = vector.shape_cast %max3A_99 : vector<128x40xf32> to vector<1x128x40xf32>
    %swap3A = arith.constant 0 : index
    %swap3A_100 = arith.constant 0 : index
    %swap3A_101 = arith.constant 0 : index
    %swap3A_102 = vector.load %arg8[%swap3A, %swap3A_100, %swap3A_101] : memref<1x128x40xf32, #tpu.memory_space<vmem>>, vector<1x128x40xf32>
    tpu.vector_store %arg8[%swap3A, %swap3A_100, %swap3A_101], %broadcast_in_dim3A {strides = array<i32>} : memref<1x128x40xf32, #tpu.memory_space<vmem>>, vector<1x128x40xf32>,
    return
  }
  func.func @transform_0(%arg0: i32) -> (i32, i32) {
    %c0_i32 = arith.constant 0 : i32
    %c0_i32_0 = arith.constant 0 : i32
    return %c0_i32, %arg0 : i32, i32
  }
  func.func @transform_1(%arg0: i32) -> (i32, i32) {
    %c0_i32 = arith.constant 0 : i32
    %c0_i32_0 = arith.constant 0 : i32
    %c0_i32_1 = arith.constant 0 : i32
    return %c0_i32, %c0_i32_0 : i32, i32
  }
  func.func @transform_2(%arg0: i32) -> (i32, i32) {
    %c0_i32 = arith.constant 0 : i32
    %c0_i32_0 = arith.constant 0 : i32
    %c0_i32_1 = arith.constant 0 : i32
    return %c0_i32, %c0_i32_0 : i32, i32
  }
  func.func @transform_3(%arg0: i32) -> (i32, i32) {
    %c0_i32 = arith.constant 0 : i32
    %c0_i32_0 = arith.constant 0 : i32
    %c0_i32_1 = arith.constant 0 : i32
    return %c0_i32, %c0_i32_0 : i32, i32
  }
  func.func @transform_4(%arg0: i32) -> (i32, i32) {
    %c0_i32 = arith.constant 0 : i32
    %c0_i32_0 = arith.constant 0 : i32
    %c0_i32_1 = arith.constant 0 : i32
    return %c0_i32, %c0_i32_0 : i32, i32
  }
  func.func @transform_5(%arg0: i32) -> (i32, i32) {
    %c0_i32 = arith.constant 0 : i32
    %c0_i32_0 = arith.constant 0 : i32
    %c0_i32_1 = arith.constant 0 : i32
    return %c0_i32, %c0_i32_0 : i32, i32
  }
  func.func @transform_6(%arg0: i32) -> (i32, i32) {
    %c0_i32 = arith.constant 0 : i32
    %c0_i32_0 = arith.constant 0 : i32
    %c0_i32_1 = arith.constant 0 : i32
    return %c0_i32, %c0_i32_0 : i32, i32
  }
  func.func @transform_7(%arg0: i32) -> (i32, i32, i32) {
    %c0_i32 = arith.constant 0 : i32
    %c0_i32_0 = arith.constant 0 : i32
    %c0_i32_1 = arith.constant 0 : i32
    return %arg0, %c0_i32, %c0_i32_0 : i32, i32, i32
  }
}

module attributes {stable_mosaic.version = 14 : i64} {
  func.func @_sa_kernel(%arg0: i32, %arg1: memref<128x3xf32, #tpu.memory_space<vmem>>, %arg2: memref<3x2048xf32, #tpu.memory_space<vmem>>, %arg3: memref<2048x131xf32, #tpu.memory_space<vmem>>, %arg4: memref<131x128xf32, #tpu.memory_space<vmem>>, %arg5: memref<1x128xf32, #tpu.memory_space<vmem>>, %arg6: memref<128x128xf32, #tpu.memory_space<vmem>>, %arg7: memref<1x128xf32, #tpu.memory_space<vmem>>, %arg8: memref<128x256xf32, #tpu.memory_space<vmem>>, %arg9: memref<1x256xf32, #tpu.memory_space<vmem>>, %arg10: memref<128x256xf32, #tpu.memory_space<vmem>>, %arg11: memref<4096x131xf32, #tpu.memory_space<vmem>>) attributes {dimension_semantics = [#tpu.dimension_semantics<arbitrary>], iteration_bounds = array<i64: 4>, scalar_prefetch = 0 : i64, scratch_operands = 1 : i64, tpu.core_type = #tpu.core_type<tc>, window_params = [{transform_indices = @transform_0, window_bounds = array<i64: 128, 3>}, {pipeline_mode = #tpu.pipeline_mode<synchronous>, transform_indices = @transform_1, window_bounds = array<i64: 3, 2048>}, {pipeline_mode = #tpu.pipeline_mode<synchronous>, transform_indices = @transform_2, window_bounds = array<i64: 2048, 131>}, {pipeline_mode = #tpu.pipeline_mode<synchronous>, transform_indices = @transform_3, window_bounds = array<i64: 131, 128>}, {pipeline_mode = #tpu.pipeline_mode<synchronous>, transform_indices = @transform_4, window_bounds = array<i64: 1, 128>}, {pipeline_mode = #tpu.pipeline_mode<synchronous>, transform_indices = @transform_5, window_bounds = array<i64: 128, 128>}, {pipeline_mode = #tpu.pipeline_mode<synchronous>, transform_indices = @transform_6, window_bounds = array<i64: 1, 128>}, {pipeline_mode = #tpu.pipeline_mode<synchronous>, transform_indices = @transform_7, window_bounds = array<i64: 128, 256>}, {pipeline_mode = #tpu.pipeline_mode<synchronous>, transform_indices = @transform_8, window_bounds = array<i64: 1, 256>}, {transform_indices = @transform_9, window_bounds = array<i64: 128, 256>}]} {
    %get3A = arith.constant 0 : index
    %get3A_0 = arith.constant 0 : index
    %get3A_1 = vector.load %arg1[%get3A, %get3A_0] : memref<128x3xf32, #tpu.memory_space<vmem>>, vector<128x3xf32>
    %get3A_2 = arith.constant 0 : index
    %get3A_3 = arith.constant 0 : index
    %get3A_4 = vector.load %arg2[%get3A_2, %get3A_3] : memref<3x2048xf32, #tpu.memory_space<vmem>>, vector<3x2048xf32>
    %get3A_5 = arith.constant 0 : index
    %get3A_6 = arith.constant 0 : index
    %get3A_7 = vector.load %arg3[%get3A_5, %get3A_6] : memref<2048x131xf32, #tpu.memory_space<vmem>>, vector<2048x131xf32>
    %mul3A = arith.mulf %get3A_1, %get3A_1 : vector<128x3xf32>
    %reduce_sum3A = arith.constant dense<0.000000e+00> : vector<128xf32>
    %reduce_sum3A_8 = vector.multi_reduction <add>, %mul3A, %reduce_sum3A [1] : vector<128x3xf32> to vector<128xf32>
    %broadcast_in_dim3A = vector.shape_cast %reduce_sum3A_8 : vector<128xf32> to vector<128x1xf32>
    %mul3A_9 = arith.mulf %get3A_4, %get3A_4 : vector<3x2048xf32>
    %reduce_sum3A_10 = arith.constant dense<0.000000e+00> : vector<2048xf32>
    %reduce_sum3A_11 = vector.multi_reduction <add>, %mul3A_9, %reduce_sum3A_10 [0] : vector<3x2048xf32> to vector<2048xf32>
    %broadcast_in_dim3A_12 = vector.shape_cast %reduce_sum3A_11 : vector<2048xf32> to vector<1x2048xf32>
    %add3A = vector.broadcast %broadcast_in_dim3A : vector<128x1xf32> to vector<128x2048xf32>
    %add3A_13 = vector.broadcast %broadcast_in_dim3A_12 : vector<1x2048xf32> to vector<128x2048xf32>
    %add3A_14 = arith.addf %add3A, %add3A_13 : vector<128x2048xf32>
    %dot_general3A = arith.constant dense<0.000000e+00> : vector<128x2048xf32>
    %dot_general3A_15 = tpu.matmul %get3A_1, %get3A_4, %dot_general3A {dimension_numbers = #tpu.dot_dimension_numbers<[1], [0], [0], [1], [0, 0, 1, 1], [], []>, transpose_lhs_hint = false} : vector<128x3xf32>, vector<3x2048xf32>, vector<128x2048xf32> -> vector<128x2048xf32>
    %mul3A_16 = arith.constant 2.000000e+00 : f32
    %mul3A_17 = vector.broadcast %mul3A_16 : f32 to vector<128x2048xf32>
    %mul3A_18 = arith.mulf %mul3A_17, %dot_general3A_15 : vector<128x2048xf32>
    %sub3A = arith.subf %add3A_14, %mul3A_18 : vector<128x2048xf32>
    %iota3A = tpu.iota {dimensions = array<i32: 1>} : vector<1x2048xi32>
    %broadcast_in_dim3A_19 = arith.constant 0.000000e+00 : f32
    %broadcast_in_dim3A_20 = vector.broadcast %broadcast_in_dim3A_19 : f32 to vector<128x128xf32>
    %concatenate3A = tpu.concatenate %get3A_1, %broadcast_in_dim3A_20 in 1 : vector<128x3xf32>, vector<128x128xf32> -> vector<128x131xf32>
    %scan3A = arith.constant 0 : i32
    %scan3A_21 = arith.constant 32 : i32
    %scan3A_22 = arith.addi %scan3A, %scan3A_21 : i32
    %scan3A_23 = arith.constant 1 : i32
    %scan3A_24 = scf.for %scan3A_70 = %scan3A to %scan3A_22 step %scan3A_23 iter_args(%scan3A_71 = %sub3A) -> (vector<128x2048xf32>)  : i32 {
      %argmin3A = tpu.reduce_index %scan3A_71 {axis = 1 : i32, kind = #tpu.reduction_kind<arg_min>} : vector<128x2048xf32> -> vector<128xi32>
      %broadcast_in_dim3A_72 = vector.shape_cast %argmin3A : vector<128xi32> to vector<128x1xi32>
      %eq3A = vector.broadcast %iota3A : vector<1x2048xi32> to vector<128x2048xi32>
      %eq3A_73 = vector.broadcast %broadcast_in_dim3A_72 : vector<128x1xi32> to vector<128x2048xi32>
      %eq3A_74 = arith.cmpi eq, %eq3A, %eq3A_73 : vector<128x2048xi32>
      %convert_element_type3A = arith.extui %eq3A_74 : vector<128x2048xi1> to vector<128x2048xi32>
      %convert_element_type3A_75 = arith.sitofp %convert_element_type3A : vector<128x2048xi32> to vector<128x2048xf32>
      %dot_general3A_76 = arith.constant dense<0.000000e+00> : vector<128x131xf32>
      %dot_general3A_77 = tpu.matmul %convert_element_type3A_75, %get3A_7, %dot_general3A_76 {dimension_numbers = #tpu.dot_dimension_numbers<[1], [0], [0], [1], [0, 0, 1, 1], [], []>, transpose_lhs_hint = false} : vector<128x2048xf32>, vector<2048x131xf32>, vector<128x131xf32> -> vector<128x131xf32>
      %sub3A_78 = arith.subf %dot_general3A_77, %concatenate3A : vector<128x131xf32>
      %mul3A_79 = arith.constant 128 : i32
      %mul3A_80 = arith.muli %scan3A_70, %mul3A_79 : i32
      %swap3A_81 = arith.index_cast %mul3A_80 : i32 to index
      %swap3A_82 = arith.constant 0 : index
      %swap3A_83 = vector.load %arg11[%swap3A_81, %swap3A_82] : memref<4096x131xf32, #tpu.memory_space<vmem>>, vector<128x131xf32>
      tpu.vector_store %arg11[%swap3A_81, %swap3A_82], %sub3A_78 {strides = array<i32>} : memref<4096x131xf32, #tpu.memory_space<vmem>>, vector<128x131xf32>,
      %mul3A_84 = arith.constant 1.000000e+30 : f32
      %mul3A_85 = vector.broadcast %mul3A_84 : f32 to vector<128x2048xf32>
      %mul3A_86 = arith.mulf %convert_element_type3A_75, %mul3A_85 : vector<128x2048xf32>
      %add3A_87 = arith.addf %scan3A_71, %mul3A_86 : vector<128x2048xf32>
      scf.yield %add3A_87 : vector<128x2048xf32>
    }
    %scan3A_25 = arith.constant 32 : i32
    %get3A_26 = arith.constant 0 : index
    %get3A_27 = arith.constant 0 : index
    %get3A_28 = vector.load %arg11[%get3A_26, %get3A_27] : memref<4096x131xf32, #tpu.memory_space<vmem>>, vector<4096x131xf32>
    %get3A_29 = arith.constant 0 : index
    %get3A_30 = arith.constant 0 : index
    %get3A_31 = vector.load %arg4[%get3A_29, %get3A_30] : memref<131x128xf32, #tpu.memory_space<vmem>>, vector<131x128xf32>
    %dot_general3A_32 = arith.constant dense<0.000000e+00> : vector<4096x128xf32>
    %dot_general3A_33 = tpu.matmul %get3A_28, %get3A_31, %dot_general3A_32 {dimension_numbers = #tpu.dot_dimension_numbers<[1], [0], [0], [1], [0, 0, 1, 1], [], []>, transpose_lhs_hint = false} : vector<4096x131xf32>, vector<131x128xf32>, vector<4096x128xf32> -> vector<4096x128xf32>
    %get3A_34 = arith.constant 0 : index
    %get3A_35 = arith.constant 0 : index
    %get3A_36 = vector.load %arg5[%get3A_34, %get3A_35] : memref<1x128xf32, #tpu.memory_space<vmem>>, vector<1x128xf32>
    %add3A_37 = vector.broadcast %get3A_36 : vector<1x128xf32> to vector<4096x128xf32>
    %add3A_38 = arith.addf %dot_general3A_33, %add3A_37 : vector<4096x128xf32>
    %max3A = arith.constant 0.000000e+00 : f32
    %max3A_39 = vector.broadcast %max3A : f32 to vector<4096x128xf32>
    %max3A_40 = arith.maximumf %add3A_38, %max3A_39 : vector<4096x128xf32>
    %get3A_41 = arith.constant 0 : index
    %get3A_42 = arith.constant 0 : index
    %get3A_43 = vector.load %arg6[%get3A_41, %get3A_42] : memref<128x128xf32, #tpu.memory_space<vmem>>, vector<128x128xf32>
    %dot_general3A_44 = arith.constant dense<0.000000e+00> : vector<4096x128xf32>
    %dot_general3A_45 = tpu.matmul %max3A_40, %get3A_43, %dot_general3A_44 {dimension_numbers = #tpu.dot_dimension_numbers<[1], [0], [0], [1], [0, 0, 1, 1], [], []>, transpose_lhs_hint = false} : vector<4096x128xf32>, vector<128x128xf32>, vector<4096x128xf32> -> vector<4096x128xf32>
    %get3A_46 = arith.constant 0 : index
    %get3A_47 = arith.constant 0 : index
    %get3A_48 = vector.load %arg7[%get3A_46, %get3A_47] : memref<1x128xf32, #tpu.memory_space<vmem>>, vector<1x128xf32>
    %add3A_49 = vector.broadcast %get3A_48 : vector<1x128xf32> to vector<4096x128xf32>
    %add3A_50 = arith.addf %dot_general3A_45, %add3A_49 : vector<4096x128xf32>
    %max3A_51 = arith.constant 0.000000e+00 : f32
    %max3A_52 = vector.broadcast %max3A_51 : f32 to vector<4096x128xf32>
    %max3A_53 = arith.maximumf %add3A_50, %max3A_52 : vector<4096x128xf32>
    %get3A_54 = arith.constant 0 : index
    %get3A_55 = arith.constant 0 : index
    %get3A_56 = vector.load %arg8[%get3A_54, %get3A_55] : memref<128x256xf32, #tpu.memory_space<vmem>>, vector<128x256xf32>
    %dot_general3A_57 = arith.constant dense<0.000000e+00> : vector<4096x256xf32>
    %dot_general3A_58 = tpu.matmul %max3A_53, %get3A_56, %dot_general3A_57 {dimension_numbers = #tpu.dot_dimension_numbers<[1], [0], [0], [1], [0, 0, 1, 1], [], []>, transpose_lhs_hint = false} : vector<4096x128xf32>, vector<128x256xf32>, vector<4096x256xf32> -> vector<4096x256xf32>
    %get3A_59 = arith.constant 0 : index
    %get3A_60 = arith.constant 0 : index
    %get3A_61 = vector.load %arg9[%get3A_59, %get3A_60] : memref<1x256xf32, #tpu.memory_space<vmem>>, vector<1x256xf32>
    %add3A_62 = vector.broadcast %get3A_61 : vector<1x256xf32> to vector<4096x256xf32>
    %add3A_63 = arith.addf %dot_general3A_58, %add3A_62 : vector<4096x256xf32>
    %max3A_64 = arith.constant 0.000000e+00 : f32
    %max3A_65 = vector.broadcast %max3A_64 : f32 to vector<4096x256xf32>
    %max3A_66 = arith.maximumf %add3A_63, %max3A_65 : vector<4096x256xf32>
    %reshape3A = vector.shape_cast %max3A_66 : vector<4096x256xf32> to vector<32x128x256xf32>
    %reduce_max3A = arith.constant dense<0xFF800000> : vector<128x256xf32>
    %reduce_max3A_67 = vector.multi_reduction <maximumf>, %reshape3A, %reduce_max3A [0] : vector<32x128x256xf32> to vector<128x256xf32>
    %swap3A = arith.constant 0 : index
    %swap3A_68 = arith.constant 0 : index
    %swap3A_69 = vector.load %arg10[%swap3A, %swap3A_68] : memref<128x256xf32, #tpu.memory_space<vmem>>, vector<128x256xf32>
    tpu.vector_store %arg10[%swap3A, %swap3A_68], %reduce_max3A_67 {strides = array<i32>} : memref<128x256xf32, #tpu.memory_space<vmem>>, vector<128x256xf32>,
    return
  }
  func.func @transform_0(%arg0: i32) -> (i32, i32) {
    %c0_i32 = arith.constant 0 : i32
    %c0_i32_0 = arith.constant 0 : i32
    return %arg0, %c0_i32 : i32, i32
  }
  func.func @transform_1(%arg0: i32) -> (i32, i32) {
    %c0_i32 = arith.constant 0 : i32
    %c0_i32_0 = arith.constant 0 : i32
    %c0_i32_1 = arith.constant 0 : i32
    return %c0_i32, %c0_i32_0 : i32, i32
  }
  func.func @transform_2(%arg0: i32) -> (i32, i32) {
    %c0_i32 = arith.constant 0 : i32
    %c0_i32_0 = arith.constant 0 : i32
    %c0_i32_1 = arith.constant 0 : i32
    return %c0_i32, %c0_i32_0 : i32, i32
  }
  func.func @transform_3(%arg0: i32) -> (i32, i32) {
    %c0_i32 = arith.constant 0 : i32
    %c0_i32_0 = arith.constant 0 : i32
    %c0_i32_1 = arith.constant 0 : i32
    return %c0_i32, %c0_i32_0 : i32, i32
  }
  func.func @transform_4(%arg0: i32) -> (i32, i32) {
    %c0_i32 = arith.constant 0 : i32
    %c0_i32_0 = arith.constant 0 : i32
    %c0_i32_1 = arith.constant 0 : i32
    return %c0_i32, %c0_i32_0 : i32, i32
  }
  func.func @transform_5(%arg0: i32) -> (i32, i32) {
    %c0_i32 = arith.constant 0 : i32
    %c0_i32_0 = arith.constant 0 : i32
    %c0_i32_1 = arith.constant 0 : i32
    return %c0_i32, %c0_i32_0 : i32, i32
  }
  func.func @transform_6(%arg0: i32) -> (i32, i32) {
    %c0_i32 = arith.constant 0 : i32
    %c0_i32_0 = arith.constant 0 : i32
    %c0_i32_1 = arith.constant 0 : i32
    return %c0_i32, %c0_i32_0 : i32, i32
  }
  func.func @transform_7(%arg0: i32) -> (i32, i32) {
    %c0_i32 = arith.constant 0 : i32
    %c0_i32_0 = arith.constant 0 : i32
    %c0_i32_1 = arith.constant 0 : i32
    return %c0_i32, %c0_i32_0 : i32, i32
  }
  func.func @transform_8(%arg0: i32) -> (i32, i32) {
    %c0_i32 = arith.constant 0 : i32
    %c0_i32_0 = arith.constant 0 : i32
    %c0_i32_1 = arith.constant 0 : i32
    return %c0_i32, %c0_i32_0 : i32, i32
  }
  func.func @transform_9(%arg0: i32) -> (i32, i32) {
    %c0_i32 = arith.constant 0 : i32
    %c0_i32_0 = arith.constant 0 : i32
    return %arg0, %c0_i32 : i32, i32
  }
}

module attributes {stable_mosaic.version = 14 : i64} {
  func.func @_fp_kernel(%arg0: i32, %arg1: memref<256x3xf32, #tpu.memory_space<vmem>>, %arg2: memref<256x128xf32, #tpu.memory_space<vmem>>, %arg3: memref<3x512xf32, #tpu.memory_space<vmem>>, %arg4: memref<512x256xf32, #tpu.memory_space<vmem>>, %arg5: memref<384x256xf32, #tpu.memory_space<vmem>>, %arg6: memref<1x256xf32, #tpu.memory_space<vmem>>, %arg7: memref<256x256xf32, #tpu.memory_space<vmem>>, %arg8: memref<1x256xf32, #tpu.memory_space<vmem>>, %arg9: memref<256x256xf32, #tpu.memory_space<vmem>>) attributes {dimension_semantics = [#tpu.dimension_semantics<arbitrary>], iteration_bounds = array<i64: 8>, scalar_prefetch = 0 : i64, scratch_operands = 0 : i64, tpu.core_type = #tpu.core_type<tc>, window_params = [{transform_indices = @transform_0, window_bounds = array<i64: 256, 3>}, {transform_indices = @transform_1, window_bounds = array<i64: 256, 128>}, {pipeline_mode = #tpu.pipeline_mode<synchronous>, transform_indices = @transform_2, window_bounds = array<i64: 3, 512>}, {pipeline_mode = #tpu.pipeline_mode<synchronous>, transform_indices = @transform_3, window_bounds = array<i64: 512, 256>}, {pipeline_mode = #tpu.pipeline_mode<synchronous>, transform_indices = @transform_4, window_bounds = array<i64: 384, 256>}, {pipeline_mode = #tpu.pipeline_mode<synchronous>, transform_indices = @transform_5, window_bounds = array<i64: 1, 256>}, {pipeline_mode = #tpu.pipeline_mode<synchronous>, transform_indices = @transform_6, window_bounds = array<i64: 256, 256>}, {pipeline_mode = #tpu.pipeline_mode<synchronous>, transform_indices = @transform_7, window_bounds = array<i64: 1, 256>}, {transform_indices = @transform_8, window_bounds = array<i64: 256, 256>}]} {
    %get3A = arith.constant 0 : index
    %get3A_0 = arith.constant 0 : index
    %get3A_1 = vector.load %arg1[%get3A, %get3A_0] : memref<256x3xf32, #tpu.memory_space<vmem>>, vector<256x3xf32>
    %get3A_2 = arith.constant 0 : index
    %get3A_3 = arith.constant 0 : index
    %get3A_4 = vector.load %arg3[%get3A_2, %get3A_3] : memref<3x512xf32, #tpu.memory_space<vmem>>, vector<3x512xf32>
    %mul3A = arith.mulf %get3A_1, %get3A_1 : vector<256x3xf32>
    %reduce_sum3A = arith.constant dense<0.000000e+00> : vector<256xf32>
    %reduce_sum3A_5 = vector.multi_reduction <add>, %mul3A, %reduce_sum3A [1] : vector<256x3xf32> to vector<256xf32>
    %broadcast_in_dim3A = vector.shape_cast %reduce_sum3A_5 : vector<256xf32> to vector<256x1xf32>
    %mul3A_6 = arith.mulf %get3A_4, %get3A_4 : vector<3x512xf32>
    %reduce_sum3A_7 = arith.constant dense<0.000000e+00> : vector<512xf32>
    %reduce_sum3A_8 = vector.multi_reduction <add>, %mul3A_6, %reduce_sum3A_7 [0] : vector<3x512xf32> to vector<512xf32>
    %broadcast_in_dim3A_9 = vector.shape_cast %reduce_sum3A_8 : vector<512xf32> to vector<1x512xf32>
    %add3A = vector.broadcast %broadcast_in_dim3A : vector<256x1xf32> to vector<256x512xf32>
    %add3A_10 = vector.broadcast %broadcast_in_dim3A_9 : vector<1x512xf32> to vector<256x512xf32>
    %add3A_11 = arith.addf %add3A, %add3A_10 : vector<256x512xf32>
    %dot_general3A = arith.constant dense<0.000000e+00> : vector<256x512xf32>
    %dot_general3A_12 = tpu.matmul %get3A_1, %get3A_4, %dot_general3A {dimension_numbers = #tpu.dot_dimension_numbers<[1], [0], [0], [1], [0, 0, 1, 1], [], []>, transpose_lhs_hint = false} : vector<256x3xf32>, vector<3x512xf32>, vector<256x512xf32> -> vector<256x512xf32>
    %mul3A_13 = arith.constant 2.000000e+00 : f32
    %mul3A_14 = vector.broadcast %mul3A_13 : f32 to vector<256x512xf32>
    %mul3A_15 = arith.mulf %mul3A_14, %dot_general3A_12 : vector<256x512xf32>
    %sub3A = arith.subf %add3A_11, %mul3A_15 : vector<256x512xf32>
    %iota3A = tpu.iota {dimensions = array<i32: 1>} : vector<1x512xi32>
    %broadcast_in_dim3A_16 = arith.constant 0.000000e+00 : f32
    %broadcast_in_dim3A_17 = vector.broadcast %broadcast_in_dim3A_16 : f32 to vector<256x512xf32>
    %broadcast_in_dim3A_18 = arith.constant 0.000000e+00 : f32
    %broadcast_in_dim3A_19 = vector.broadcast %broadcast_in_dim3A_18 : f32 to vector<256x1xf32>
    %reduce_min3A = arith.constant dense<0x7F800000> : vector<256xf32>
    %reduce_min3A_20 = vector.multi_reduction <minimumf>, %sub3A, %reduce_min3A [1] : vector<256x512xf32> to vector<256xf32>
    %broadcast_in_dim3A_21 = vector.shape_cast %reduce_min3A_20 : vector<256xf32> to vector<256x1xf32>
    %argmin3A = tpu.reduce_index %sub3A {axis = 1 : i32, kind = #tpu.reduction_kind<arg_min>} : vector<256x512xf32> -> vector<256xi32>
    %broadcast_in_dim3A_22 = vector.shape_cast %argmin3A : vector<256xi32> to vector<256x1xi32>
    %eq3A = vector.broadcast %iota3A : vector<1x512xi32> to vector<256x512xi32>
    %eq3A_23 = vector.broadcast %broadcast_in_dim3A_22 : vector<256x1xi32> to vector<256x512xi32>
    %eq3A_24 = arith.cmpi eq, %eq3A, %eq3A_23 : vector<256x512xi32>
    %convert_element_type3A = arith.extui %eq3A_24 : vector<256x512xi1> to vector<256x512xi32>
    %convert_element_type3A_25 = arith.sitofp %convert_element_type3A : vector<256x512xi32> to vector<256x512xf32>
    %max3A = arith.constant 0.000000e+00 : f32
    %max3A_26 = vector.broadcast %max3A : f32 to vector<256x1xf32>
    %max3A_27 = arith.maximumf %broadcast_in_dim3A_21, %max3A_26 : vector<256x1xf32>
    %add3A_28 = arith.constant 9.99999993E-9 : f32
    %add3A_29 = vector.broadcast %add3A_28 : f32 to vector<256x1xf32>
    %add3A_30 = arith.addf %max3A_27, %add3A_29 : vector<256x1xf32>
    %div3A = arith.constant 1.000000e+00 : f32
    %div3A_31 = vector.broadcast %div3A : f32 to vector<256x1xf32>
    %div3A_32 = arith.divf %div3A_31, %add3A_30 : vector<256x1xf32>
    %mul3A_33 = vector.broadcast %div3A_32 : vector<256x1xf32> to vector<256x512xf32>
    %mul3A_34 = arith.mulf %convert_element_type3A_25, %mul3A_33 : vector<256x512xf32>
    %add3A_35 = arith.addf %broadcast_in_dim3A_17, %mul3A_34 : vector<256x512xf32>
    %add3A_36 = arith.addf %broadcast_in_dim3A_19, %div3A_32 : vector<256x1xf32>
    %mul3A_37 = arith.constant 1.000000e+30 : f32
    %mul3A_38 = vector.broadcast %mul3A_37 : f32 to vector<256x512xf32>
    %mul3A_39 = arith.mulf %convert_element_type3A_25, %mul3A_38 : vector<256x512xf32>
    %add3A_40 = arith.addf %sub3A, %mul3A_39 : vector<256x512xf32>
    %reduce_min3A_41 = arith.constant dense<0x7F800000> : vector<256xf32>
    %reduce_min3A_42 = vector.multi_reduction <minimumf>, %add3A_40, %reduce_min3A_41 [1] : vector<256x512xf32> to vector<256xf32>
    %broadcast_in_dim3A_43 = vector.shape_cast %reduce_min3A_42 : vector<256xf32> to vector<256x1xf32>
    %argmin3A_44 = tpu.reduce_index %add3A_40 {axis = 1 : i32, kind = #tpu.reduction_kind<arg_min>} : vector<256x512xf32> -> vector<256xi32>
    %broadcast_in_dim3A_45 = vector.shape_cast %argmin3A_44 : vector<256xi32> to vector<256x1xi32>
    %eq3A_46 = vector.broadcast %iota3A : vector<1x512xi32> to vector<256x512xi32>
    %eq3A_47 = vector.broadcast %broadcast_in_dim3A_45 : vector<256x1xi32> to vector<256x512xi32>
    %eq3A_48 = arith.cmpi eq, %eq3A_46, %eq3A_47 : vector<256x512xi32>
    %convert_element_type3A_49 = arith.extui %eq3A_48 : vector<256x512xi1> to vector<256x512xi32>
    %convert_element_type3A_50 = arith.sitofp %convert_element_type3A_49 : vector<256x512xi32> to vector<256x512xf32>
    %max3A_51 = arith.constant 0.000000e+00 : f32
    %max3A_52 = vector.broadcast %max3A_51 : f32 to vector<256x1xf32>
    %max3A_53 = arith.maximumf %broadcast_in_dim3A_43, %max3A_52 : vector<256x1xf32>
    %add3A_54 = arith.constant 9.99999993E-9 : f32
    %add3A_55 = vector.broadcast %add3A_54 : f32 to vector<256x1xf32>
    %add3A_56 = arith.addf %max3A_53, %add3A_55 : vector<256x1xf32>
    %div3A_57 = arith.constant 1.000000e+00 : f32
    %div3A_58 = vector.broadcast %div3A_57 : f32 to vector<256x1xf32>
    %div3A_59 = arith.divf %div3A_58, %add3A_56 : vector<256x1xf32>
    %mul3A_60 = vector.broadcast %div3A_59 : vector<256x1xf32> to vector<256x512xf32>
    %mul3A_61 = arith.mulf %convert_element_type3A_50, %mul3A_60 : vector<256x512xf32>
    %add3A_62 = arith.addf %add3A_35, %mul3A_61 : vector<256x512xf32>
    %add3A_63 = arith.addf %add3A_36, %div3A_59 : vector<256x1xf32>
    %mul3A_64 = arith.constant 1.000000e+30 : f32
    %mul3A_65 = vector.broadcast %mul3A_64 : f32 to vector<256x512xf32>
    %mul3A_66 = arith.mulf %convert_element_type3A_50, %mul3A_65 : vector<256x512xf32>
    %add3A_67 = arith.addf %add3A_40, %mul3A_66 : vector<256x512xf32>
    %reduce_min3A_68 = arith.constant dense<0x7F800000> : vector<256xf32>
    %reduce_min3A_69 = vector.multi_reduction <minimumf>, %add3A_67, %reduce_min3A_68 [1] : vector<256x512xf32> to vector<256xf32>
    %broadcast_in_dim3A_70 = vector.shape_cast %reduce_min3A_69 : vector<256xf32> to vector<256x1xf32>
    %argmin3A_71 = tpu.reduce_index %add3A_67 {axis = 1 : i32, kind = #tpu.reduction_kind<arg_min>} : vector<256x512xf32> -> vector<256xi32>
    %broadcast_in_dim3A_72 = vector.shape_cast %argmin3A_71 : vector<256xi32> to vector<256x1xi32>
    %eq3A_73 = vector.broadcast %iota3A : vector<1x512xi32> to vector<256x512xi32>
    %eq3A_74 = vector.broadcast %broadcast_in_dim3A_72 : vector<256x1xi32> to vector<256x512xi32>
    %eq3A_75 = arith.cmpi eq, %eq3A_73, %eq3A_74 : vector<256x512xi32>
    %convert_element_type3A_76 = arith.extui %eq3A_75 : vector<256x512xi1> to vector<256x512xi32>
    %convert_element_type3A_77 = arith.sitofp %convert_element_type3A_76 : vector<256x512xi32> to vector<256x512xf32>
    %max3A_78 = arith.constant 0.000000e+00 : f32
    %max3A_79 = vector.broadcast %max3A_78 : f32 to vector<256x1xf32>
    %max3A_80 = arith.maximumf %broadcast_in_dim3A_70, %max3A_79 : vector<256x1xf32>
    %add3A_81 = arith.constant 9.99999993E-9 : f32
    %add3A_82 = vector.broadcast %add3A_81 : f32 to vector<256x1xf32>
    %add3A_83 = arith.addf %max3A_80, %add3A_82 : vector<256x1xf32>
    %div3A_84 = arith.constant 1.000000e+00 : f32
    %div3A_85 = vector.broadcast %div3A_84 : f32 to vector<256x1xf32>
    %div3A_86 = arith.divf %div3A_85, %add3A_83 : vector<256x1xf32>
    %mul3A_87 = vector.broadcast %div3A_86 : vector<256x1xf32> to vector<256x512xf32>
    %mul3A_88 = arith.mulf %convert_element_type3A_77, %mul3A_87 : vector<256x512xf32>
    %add3A_89 = arith.addf %add3A_62, %mul3A_88 : vector<256x512xf32>
    %add3A_90 = arith.addf %add3A_63, %div3A_86 : vector<256x1xf32>
    %div3A_91 = vector.broadcast %add3A_90 : vector<256x1xf32> to vector<256x512xf32>
    %div3A_92 = arith.divf %add3A_89, %div3A_91 : vector<256x512xf32>
    %get3A_93 = arith.constant 0 : index
    %get3A_94 = arith.constant 0 : index
    %get3A_95 = vector.load %arg4[%get3A_93, %get3A_94] : memref<512x256xf32, #tpu.memory_space<vmem>>, vector<512x256xf32>
    %dot_general3A_96 = arith.constant dense<0.000000e+00> : vector<256x256xf32>
    %dot_general3A_97 = tpu.matmul %div3A_92, %get3A_95, %dot_general3A_96 {dimension_numbers = #tpu.dot_dimension_numbers<[1], [0], [0], [1], [0, 0, 1, 1], [], []>, transpose_lhs_hint = false} : vector<256x512xf32>, vector<512x256xf32>, vector<256x256xf32> -> vector<256x256xf32>
    %get3A_98 = arith.constant 0 : index
    %get3A_99 = arith.constant 0 : index
    %get3A_100 = vector.load %arg2[%get3A_98, %get3A_99] : memref<256x128xf32, #tpu.memory_space<vmem>>, vector<256x128xf32>
    %concatenate3A = tpu.concatenate %dot_general3A_97, %get3A_100 in 1 : vector<256x256xf32>, vector<256x128xf32> -> vector<256x384xf32>
    %get3A_101 = arith.constant 0 : index
    %get3A_102 = arith.constant 0 : index
    %get3A_103 = vector.load %arg5[%get3A_101, %get3A_102] : memref<384x256xf32, #tpu.memory_space<vmem>>, vector<384x256xf32>
    %dot_general3A_104 = arith.constant dense<0.000000e+00> : vector<256x256xf32>
    %dot_general3A_105 = tpu.matmul %concatenate3A, %get3A_103, %dot_general3A_104 {dimension_numbers = #tpu.dot_dimension_numbers<[1], [0], [0], [1], [0, 0, 1, 1], [], []>, transpose_lhs_hint = false} : vector<256x384xf32>, vector<384x256xf32>, vector<256x256xf32> -> vector<256x256xf32>
    %get3A_106 = arith.constant 0 : index
    %get3A_107 = arith.constant 0 : index
    %get3A_108 = vector.load %arg6[%get3A_106, %get3A_107] : memref<1x256xf32, #tpu.memory_space<vmem>>, vector<1x256xf32>
    %add3A_109 = vector.broadcast %get3A_108 : vector<1x256xf32> to vector<256x256xf32>
    %add3A_110 = arith.addf %dot_general3A_105, %add3A_109 : vector<256x256xf32>
    %max3A_111 = arith.constant 0.000000e+00 : f32
    %max3A_112 = vector.broadcast %max3A_111 : f32 to vector<256x256xf32>
    %max3A_113 = arith.maximumf %add3A_110, %max3A_112 : vector<256x256xf32>
    %get3A_114 = arith.constant 0 : index
    %get3A_115 = arith.constant 0 : index
    %get3A_116 = vector.load %arg7[%get3A_114, %get3A_115] : memref<256x256xf32, #tpu.memory_space<vmem>>, vector<256x256xf32>
    %dot_general3A_117 = arith.constant dense<0.000000e+00> : vector<256x256xf32>
    %dot_general3A_118 = tpu.matmul %max3A_113, %get3A_116, %dot_general3A_117 {dimension_numbers = #tpu.dot_dimension_numbers<[1], [0], [0], [1], [0, 0, 1, 1], [], []>, transpose_lhs_hint = false} : vector<256x256xf32>, vector<256x256xf32>, vector<256x256xf32> -> vector<256x256xf32>
    %get3A_119 = arith.constant 0 : index
    %get3A_120 = arith.constant 0 : index
    %get3A_121 = vector.load %arg8[%get3A_119, %get3A_120] : memref<1x256xf32, #tpu.memory_space<vmem>>, vector<1x256xf32>
    %add3A_122 = vector.broadcast %get3A_121 : vector<1x256xf32> to vector<256x256xf32>
    %add3A_123 = arith.addf %dot_general3A_118, %add3A_122 : vector<256x256xf32>
    %max3A_124 = arith.constant 0.000000e+00 : f32
    %max3A_125 = vector.broadcast %max3A_124 : f32 to vector<256x256xf32>
    %max3A_126 = arith.maximumf %add3A_123, %max3A_125 : vector<256x256xf32>
    %swap3A = arith.constant 0 : index
    %swap3A_127 = arith.constant 0 : index
    %swap3A_128 = vector.load %arg9[%swap3A, %swap3A_127] : memref<256x256xf32, #tpu.memory_space<vmem>>, vector<256x256xf32>
    tpu.vector_store %arg9[%swap3A, %swap3A_127], %max3A_126 {strides = array<i32>} : memref<256x256xf32, #tpu.memory_space<vmem>>, vector<256x256xf32>,
    return
  }
  func.func @transform_0(%arg0: i32) -> (i32, i32) {
    %c0_i32 = arith.constant 0 : i32
    %c0_i32_0 = arith.constant 0 : i32
    return %arg0, %c0_i32 : i32, i32
  }
  func.func @transform_1(%arg0: i32) -> (i32, i32) {
    %c0_i32 = arith.constant 0 : i32
    %c0_i32_0 = arith.constant 0 : i32
    return %arg0, %c0_i32 : i32, i32
  }
  func.func @transform_2(%arg0: i32) -> (i32, i32) {
    %c0_i32 = arith.constant 0 : i32
    %c0_i32_0 = arith.constant 0 : i32
    %c0_i32_1 = arith.constant 0 : i32
    return %c0_i32, %c0_i32_0 : i32, i32
  }
  func.func @transform_3(%arg0: i32) -> (i32, i32) {
    %c0_i32 = arith.constant 0 : i32
    %c0_i32_0 = arith.constant 0 : i32
    %c0_i32_1 = arith.constant 0 : i32
    return %c0_i32, %c0_i32_0 : i32, i32
  }
  func.func @transform_4(%arg0: i32) -> (i32, i32) {
    %c0_i32 = arith.constant 0 : i32
    %c0_i32_0 = arith.constant 0 : i32
    %c0_i32_1 = arith.constant 0 : i32
    return %c0_i32, %c0_i32_0 : i32, i32
  }
  func.func @transform_5(%arg0: i32) -> (i32, i32) {
    %c0_i32 = arith.constant 0 : i32
    %c0_i32_0 = arith.constant 0 : i32
    %c0_i32_1 = arith.constant 0 : i32
    return %c0_i32, %c0_i32_0 : i32, i32
  }
  func.func @transform_6(%arg0: i32) -> (i32, i32) {
    %c0_i32 = arith.constant 0 : i32
    %c0_i32_0 = arith.constant 0 : i32
    %c0_i32_1 = arith.constant 0 : i32
    return %c0_i32, %c0_i32_0 : i32, i32
  }
  func.func @transform_7(%arg0: i32) -> (i32, i32) {
    %c0_i32 = arith.constant 0 : i32
    %c0_i32_0 = arith.constant 0 : i32
    %c0_i32_1 = arith.constant 0 : i32
    return %c0_i32, %c0_i32_0 : i32, i32
  }
  func.func @transform_8(%arg0: i32) -> (i32, i32) {
    %c0_i32 = arith.constant 0 : i32
    %c0_i32_0 = arith.constant 0 : i32
    return %arg0, %c0_i32 : i32, i32
  }
}

module attributes {stable_mosaic.version = 14 : i64} {
  func.func @_fp_kernel(%arg0: i32, %arg1: memref<400x3xf32, #tpu.memory_space<vmem>>, %arg2: memref<400x3xf32, #tpu.memory_space<vmem>>, %arg3: memref<3x2048xf32, #tpu.memory_space<vmem>>, %arg4: memref<2048x256xf32, #tpu.memory_space<vmem>>, %arg5: memref<259x256xf32, #tpu.memory_space<vmem>>, %arg6: memref<1x256xf32, #tpu.memory_space<vmem>>, %arg7: memref<256x128xf32, #tpu.memory_space<vmem>>, %arg8: memref<1x128xf32, #tpu.memory_space<vmem>>, %arg9: memref<400x128xf32, #tpu.memory_space<vmem>>) attributes {dimension_semantics = [#tpu.dimension_semantics<arbitrary>], iteration_bounds = array<i64: 25>, scalar_prefetch = 0 : i64, scratch_operands = 0 : i64, tpu.core_type = #tpu.core_type<tc>, window_params = [{transform_indices = @transform_0, window_bounds = array<i64: 400, 3>}, {transform_indices = @transform_1, window_bounds = array<i64: 400, 3>}, {pipeline_mode = #tpu.pipeline_mode<synchronous>, transform_indices = @transform_2, window_bounds = array<i64: 3, 2048>}, {pipeline_mode = #tpu.pipeline_mode<synchronous>, transform_indices = @transform_3, window_bounds = array<i64: 2048, 256>}, {pipeline_mode = #tpu.pipeline_mode<synchronous>, transform_indices = @transform_4, window_bounds = array<i64: 259, 256>}, {pipeline_mode = #tpu.pipeline_mode<synchronous>, transform_indices = @transform_5, window_bounds = array<i64: 1, 256>}, {pipeline_mode = #tpu.pipeline_mode<synchronous>, transform_indices = @transform_6, window_bounds = array<i64: 256, 128>}, {pipeline_mode = #tpu.pipeline_mode<synchronous>, transform_indices = @transform_7, window_bounds = array<i64: 1, 128>}, {transform_indices = @transform_8, window_bounds = array<i64: 400, 128>}]} {
    %get3A = arith.constant 0 : index
    %get3A_0 = arith.constant 0 : index
    %get3A_1 = vector.load %arg1[%get3A, %get3A_0] : memref<400x3xf32, #tpu.memory_space<vmem>>, vector<400x3xf32>
    %get3A_2 = arith.constant 0 : index
    %get3A_3 = arith.constant 0 : index
    %get3A_4 = vector.load %arg3[%get3A_2, %get3A_3] : memref<3x2048xf32, #tpu.memory_space<vmem>>, vector<3x2048xf32>
    %mul3A = arith.mulf %get3A_1, %get3A_1 : vector<400x3xf32>
    %reduce_sum3A = arith.constant dense<0.000000e+00> : vector<400xf32>
    %reduce_sum3A_5 = vector.multi_reduction <add>, %mul3A, %reduce_sum3A [1] : vector<400x3xf32> to vector<400xf32>
    %broadcast_in_dim3A = vector.shape_cast %reduce_sum3A_5 : vector<400xf32> to vector<400x1xf32>
    %mul3A_6 = arith.mulf %get3A_4, %get3A_4 : vector<3x2048xf32>
    %reduce_sum3A_7 = arith.constant dense<0.000000e+00> : vector<2048xf32>
    %reduce_sum3A_8 = vector.multi_reduction <add>, %mul3A_6, %reduce_sum3A_7 [0] : vector<3x2048xf32> to vector<2048xf32>
    %broadcast_in_dim3A_9 = vector.shape_cast %reduce_sum3A_8 : vector<2048xf32> to vector<1x2048xf32>
    %add3A = vector.broadcast %broadcast_in_dim3A : vector<400x1xf32> to vector<400x2048xf32>
    %add3A_10 = vector.broadcast %broadcast_in_dim3A_9 : vector<1x2048xf32> to vector<400x2048xf32>
    %add3A_11 = arith.addf %add3A, %add3A_10 : vector<400x2048xf32>
    %dot_general3A = arith.constant dense<0.000000e+00> : vector<400x2048xf32>
    %dot_general3A_12 = tpu.matmul %get3A_1, %get3A_4, %dot_general3A {dimension_numbers = #tpu.dot_dimension_numbers<[1], [0], [0], [1], [0, 0, 1, 1], [], []>, transpose_lhs_hint = false} : vector<400x3xf32>, vector<3x2048xf32>, vector<400x2048xf32> -> vector<400x2048xf32>
    %mul3A_13 = arith.constant 2.000000e+00 : f32
    %mul3A_14 = vector.broadcast %mul3A_13 : f32 to vector<400x2048xf32>
    %mul3A_15 = arith.mulf %mul3A_14, %dot_general3A_12 : vector<400x2048xf32>
    %sub3A = arith.subf %add3A_11, %mul3A_15 : vector<400x2048xf32>
    %iota3A = tpu.iota {dimensions = array<i32: 1>} : vector<1x2048xi32>
    %broadcast_in_dim3A_16 = arith.constant 0.000000e+00 : f32
    %broadcast_in_dim3A_17 = vector.broadcast %broadcast_in_dim3A_16 : f32 to vector<400x2048xf32>
    %broadcast_in_dim3A_18 = arith.constant 0.000000e+00 : f32
    %broadcast_in_dim3A_19 = vector.broadcast %broadcast_in_dim3A_18 : f32 to vector<400x1xf32>
    %reduce_min3A = arith.constant dense<0x7F800000> : vector<400xf32>
    %reduce_min3A_20 = vector.multi_reduction <minimumf>, %sub3A, %reduce_min3A [1] : vector<400x2048xf32> to vector<400xf32>
    %broadcast_in_dim3A_21 = vector.shape_cast %reduce_min3A_20 : vector<400xf32> to vector<400x1xf32>
    %argmin3A = tpu.reduce_index %sub3A {axis = 1 : i32, kind = #tpu.reduction_kind<arg_min>} : vector<400x2048xf32> -> vector<400xi32>
    %broadcast_in_dim3A_22 = vector.shape_cast %argmin3A : vector<400xi32> to vector<400x1xi32>
    %eq3A = vector.broadcast %iota3A : vector<1x2048xi32> to vector<400x2048xi32>
    %eq3A_23 = vector.broadcast %broadcast_in_dim3A_22 : vector<400x1xi32> to vector<400x2048xi32>
    %eq3A_24 = arith.cmpi eq, %eq3A, %eq3A_23 : vector<400x2048xi32>
    %convert_element_type3A = arith.extui %eq3A_24 : vector<400x2048xi1> to vector<400x2048xi32>
    %convert_element_type3A_25 = arith.sitofp %convert_element_type3A : vector<400x2048xi32> to vector<400x2048xf32>
    %max3A = arith.constant 0.000000e+00 : f32
    %max3A_26 = vector.broadcast %max3A : f32 to vector<400x1xf32>
    %max3A_27 = arith.maximumf %broadcast_in_dim3A_21, %max3A_26 : vector<400x1xf32>
    %add3A_28 = arith.constant 9.99999993E-9 : f32
    %add3A_29 = vector.broadcast %add3A_28 : f32 to vector<400x1xf32>
    %add3A_30 = arith.addf %max3A_27, %add3A_29 : vector<400x1xf32>
    %div3A = arith.constant 1.000000e+00 : f32
    %div3A_31 = vector.broadcast %div3A : f32 to vector<400x1xf32>
    %div3A_32 = arith.divf %div3A_31, %add3A_30 : vector<400x1xf32>
    %mul3A_33 = vector.broadcast %div3A_32 : vector<400x1xf32> to vector<400x2048xf32>
    %mul3A_34 = arith.mulf %convert_element_type3A_25, %mul3A_33 : vector<400x2048xf32>
    %add3A_35 = arith.addf %broadcast_in_dim3A_17, %mul3A_34 : vector<400x2048xf32>
    %add3A_36 = arith.addf %broadcast_in_dim3A_19, %div3A_32 : vector<400x1xf32>
    %mul3A_37 = arith.constant 1.000000e+30 : f32
    %mul3A_38 = vector.broadcast %mul3A_37 : f32 to vector<400x2048xf32>
    %mul3A_39 = arith.mulf %convert_element_type3A_25, %mul3A_38 : vector<400x2048xf32>
    %add3A_40 = arith.addf %sub3A, %mul3A_39 : vector<400x2048xf32>
    %reduce_min3A_41 = arith.constant dense<0x7F800000> : vector<400xf32>
    %reduce_min3A_42 = vector.multi_reduction <minimumf>, %add3A_40, %reduce_min3A_41 [1] : vector<400x2048xf32> to vector<400xf32>
    %broadcast_in_dim3A_43 = vector.shape_cast %reduce_min3A_42 : vector<400xf32> to vector<400x1xf32>
    %argmin3A_44 = tpu.reduce_index %add3A_40 {axis = 1 : i32, kind = #tpu.reduction_kind<arg_min>} : vector<400x2048xf32> -> vector<400xi32>
    %broadcast_in_dim3A_45 = vector.shape_cast %argmin3A_44 : vector<400xi32> to vector<400x1xi32>
    %eq3A_46 = vector.broadcast %iota3A : vector<1x2048xi32> to vector<400x2048xi32>
    %eq3A_47 = vector.broadcast %broadcast_in_dim3A_45 : vector<400x1xi32> to vector<400x2048xi32>
    %eq3A_48 = arith.cmpi eq, %eq3A_46, %eq3A_47 : vector<400x2048xi32>
    %convert_element_type3A_49 = arith.extui %eq3A_48 : vector<400x2048xi1> to vector<400x2048xi32>
    %convert_element_type3A_50 = arith.sitofp %convert_element_type3A_49 : vector<400x2048xi32> to vector<400x2048xf32>
    %max3A_51 = arith.constant 0.000000e+00 : f32
    %max3A_52 = vector.broadcast %max3A_51 : f32 to vector<400x1xf32>
    %max3A_53 = arith.maximumf %broadcast_in_dim3A_43, %max3A_52 : vector<400x1xf32>
    %add3A_54 = arith.constant 9.99999993E-9 : f32
    %add3A_55 = vector.broadcast %add3A_54 : f32 to vector<400x1xf32>
    %add3A_56 = arith.addf %max3A_53, %add3A_55 : vector<400x1xf32>
    %div3A_57 = arith.constant 1.000000e+00 : f32
    %div3A_58 = vector.broadcast %div3A_57 : f32 to vector<400x1xf32>
    %div3A_59 = arith.divf %div3A_58, %add3A_56 : vector<400x1xf32>
    %mul3A_60 = vector.broadcast %div3A_59 : vector<400x1xf32> to vector<400x2048xf32>
    %mul3A_61 = arith.mulf %convert_element_type3A_50, %mul3A_60 : vector<400x2048xf32>
    %add3A_62 = arith.addf %add3A_35, %mul3A_61 : vector<400x2048xf32>
    %add3A_63 = arith.addf %add3A_36, %div3A_59 : vector<400x1xf32>
    %mul3A_64 = arith.constant 1.000000e+30 : f32
    %mul3A_65 = vector.broadcast %mul3A_64 : f32 to vector<400x2048xf32>
    %mul3A_66 = arith.mulf %convert_element_type3A_50, %mul3A_65 : vector<400x2048xf32>
    %add3A_67 = arith.addf %add3A_40, %mul3A_66 : vector<400x2048xf32>
    %reduce_min3A_68 = arith.constant dense<0x7F800000> : vector<400xf32>
    %reduce_min3A_69 = vector.multi_reduction <minimumf>, %add3A_67, %reduce_min3A_68 [1] : vector<400x2048xf32> to vector<400xf32>
    %broadcast_in_dim3A_70 = vector.shape_cast %reduce_min3A_69 : vector<400xf32> to vector<400x1xf32>
    %argmin3A_71 = tpu.reduce_index %add3A_67 {axis = 1 : i32, kind = #tpu.reduction_kind<arg_min>} : vector<400x2048xf32> -> vector<400xi32>
    %broadcast_in_dim3A_72 = vector.shape_cast %argmin3A_71 : vector<400xi32> to vector<400x1xi32>
    %eq3A_73 = vector.broadcast %iota3A : vector<1x2048xi32> to vector<400x2048xi32>
    %eq3A_74 = vector.broadcast %broadcast_in_dim3A_72 : vector<400x1xi32> to vector<400x2048xi32>
    %eq3A_75 = arith.cmpi eq, %eq3A_73, %eq3A_74 : vector<400x2048xi32>
    %convert_element_type3A_76 = arith.extui %eq3A_75 : vector<400x2048xi1> to vector<400x2048xi32>
    %convert_element_type3A_77 = arith.sitofp %convert_element_type3A_76 : vector<400x2048xi32> to vector<400x2048xf32>
    %max3A_78 = arith.constant 0.000000e+00 : f32
    %max3A_79 = vector.broadcast %max3A_78 : f32 to vector<400x1xf32>
    %max3A_80 = arith.maximumf %broadcast_in_dim3A_70, %max3A_79 : vector<400x1xf32>
    %add3A_81 = arith.constant 9.99999993E-9 : f32
    %add3A_82 = vector.broadcast %add3A_81 : f32 to vector<400x1xf32>
    %add3A_83 = arith.addf %max3A_80, %add3A_82 : vector<400x1xf32>
    %div3A_84 = arith.constant 1.000000e+00 : f32
    %div3A_85 = vector.broadcast %div3A_84 : f32 to vector<400x1xf32>
    %div3A_86 = arith.divf %div3A_85, %add3A_83 : vector<400x1xf32>
    %mul3A_87 = vector.broadcast %div3A_86 : vector<400x1xf32> to vector<400x2048xf32>
    %mul3A_88 = arith.mulf %convert_element_type3A_77, %mul3A_87 : vector<400x2048xf32>
    %add3A_89 = arith.addf %add3A_62, %mul3A_88 : vector<400x2048xf32>
    %add3A_90 = arith.addf %add3A_63, %div3A_86 : vector<400x1xf32>
    %div3A_91 = vector.broadcast %add3A_90 : vector<400x1xf32> to vector<400x2048xf32>
    %div3A_92 = arith.divf %add3A_89, %div3A_91 : vector<400x2048xf32>
    %get3A_93 = arith.constant 0 : index
    %get3A_94 = arith.constant 0 : index
    %get3A_95 = vector.load %arg4[%get3A_93, %get3A_94] : memref<2048x256xf32, #tpu.memory_space<vmem>>, vector<2048x256xf32>
    %dot_general3A_96 = arith.constant dense<0.000000e+00> : vector<400x256xf32>
    %dot_general3A_97 = tpu.matmul %div3A_92, %get3A_95, %dot_general3A_96 {dimension_numbers = #tpu.dot_dimension_numbers<[1], [0], [0], [1], [0, 0, 1, 1], [], []>, transpose_lhs_hint = false} : vector<400x2048xf32>, vector<2048x256xf32>, vector<400x256xf32> -> vector<400x256xf32>
    %get3A_98 = arith.constant 0 : index
    %get3A_99 = arith.constant 0 : index
    %get3A_100 = vector.load %arg2[%get3A_98, %get3A_99] : memref<400x3xf32, #tpu.memory_space<vmem>>, vector<400x3xf32>
    %concatenate3A = tpu.concatenate %dot_general3A_97, %get3A_100 in 1 : vector<400x256xf32>, vector<400x3xf32> -> vector<400x259xf32>
    %get3A_101 = arith.constant 0 : index
    %get3A_102 = arith.constant 0 : index
    %get3A_103 = vector.load %arg5[%get3A_101, %get3A_102] : memref<259x256xf32, #tpu.memory_space<vmem>>, vector<259x256xf32>
    %dot_general3A_104 = arith.constant dense<0.000000e+00> : vector<400x256xf32>
    %dot_general3A_105 = tpu.matmul %concatenate3A, %get3A_103, %dot_general3A_104 {dimension_numbers = #tpu.dot_dimension_numbers<[1], [0], [0], [1], [0, 0, 1, 1], [], []>, transpose_lhs_hint = false} : vector<400x259xf32>, vector<259x256xf32>, vector<400x256xf32> -> vector<400x256xf32>
    %get3A_106 = arith.constant 0 : index
    %get3A_107 = arith.constant 0 : index
    %get3A_108 = vector.load %arg6[%get3A_106, %get3A_107] : memref<1x256xf32, #tpu.memory_space<vmem>>, vector<1x256xf32>
    %add3A_109 = vector.broadcast %get3A_108 : vector<1x256xf32> to vector<400x256xf32>
    %add3A_110 = arith.addf %dot_general3A_105, %add3A_109 : vector<400x256xf32>
    %max3A_111 = arith.constant 0.000000e+00 : f32
    %max3A_112 = vector.broadcast %max3A_111 : f32 to vector<400x256xf32>
    %max3A_113 = arith.maximumf %add3A_110, %max3A_112 : vector<400x256xf32>
    %get3A_114 = arith.constant 0 : index
    %get3A_115 = arith.constant 0 : index
    %get3A_116 = vector.load %arg7[%get3A_114, %get3A_115] : memref<256x128xf32, #tpu.memory_space<vmem>>, vector<256x128xf32>
    %dot_general3A_117 = arith.constant dense<0.000000e+00> : vector<400x128xf32>
    %dot_general3A_118 = tpu.matmul %max3A_113, %get3A_116, %dot_general3A_117 {dimension_numbers = #tpu.dot_dimension_numbers<[1], [0], [0], [1], [0, 0, 1, 1], [], []>, transpose_lhs_hint = false} : vector<400x256xf32>, vector<256x128xf32>, vector<400x128xf32> -> vector<400x128xf32>
    %get3A_119 = arith.constant 0 : index
    %get3A_120 = arith.constant 0 : index
    %get3A_121 = vector.load %arg8[%get3A_119, %get3A_120] : memref<1x128xf32, #tpu.memory_space<vmem>>, vector<1x128xf32>
    %add3A_122 = vector.broadcast %get3A_121 : vector<1x128xf32> to vector<400x128xf32>
    %add3A_123 = arith.addf %dot_general3A_118, %add3A_122 : vector<400x128xf32>
    %max3A_124 = arith.constant 0.000000e+00 : f32
    %max3A_125 = vector.broadcast %max3A_124 : f32 to vector<400x128xf32>
    %max3A_126 = arith.maximumf %add3A_123, %max3A_125 : vector<400x128xf32>
    %swap3A = arith.constant 0 : index
    %swap3A_127 = arith.constant 0 : index
    %swap3A_128 = vector.load %arg9[%swap3A, %swap3A_127] : memref<400x128xf32, #tpu.memory_space<vmem>>, vector<400x128xf32>
    tpu.vector_store %arg9[%swap3A, %swap3A_127], %max3A_126 {strides = array<i32>} : memref<400x128xf32, #tpu.memory_space<vmem>>, vector<400x128xf32>,
    return
  }
  func.func @transform_0(%arg0: i32) -> (i32, i32) {
    %c0_i32 = arith.constant 0 : i32
    %c0_i32_0 = arith.constant 0 : i32
    return %arg0, %c0_i32 : i32, i32
  }
  func.func @transform_1(%arg0: i32) -> (i32, i32) {
    %c0_i32 = arith.constant 0 : i32
    %c0_i32_0 = arith.constant 0 : i32
    return %arg0, %c0_i32 : i32, i32
  }
  func.func @transform_2(%arg0: i32) -> (i32, i32) {
    %c0_i32 = arith.constant 0 : i32
    %c0_i32_0 = arith.constant 0 : i32
    %c0_i32_1 = arith.constant 0 : i32
    return %c0_i32, %c0_i32_0 : i32, i32
  }
  func.func @transform_3(%arg0: i32) -> (i32, i32) {
    %c0_i32 = arith.constant 0 : i32
    %c0_i32_0 = arith.constant 0 : i32
    %c0_i32_1 = arith.constant 0 : i32
    return %c0_i32, %c0_i32_0 : i32, i32
  }
  func.func @transform_4(%arg0: i32) -> (i32, i32) {
    %c0_i32 = arith.constant 0 : i32
    %c0_i32_0 = arith.constant 0 : i32
    %c0_i32_1 = arith.constant 0 : i32
    return %c0_i32, %c0_i32_0 : i32, i32
  }
  func.func @transform_5(%arg0: i32) -> (i32, i32) {
    %c0_i32 = arith.constant 0 : i32
    %c0_i32_0 = arith.constant 0 : i32
    %c0_i32_1 = arith.constant 0 : i32
    return %c0_i32, %c0_i32_0 : i32, i32
  }
  func.func @transform_6(%arg0: i32) -> (i32, i32) {
    %c0_i32 = arith.constant 0 : i32
    %c0_i32_0 = arith.constant 0 : i32
    %c0_i32_1 = arith.constant 0 : i32
    return %c0_i32, %c0_i32_0 : i32, i32
  }
  func.func @transform_7(%arg0: i32) -> (i32, i32) {
    %c0_i32 = arith.constant 0 : i32
    %c0_i32_0 = arith.constant 0 : i32
    %c0_i32_1 = arith.constant 0 : i32
    return %c0_i32, %c0_i32_0 : i32, i32
  }
  func.func @transform_8(%arg0: i32) -> (i32, i32) {
    %c0_i32 = arith.constant 0 : i32
    %c0_i32_0 = arith.constant 0 : i32
    return %arg0, %c0_i32 : i32, i32
  }
}

module attributes {stable_mosaic.version = 14 : i64} {
  func.func @_head_kernel(%arg0: i32, %arg1: memref<2000x3xf32, #tpu.memory_space<vmem>>, %arg2: memref<2000x128xf32, #tpu.memory_space<vmem>>, %arg3: memref<131x128xf32, #tpu.memory_space<vmem>>, %arg4: memref<1x128xf32, #tpu.memory_space<vmem>>, %arg5: memref<128x1xf32, #tpu.memory_space<vmem>>, %arg6: memref<1x1xf32, #tpu.memory_space<vmem>>, %arg7: memref<131x128xf32, #tpu.memory_space<vmem>>, %arg8: memref<1x128xf32, #tpu.memory_space<vmem>>, %arg9: memref<128x3xf32, #tpu.memory_space<vmem>>, %arg10: memref<1x3xf32, #tpu.memory_space<vmem>>, %arg11: memref<131x128xf32, #tpu.memory_space<vmem>>, %arg12: memref<1x128xf32, #tpu.memory_space<vmem>>, %arg13: memref<128x3xf32, #tpu.memory_space<vmem>>, %arg14: memref<1x3xf32, #tpu.memory_space<vmem>>, %arg15: memref<131x128xf32, #tpu.memory_space<vmem>>, %arg16: memref<1x128xf32, #tpu.memory_space<vmem>>, %arg17: memref<128x1xf32, #tpu.memory_space<vmem>>, %arg18: memref<1x1xf32, #tpu.memory_space<vmem>>, %arg19: memref<2000x8xf32, #tpu.memory_space<vmem>>, %arg20: memref<1x2xf32, #tpu.memory_space<vmem>>) attributes {dimension_semantics = [#tpu.dimension_semantics<arbitrary>], iteration_bounds = array<i64: 5>, scalar_prefetch = 0 : i64, scratch_operands = 0 : i64, tpu.core_type = #tpu.core_type<tc>, window_params = [{transform_indices = @transform_0, window_bounds = array<i64: 2000, 3>}, {transform_indices = @transform_1, window_bounds = array<i64: 2000, 128>}, {pipeline_mode = #tpu.pipeline_mode<synchronous>, transform_indices = @transform_2, window_bounds = array<i64: 131, 128>}, {pipeline_mode = #tpu.pipeline_mode<synchronous>, transform_indices = @transform_3, window_bounds = array<i64: 1, 128>}, {pipeline_mode = #tpu.pipeline_mode<synchronous>, transform_indices = @transform_4, window_bounds = array<i64: 128, 1>}, {pipeline_mode = #tpu.pipeline_mode<synchronous>, transform_indices = @transform_5, window_bounds = array<i64: 1, 1>}, {pipeline_mode = #tpu.pipeline_mode<synchronous>, transform_indices = @transform_6, window_bounds = array<i64: 131, 128>}, {pipeline_mode = #tpu.pipeline_mode<synchronous>, transform_indices = @transform_7, window_bounds = array<i64: 1, 128>}, {pipeline_mode = #tpu.pipeline_mode<synchronous>, transform_indices = @transform_8, window_bounds = array<i64: 128, 3>}, {pipeline_mode = #tpu.pipeline_mode<synchronous>, transform_indices = @transform_9, window_bounds = array<i64: 1, 3>}, {pipeline_mode = #tpu.pipeline_mode<synchronous>, transform_indices = @transform_10, window_bounds = array<i64: 131, 128>}, {pipeline_mode = #tpu.pipeline_mode<synchronous>, transform_indices = @transform_11, window_bounds = array<i64: 1, 128>}, {pipeline_mode = #tpu.pipeline_mode<synchronous>, transform_indices = @transform_12, window_bounds = array<i64: 128, 3>}, {pipeline_mode = #tpu.pipeline_mode<synchronous>, transform_indices = @transform_13, window_bounds = array<i64: 1, 3>}, {pipeline_mode = #tpu.pipeline_mode<synchronous>, transform_indices = @transform_14, window_bounds = array<i64: 131, 128>}, {pipeline_mode = #tpu.pipeline_mode<synchronous>, transform_indices = @transform_15, window_bounds = array<i64: 1, 128>}, {pipeline_mode = #tpu.pipeline_mode<synchronous>, transform_indices = @transform_16, window_bounds = array<i64: 128, 1>}, {pipeline_mode = #tpu.pipeline_mode<synchronous>, transform_indices = @transform_17, window_bounds = array<i64: 1, 1>}, {transform_indices = @transform_18, window_bounds = array<i64: 2000, 8>}, {pipeline_mode = #tpu.pipeline_mode<synchronous>, transform_indices = @transform_19, window_bounds = array<i64: 1, 2>}]} {
    %get3A = arith.constant 0 : index
    %get3A_0 = arith.constant 0 : index
    %get3A_1 = vector.load %arg1[%get3A, %get3A_0] : memref<2000x3xf32, #tpu.memory_space<vmem>>, vector<2000x3xf32>
    %get3A_2 = arith.constant 0 : index
    %get3A_3 = arith.constant 0 : index
    %get3A_4 = vector.load %arg2[%get3A_2, %get3A_3] : memref<2000x128xf32, #tpu.memory_space<vmem>>, vector<2000x128xf32>
    %concatenate3A = tpu.concatenate %get3A_1, %get3A_4 in 1 : vector<2000x3xf32>, vector<2000x128xf32> -> vector<2000x131xf32>
    %get3A_5 = arith.constant 0 : index
    %get3A_6 = arith.constant 0 : index
    %get3A_7 = vector.load %arg3[%get3A_5, %get3A_6] : memref<131x128xf32, #tpu.memory_space<vmem>>, vector<131x128xf32>
    %dot_general3A = arith.constant dense<0.000000e+00> : vector<2000x128xf32>
    %dot_general3A_8 = tpu.matmul %concatenate3A, %get3A_7, %dot_general3A {dimension_numbers = #tpu.dot_dimension_numbers<[1], [0], [0], [1], [0, 0, 1, 1], [], []>, transpose_lhs_hint = false} : vector<2000x131xf32>, vector<131x128xf32>, vector<2000x128xf32> -> vector<2000x128xf32>
    %get3A_9 = arith.constant 0 : index
    %get3A_10 = arith.constant 0 : index
    %get3A_11 = vector.load %arg4[%get3A_9, %get3A_10] : memref<1x128xf32, #tpu.memory_space<vmem>>, vector<1x128xf32>
    %add3A = vector.broadcast %get3A_11 : vector<1x128xf32> to vector<2000x128xf32>
    %add3A_12 = arith.addf %dot_general3A_8, %add3A : vector<2000x128xf32>
    %max3A = arith.constant 0.000000e+00 : f32
    %max3A_13 = vector.broadcast %max3A : f32 to vector<2000x128xf32>
    %max3A_14 = arith.maximumf %add3A_12, %max3A_13 : vector<2000x128xf32>
    %get3A_15 = arith.constant 0 : index
    %get3A_16 = arith.constant 0 : index
    %get3A_17 = vector.load %arg5[%get3A_15, %get3A_16] : memref<128x1xf32, #tpu.memory_space<vmem>>, vector<128x1xf32>
    %dot_general3A_18 = arith.constant dense<0.000000e+00> : vector<2000x1xf32>
    %dot_general3A_19 = tpu.matmul %max3A_14, %get3A_17, %dot_general3A_18 {dimension_numbers = #tpu.dot_dimension_numbers<[1], [0], [0], [1], [0, 0, 1, 1], [], []>, transpose_lhs_hint = false} : vector<2000x128xf32>, vector<128x1xf32>, vector<2000x1xf32> -> vector<2000x1xf32>
    %get3A_20 = arith.constant 0 : index
    %get3A_21 = arith.constant 0 : index
    %get3A_22 = vector.load %arg6[%get3A_20, %get3A_21] : memref<1x1xf32, #tpu.memory_space<vmem>>, vector<1x1xf32>
    %add3A_23 = vector.broadcast %get3A_22 : vector<1x1xf32> to vector<2000x1xf32>
    %add3A_24 = arith.addf %dot_general3A_19, %add3A_23 : vector<2000x1xf32>
    %logistic3A = arith.negf %add3A_24 : vector<2000x1xf32>
    %logistic3A_25 = math.exp %logistic3A : vector<2000x1xf32>
    %logistic3A_26 = arith.constant 1.000000e+00 : f32
    %logistic3A_27 = vector.broadcast %logistic3A_26 : f32 to vector<2000x1xf32>
    %logistic3A_28 = arith.addf %logistic3A_27, %logistic3A_25 : vector<2000x1xf32>
    %logistic3A_29 = arith.divf %logistic3A_27, %logistic3A_28 : vector<2000x1xf32>
    %get3A_30 = arith.constant 0 : index
    %get3A_31 = arith.constant 0 : index
    %get3A_32 = vector.load %arg7[%get3A_30, %get3A_31] : memref<131x128xf32, #tpu.memory_space<vmem>>, vector<131x128xf32>
    %dot_general3A_33 = arith.constant dense<0.000000e+00> : vector<2000x128xf32>
    %dot_general3A_34 = tpu.matmul %concatenate3A, %get3A_32, %dot_general3A_33 {dimension_numbers = #tpu.dot_dimension_numbers<[1], [0], [0], [1], [0, 0, 1, 1], [], []>, transpose_lhs_hint = false} : vector<2000x131xf32>, vector<131x128xf32>, vector<2000x128xf32> -> vector<2000x128xf32>
    %get3A_35 = arith.constant 0 : index
    %get3A_36 = arith.constant 0 : index
    %get3A_37 = vector.load %arg8[%get3A_35, %get3A_36] : memref<1x128xf32, #tpu.memory_space<vmem>>, vector<1x128xf32>
    %add3A_38 = vector.broadcast %get3A_37 : vector<1x128xf32> to vector<2000x128xf32>
    %add3A_39 = arith.addf %dot_general3A_34, %add3A_38 : vector<2000x128xf32>
    %max3A_40 = arith.constant 0.000000e+00 : f32
    %max3A_41 = vector.broadcast %max3A_40 : f32 to vector<2000x128xf32>
    %max3A_42 = arith.maximumf %add3A_39, %max3A_41 : vector<2000x128xf32>
    %get3A_43 = arith.constant 0 : index
    %get3A_44 = arith.constant 0 : index
    %get3A_45 = vector.load %arg9[%get3A_43, %get3A_44] : memref<128x3xf32, #tpu.memory_space<vmem>>, vector<128x3xf32>
    %dot_general3A_46 = arith.constant dense<0.000000e+00> : vector<2000x3xf32>
    %dot_general3A_47 = tpu.matmul %max3A_42, %get3A_45, %dot_general3A_46 {dimension_numbers = #tpu.dot_dimension_numbers<[1], [0], [0], [1], [0, 0, 1, 1], [], []>, transpose_lhs_hint = false} : vector<2000x128xf32>, vector<128x3xf32>, vector<2000x3xf32> -> vector<2000x3xf32>
    %get3A_48 = arith.constant 0 : index
    %get3A_49 = arith.constant 0 : index
    %get3A_50 = vector.load %arg10[%get3A_48, %get3A_49] : memref<1x3xf32, #tpu.memory_space<vmem>>, vector<1x3xf32>
    %add3A_51 = vector.broadcast %get3A_50 : vector<1x3xf32> to vector<2000x3xf32>
    %add3A_52 = arith.addf %dot_general3A_47, %add3A_51 : vector<2000x3xf32>
    %get3A_53 = arith.constant 0 : index
    %get3A_54 = arith.constant 0 : index
    %get3A_55 = vector.load %arg11[%get3A_53, %get3A_54] : memref<131x128xf32, #tpu.memory_space<vmem>>, vector<131x128xf32>
    %dot_general3A_56 = arith.constant dense<0.000000e+00> : vector<2000x128xf32>
    %dot_general3A_57 = tpu.matmul %concatenate3A, %get3A_55, %dot_general3A_56 {dimension_numbers = #tpu.dot_dimension_numbers<[1], [0], [0], [1], [0, 0, 1, 1], [], []>, transpose_lhs_hint = false} : vector<2000x131xf32>, vector<131x128xf32>, vector<2000x128xf32> -> vector<2000x128xf32>
    %get3A_58 = arith.constant 0 : index
    %get3A_59 = arith.constant 0 : index
    %get3A_60 = vector.load %arg12[%get3A_58, %get3A_59] : memref<1x128xf32, #tpu.memory_space<vmem>>, vector<1x128xf32>
    %add3A_61 = vector.broadcast %get3A_60 : vector<1x128xf32> to vector<2000x128xf32>
    %add3A_62 = arith.addf %dot_general3A_57, %add3A_61 : vector<2000x128xf32>
    %max3A_63 = arith.constant 0.000000e+00 : f32
    %max3A_64 = vector.broadcast %max3A_63 : f32 to vector<2000x128xf32>
    %max3A_65 = arith.maximumf %add3A_62, %max3A_64 : vector<2000x128xf32>
    %get3A_66 = arith.constant 0 : index
    %get3A_67 = arith.constant 0 : index
    %get3A_68 = vector.load %arg13[%get3A_66, %get3A_67] : memref<128x3xf32, #tpu.memory_space<vmem>>, vector<128x3xf32>
    %dot_general3A_69 = arith.constant dense<0.000000e+00> : vector<2000x3xf32>
    %dot_general3A_70 = tpu.matmul %max3A_65, %get3A_68, %dot_general3A_69 {dimension_numbers = #tpu.dot_dimension_numbers<[1], [0], [0], [1], [0, 0, 1, 1], [], []>, transpose_lhs_hint = false} : vector<2000x128xf32>, vector<128x3xf32>, vector<2000x3xf32> -> vector<2000x3xf32>
    %get3A_71 = arith.constant 0 : index
    %get3A_72 = arith.constant 0 : index
    %get3A_73 = vector.load %arg14[%get3A_71, %get3A_72] : memref<1x3xf32, #tpu.memory_space<vmem>>, vector<1x3xf32>
    %add3A_74 = vector.broadcast %get3A_73 : vector<1x3xf32> to vector<2000x3xf32>
    %add3A_75 = arith.addf %dot_general3A_70, %add3A_74 : vector<2000x3xf32>
    %get3A_76 = arith.constant 0 : index
    %get3A_77 = arith.constant 0 : index
    %get3A_78 = vector.load %arg15[%get3A_76, %get3A_77] : memref<131x128xf32, #tpu.memory_space<vmem>>, vector<131x128xf32>
    %dot_general3A_79 = arith.constant dense<0.000000e+00> : vector<2000x128xf32>
    %dot_general3A_80 = tpu.matmul %concatenate3A, %get3A_78, %dot_general3A_79 {dimension_numbers = #tpu.dot_dimension_numbers<[1], [0], [0], [1], [0, 0, 1, 1], [], []>, transpose_lhs_hint = false} : vector<2000x131xf32>, vector<131x128xf32>, vector<2000x128xf32> -> vector<2000x128xf32>
    %get3A_81 = arith.constant 0 : index
    %get3A_82 = arith.constant 0 : index
    %get3A_83 = vector.load %arg16[%get3A_81, %get3A_82] : memref<1x128xf32, #tpu.memory_space<vmem>>, vector<1x128xf32>
    %add3A_84 = vector.broadcast %get3A_83 : vector<1x128xf32> to vector<2000x128xf32>
    %add3A_85 = arith.addf %dot_general3A_80, %add3A_84 : vector<2000x128xf32>
    %max3A_86 = arith.constant 0.000000e+00 : f32
    %max3A_87 = vector.broadcast %max3A_86 : f32 to vector<2000x128xf32>
    %max3A_88 = arith.maximumf %add3A_85, %max3A_87 : vector<2000x128xf32>
    %get3A_89 = arith.constant 0 : index
    %get3A_90 = arith.constant 0 : index
    %get3A_91 = vector.load %arg17[%get3A_89, %get3A_90] : memref<128x1xf32, #tpu.memory_space<vmem>>, vector<128x1xf32>
    %dot_general3A_92 = arith.constant dense<0.000000e+00> : vector<2000x1xf32>
    %dot_general3A_93 = tpu.matmul %max3A_88, %get3A_91, %dot_general3A_92 {dimension_numbers = #tpu.dot_dimension_numbers<[1], [0], [0], [1], [0, 0, 1, 1], [], []>, transpose_lhs_hint = false} : vector<2000x128xf32>, vector<128x1xf32>, vector<2000x1xf32> -> vector<2000x1xf32>
    %get3A_94 = arith.constant 0 : index
    %get3A_95 = arith.constant 0 : index
    %get3A_96 = vector.load %arg18[%get3A_94, %get3A_95] : memref<1x1xf32, #tpu.memory_space<vmem>>, vector<1x1xf32>
    %add3A_97 = vector.broadcast %get3A_96 : vector<1x1xf32> to vector<2000x1xf32>
    %add3A_98 = arith.addf %dot_general3A_93, %add3A_97 : vector<2000x1xf32>
    %concatenate3A_99 = tpu.concatenate %add3A_52, %add3A_75, %logistic3A_29, %add3A_98 in 1 : vector<2000x3xf32>, vector<2000x3xf32>, vector<2000x1xf32>, vector<2000x1xf32> -> vector<2000x8xf32>
    %swap3A = arith.constant 0 : index
    %swap3A_100 = arith.constant 0 : index
    %swap3A_101 = vector.load %arg19[%swap3A, %swap3A_100] : memref<2000x8xf32, #tpu.memory_space<vmem>>, vector<2000x8xf32>
    tpu.vector_store %arg19[%swap3A, %swap3A_100], %concatenate3A_99 {strides = array<i32>} : memref<2000x8xf32, #tpu.memory_space<vmem>>, vector<2000x8xf32>,
    %mul3A = arith.mulf %add3A_52, %add3A_52 : vector<2000x3xf32>
    %reduce_sum3A = vector.shape_cast %mul3A : vector<2000x3xf32> to vector<1x2000x3xf32>
    %reduce_sum3A_102 = arith.constant dense<0.000000e+00> : vector<1xf32>
    %reduce_sum3A_103 = vector.multi_reduction <add>, %reduce_sum3A, %reduce_sum3A_102 [1, 2] : vector<1x2000x3xf32> to vector<1xf32>
    %reduce_sum3A_104 = vector.shape_cast %reduce_sum3A_103 : vector<1xf32> to vector<1x1x1xf32>
    %reduce_sum3A_105 = vector.extract %reduce_sum3A_104[0, 0, 0] : f32 from vector<1x1x1xf32>
    %broadcast_in_dim3A = vector.broadcast %reduce_sum3A_105 : f32 to vector<1x1xf32>
    %mul3A_106 = arith.mulf %add3A_75, %add3A_75 : vector<2000x3xf32>
    %reduce_sum3A_107 = vector.shape_cast %mul3A_106 : vector<2000x3xf32> to vector<1x2000x3xf32>
    %reduce_sum3A_108 = arith.constant dense<0.000000e+00> : vector<1xf32>
    %reduce_sum3A_109 = vector.multi_reduction <add>, %reduce_sum3A_107, %reduce_sum3A_108 [1, 2] : vector<1x2000x3xf32> to vector<1xf32>
    %reduce_sum3A_110 = vector.shape_cast %reduce_sum3A_109 : vector<1xf32> to vector<1x1x1xf32>
    %reduce_sum3A_111 = vector.extract %reduce_sum3A_110[0, 0, 0] : f32 from vector<1x1x1xf32>
    %broadcast_in_dim3A_112 = vector.broadcast %reduce_sum3A_111 : f32 to vector<1x1xf32>
    %concatenate3A_113 = tpu.concatenate %broadcast_in_dim3A, %broadcast_in_dim3A_112 in 1 : vector<1x1xf32>, vector<1x1xf32> -> vector<1x2xf32>
    %eq3A = arith.constant 0 : i32
    %eq3A_114 = arith.cmpi eq, %arg0, %eq3A : i32
    %convert_element_type3A = arith.extui %eq3A_114 : i1 to i32
    %cond3A = arith.constant 0 : i32
    %cond3A_115 = arith.cmpi ne, %convert_element_type3A, %cond3A : i32
    scf.if %cond3A_115 {
      %broadcast_in_dim3A_123 = arith.constant 0.000000e+00 : f32
      %broadcast_in_dim3A_124 = vector.broadcast %broadcast_in_dim3A_123 : f32 to vector<1x2xf32>
      %swap3A_125 = arith.constant 0 : index
      %swap3A_126 = arith.constant 0 : index
      %swap3A_127 = vector.load %arg20[%swap3A_125, %swap3A_126] : memref<1x2xf32, #tpu.memory_space<vmem>>, vector<1x2xf32>
      tpu.vector_store %arg20[%swap3A_125, %swap3A_126], %broadcast_in_dim3A_124 {strides = array<i32>} : memref<1x2xf32, #tpu.memory_space<vmem>>, vector<1x2xf32>,
    } else {
    }
    %get3A_116 = arith.constant 0 : index
    %get3A_117 = arith.constant 0 : index
    %get3A_118 = vector.load %arg20[%get3A_116, %get3A_117] : memref<1x2xf32, #tpu.memory_space<vmem>>, vector<1x2xf32>
    %add3A_119 = arith.addf %get3A_118, %concatenate3A_113 : vector<1x2xf32>
    %swap3A_120 = arith.constant 0 : index
    %swap3A_121 = arith.constant 0 : index
    %swap3A_122 = vector.load %arg20[%swap3A_120, %swap3A_121] : memref<1x2xf32, #tpu.memory_space<vmem>>, vector<1x2xf32>
    tpu.vector_store %arg20[%swap3A_120, %swap3A_121], %add3A_119 {strides = array<i32>} : memref<1x2xf32, #tpu.memory_space<vmem>>, vector<1x2xf32>,
    return
  }
  func.func @transform_0(%arg0: i32) -> (i32, i32) {
    %c0_i32 = arith.constant 0 : i32
    %c0_i32_0 = arith.constant 0 : i32
    return %arg0, %c0_i32 : i32, i32
  }
  func.func @transform_1(%arg0: i32) -> (i32, i32) {
    %c0_i32 = arith.constant 0 : i32
    %c0_i32_0 = arith.constant 0 : i32
    return %arg0, %c0_i32 : i32, i32
  }
  func.func @transform_2(%arg0: i32) -> (i32, i32) {
    %c0_i32 = arith.constant 0 : i32
    %c0_i32_0 = arith.constant 0 : i32
    %c0_i32_1 = arith.constant 0 : i32
    return %c0_i32, %c0_i32_0 : i32, i32
  }
  func.func @transform_3(%arg0: i32) -> (i32, i32) {
    %c0_i32 = arith.constant 0 : i32
    %c0_i32_0 = arith.constant 0 : i32
    %c0_i32_1 = arith.constant 0 : i32
    return %c0_i32, %c0_i32_0 : i32, i32
  }
  func.func @transform_4(%arg0: i32) -> (i32, i32) {
    %c0_i32 = arith.constant 0 : i32
    %c0_i32_0 = arith.constant 0 : i32
    %c0_i32_1 = arith.constant 0 : i32
    return %c0_i32, %c0_i32_0 : i32, i32
  }
  func.func @transform_5(%arg0: i32) -> (i32, i32) {
    %c0_i32 = arith.constant 0 : i32
    %c0_i32_0 = arith.constant 0 : i32
    %c0_i32_1 = arith.constant 0 : i32
    return %c0_i32, %c0_i32_0 : i32, i32
  }
  func.func @transform_6(%arg0: i32) -> (i32, i32) {
    %c0_i32 = arith.constant 0 : i32
    %c0_i32_0 = arith.constant 0 : i32
    %c0_i32_1 = arith.constant 0 : i32
    return %c0_i32, %c0_i32_0 : i32, i32
  }
  func.func @transform_7(%arg0: i32) -> (i32, i32) {
    %c0_i32 = arith.constant 0 : i32
    %c0_i32_0 = arith.constant 0 : i32
    %c0_i32_1 = arith.constant 0 : i32
    return %c0_i32, %c0_i32_0 : i32, i32
  }
  func.func @transform_8(%arg0: i32) -> (i32, i32) {
    %c0_i32 = arith.constant 0 : i32
    %c0_i32_0 = arith.constant 0 : i32
    %c0_i32_1 = arith.constant 0 : i32
    return %c0_i32, %c0_i32_0 : i32, i32
  }
  func.func @transform_9(%arg0: i32) -> (i32, i32) {
    %c0_i32 = arith.constant 0 : i32
    %c0_i32_0 = arith.constant 0 : i32
    %c0_i32_1 = arith.constant 0 : i32
    return %c0_i32, %c0_i32_0 : i32, i32
  }
  func.func @transform_10(%arg0: i32) -> (i32, i32) {
    %c0_i32 = arith.constant 0 : i32
    %c0_i32_0 = arith.constant 0 : i32
    %c0_i32_1 = arith.constant 0 : i32
    return %c0_i32, %c0_i32_0 : i32, i32
  }
  func.func @transform_11(%arg0: i32) -> (i32, i32) {
    %c0_i32 = arith.constant 0 : i32
    %c0_i32_0 = arith.constant 0 : i32
    %c0_i32_1 = arith.constant 0 : i32
    return %c0_i32, %c0_i32_0 : i32, i32
  }
  func.func @transform_12(%arg0: i32) -> (i32, i32) {
    %c0_i32 = arith.constant 0 : i32
    %c0_i32_0 = arith.constant 0 : i32
    %c0_i32_1 = arith.constant 0 : i32
    return %c0_i32, %c0_i32_0 : i32, i32
  }
  func.func @transform_13(%arg0: i32) -> (i32, i32) {
    %c0_i32 = arith.constant 0 : i32
    %c0_i32_0 = arith.constant 0 : i32
    %c0_i32_1 = arith.constant 0 : i32
    return %c0_i32, %c0_i32_0 : i32, i32
  }
  func.func @transform_14(%arg0: i32) -> (i32, i32) {
    %c0_i32 = arith.constant 0 : i32
    %c0_i32_0 = arith.constant 0 : i32
    %c0_i32_1 = arith.constant 0 : i32
    return %c0_i32, %c0_i32_0 : i32, i32
  }
  func.func @transform_15(%arg0: i32) -> (i32, i32) {
    %c0_i32 = arith.constant 0 : i32
    %c0_i32_0 = arith.constant 0 : i32
    %c0_i32_1 = arith.constant 0 : i32
    return %c0_i32, %c0_i32_0 : i32, i32
  }
  func.func @transform_16(%arg0: i32) -> (i32, i32) {
    %c0_i32 = arith.constant 0 : i32
    %c0_i32_0 = arith.constant 0 : i32
    %c0_i32_1 = arith.constant 0 : i32
    return %c0_i32, %c0_i32_0 : i32, i32
  }
  func.func @transform_17(%arg0: i32) -> (i32, i32) {
    %c0_i32 = arith.constant 0 : i32
    %c0_i32_0 = arith.constant 0 : i32
    %c0_i32_1 = arith.constant 0 : i32
    return %c0_i32, %c0_i32_0 : i32, i32
  }
  func.func @transform_18(%arg0: i32) -> (i32, i32) {
    %c0_i32 = arith.constant 0 : i32
    %c0_i32_0 = arith.constant 0 : i32
    return %arg0, %c0_i32 : i32, i32
  }
  func.func @transform_19(%arg0: i32) -> (i32, i32) {
    %c0_i32 = arith.constant 0 : i32
    %c0_i32_0 = arith.constant 0 : i32
    %c0_i32_1 = arith.constant 0 : i32
    return %c0_i32, %c0_i32_0 : i32, i32
  }
}

module attributes {stable_mosaic.version = 14 : i64} {
  func.func @_grasp_kernel(%arg0: i32, %arg1: memref<2000x3xf32, #tpu.memory_space<vmem>>, %arg2: memref<2000x8xf32, #tpu.memory_space<vmem>>, %arg3: memref<1x2xf32, #tpu.memory_space<vmem>>, %arg4: memref<2000x16xf32, #tpu.memory_space<vmem>>, %arg5: memref<2000x2xf32, #tpu.memory_space<vmem>>) attributes {dimension_semantics = [#tpu.dimension_semantics<arbitrary>], iteration_bounds = array<i64: 5>, scalar_prefetch = 0 : i64, scratch_operands = 0 : i64, tpu.core_type = #tpu.core_type<tc>, window_params = [{transform_indices = @transform_0, window_bounds = array<i64: 2000, 3>}, {transform_indices = @transform_1, window_bounds = array<i64: 2000, 8>}, {pipeline_mode = #tpu.pipeline_mode<synchronous>, transform_indices = @transform_2, window_bounds = array<i64: 1, 2>}, {transform_indices = @transform_3, window_bounds = array<i64: 2000, 16>}, {transform_indices = @transform_4, window_bounds = array<i64: 2000, 2>}]} {
    %get3A = arith.constant 0 : index
    %get3A_0 = arith.constant 0 : index
    %get3A_1 = vector.load %arg1[%get3A, %get3A_0] : memref<2000x3xf32, #tpu.memory_space<vmem>>, vector<2000x3xf32>
    %get3A_2 = arith.constant 0 : index
    %get3A_3 = arith.constant 0 : index
    %get3A_4 = vector.load %arg2[%get3A_2, %get3A_3] : memref<2000x8xf32, #tpu.memory_space<vmem>>, vector<2000x8xf32>
    %slice3A = vector.extract_strided_slice %get3A_4 {offsets = [0, 0], sizes = [2000, 3], strides = [1, 1]} : vector<2000x8xf32> to vector<2000x3xf32>
    %slice3A_5 = vector.extract_strided_slice %get3A_4 {offsets = [0, 3], sizes = [2000, 3], strides = [1, 1]} : vector<2000x8xf32> to vector<2000x3xf32>
    %slice3A_6 = vector.extract_strided_slice %get3A_4 {offsets = [0, 6], sizes = [2000, 1], strides = [1, 1]} : vector<2000x8xf32> to vector<2000x1xf32>
    %slice3A_7 = vector.extract_strided_slice %get3A_4 {offsets = [0, 7], sizes = [2000, 1], strides = [1, 1]} : vector<2000x8xf32> to vector<2000x1xf32>
    %get3A_8 = arith.constant 0 : index
    %get3A_9 = arith.constant 0 : index
    %get3A_10 = vector.load %arg3[%get3A_8, %get3A_9] : memref<1x2xf32, #tpu.memory_space<vmem>>, vector<1x1xf32>
    %get3A_11 = vector.extract %get3A_10[0, 0] : f32 from vector<1x1xf32>
    %sqrt3A = math.sqrt %get3A_11 : f32
    %div3A = vector.broadcast %sqrt3A : f32 to vector<2000x3xf32>
    %div3A_12 = arith.divf %slice3A, %div3A : vector<2000x3xf32>
    %mul3A = arith.mulf %div3A_12, %slice3A_5 : vector<2000x3xf32>
    %reduce_sum3A = arith.constant dense<0.000000e+00> : vector<2000xf32>
    %reduce_sum3A_13 = vector.multi_reduction <add>, %mul3A, %reduce_sum3A [1] : vector<2000x3xf32> to vector<2000xf32>
    %broadcast_in_dim3A = vector.shape_cast %reduce_sum3A_13 : vector<2000xf32> to vector<2000x1xf32>
    %mul3A_14 = vector.broadcast %broadcast_in_dim3A : vector<2000x1xf32> to vector<2000x3xf32>
    %mul3A_15 = arith.mulf %div3A_12, %mul3A_14 : vector<2000x3xf32>
    %sub3A = arith.subf %slice3A_5, %mul3A_15 : vector<2000x3xf32>
    %get3A_16 = arith.constant 0 : index
    %get3A_17 = arith.constant 1 : index
    %get3A_18 = vector.load %arg3[%get3A_16, %get3A_17] : memref<1x2xf32, #tpu.memory_space<vmem>>, vector<1x1xf32>
    %get3A_19 = vector.extract %get3A_18[0, 0] : f32 from vector<1x1xf32>
    %sqrt3A_20 = math.sqrt %get3A_19 : f32
    %div3A_21 = vector.broadcast %sqrt3A_20 : f32 to vector<2000x3xf32>
    %div3A_22 = arith.divf %sub3A, %div3A_21 : vector<2000x3xf32>
    %mul3A_23 = arith.mulf %div3A_12, %div3A_12 : vector<2000x3xf32>
    %reduce_sum3A_24 = arith.constant dense<0.000000e+00> : vector<2000xf32>
    %reduce_sum3A_25 = vector.multi_reduction <add>, %mul3A_23, %reduce_sum3A_24 [1] : vector<2000x3xf32> to vector<2000xf32>
    %broadcast_in_dim3A_26 = vector.shape_cast %reduce_sum3A_25 : vector<2000xf32> to vector<2000x1xf32>
    %sqrt3A_27 = math.sqrt %broadcast_in_dim3A_26 : vector<2000x1xf32>
    %div3A_28 = vector.broadcast %sqrt3A_27 : vector<2000x1xf32> to vector<2000x3xf32>
    %div3A_29 = arith.divf %div3A_12, %div3A_28 : vector<2000x3xf32>
    %mul3A_30 = arith.mulf %div3A_22, %div3A_22 : vector<2000x3xf32>
    %reduce_sum3A_31 = arith.constant dense<0.000000e+00> : vector<2000xf32>
    %reduce_sum3A_32 = vector.multi_reduction <add>, %mul3A_30, %reduce_sum3A_31 [1] : vector<2000x3xf32> to vector<2000xf32>
    %broadcast_in_dim3A_33 = vector.shape_cast %reduce_sum3A_32 : vector<2000xf32> to vector<2000x1xf32>
    %sqrt3A_34 = math.sqrt %broadcast_in_dim3A_33 : vector<2000x1xf32>
    %div3A_35 = vector.broadcast %sqrt3A_34 : vector<2000x1xf32> to vector<2000x3xf32>
    %div3A_36 = arith.divf %div3A_22, %div3A_35 : vector<2000x3xf32>
    %slice3A_37 = vector.extract_strided_slice %div3A_36 {offsets = [0, 1], sizes = [2000, 1], strides = [1, 1]} : vector<2000x3xf32> to vector<2000x1xf32>
    %slice3A_38 = vector.extract_strided_slice %div3A_29 {offsets = [0, 2], sizes = [2000, 1], strides = [1, 1]} : vector<2000x3xf32> to vector<2000x1xf32>
    %mul3A_39 = arith.mulf %slice3A_37, %slice3A_38 : vector<2000x1xf32>
    %slice3A_40 = vector.extract_strided_slice %div3A_36 {offsets = [0, 2], sizes = [2000, 1], strides = [1, 1]} : vector<2000x3xf32> to vector<2000x1xf32>
    %slice3A_41 = vector.extract_strided_slice %div3A_29 {offsets = [0, 1], sizes = [2000, 1], strides = [1, 1]} : vector<2000x3xf32> to vector<2000x1xf32>
    %mul3A_42 = arith.mulf %slice3A_40, %slice3A_41 : vector<2000x1xf32>
    %sub3A_43 = arith.subf %mul3A_39, %mul3A_42 : vector<2000x1xf32>
    %slice3A_44 = vector.extract_strided_slice %div3A_36 {offsets = [0, 2], sizes = [2000, 1], strides = [1, 1]} : vector<2000x3xf32> to vector<2000x1xf32>
    %slice3A_45 = vector.extract_strided_slice %div3A_29 {offsets = [0, 0], sizes = [2000, 1], strides = [1, 1]} : vector<2000x3xf32> to vector<2000x1xf32>
    %mul3A_46 = arith.mulf %slice3A_44, %slice3A_45 : vector<2000x1xf32>
    %slice3A_47 = vector.extract_strided_slice %div3A_36 {offsets = [0, 0], sizes = [2000, 1], strides = [1, 1]} : vector<2000x3xf32> to vector<2000x1xf32>
    %slice3A_48 = vector.extract_strided_slice %div3A_29 {offsets = [0, 2], sizes = [2000, 1], strides = [1, 1]} : vector<2000x3xf32> to vector<2000x1xf32>
    %mul3A_49 = arith.mulf %slice3A_47, %slice3A_48 : vector<2000x1xf32>
    %sub3A_50 = arith.subf %mul3A_46, %mul3A_49 : vector<2000x1xf32>
    %slice3A_51 = vector.extract_strided_slice %div3A_36 {offsets = [0, 0], sizes = [2000, 1], strides = [1, 1]} : vector<2000x3xf32> to vector<2000x1xf32>
    %slice3A_52 = vector.extract_strided_slice %div3A_29 {offsets = [0, 1], sizes = [2000, 1], strides = [1, 1]} : vector<2000x3xf32> to vector<2000x1xf32>
    %mul3A_53 = arith.mulf %slice3A_51, %slice3A_52 : vector<2000x1xf32>
    %slice3A_54 = vector.extract_strided_slice %div3A_36 {offsets = [0, 1], sizes = [2000, 1], strides = [1, 1]} : vector<2000x3xf32> to vector<2000x1xf32>
    %slice3A_55 = vector.extract_strided_slice %div3A_29 {offsets = [0, 0], sizes = [2000, 1], strides = [1, 1]} : vector<2000x3xf32> to vector<2000x1xf32>
    %mul3A_56 = arith.mulf %slice3A_54, %slice3A_55 : vector<2000x1xf32>
    %sub3A_57 = arith.subf %mul3A_53, %mul3A_56 : vector<2000x1xf32>
    %concatenate3A = tpu.concatenate %sub3A_43, %sub3A_50, %sub3A_57 in 1 : vector<2000x1xf32>, vector<2000x1xf32>, vector<2000x1xf32> -> vector<2000x3xf32>
    %mul3A_58 = arith.mulf %concatenate3A, %concatenate3A : vector<2000x3xf32>
    %reduce_sum3A_59 = arith.constant dense<0.000000e+00> : vector<2000xf32>
    %reduce_sum3A_60 = vector.multi_reduction <add>, %mul3A_58, %reduce_sum3A_59 [1] : vector<2000x3xf32> to vector<2000xf32>
    %broadcast_in_dim3A_61 = vector.shape_cast %reduce_sum3A_60 : vector<2000xf32> to vector<2000x1xf32>
    %sqrt3A_62 = math.sqrt %broadcast_in_dim3A_61 : vector<2000x1xf32>
    %div3A_63 = vector.broadcast %sqrt3A_62 : vector<2000x1xf32> to vector<2000x3xf32>
    %div3A_64 = arith.divf %concatenate3A, %div3A_63 : vector<2000x3xf32>
    %mul3A_65 = arith.constant 5.000000e-01 : f32
    %mul3A_66 = vector.broadcast %mul3A_65 : f32 to vector<2000x1xf32>
    %mul3A_67 = arith.mulf %slice3A_7, %mul3A_66 : vector<2000x1xf32>
    %mul3A_68 = vector.broadcast %mul3A_67 : vector<2000x1xf32> to vector<2000x3xf32>
    %mul3A_69 = arith.mulf %mul3A_68, %div3A_29 : vector<2000x3xf32>
    %add3A = arith.addf %get3A_1, %mul3A_69 : vector<2000x3xf32>
    %mul3A_70 = arith.constant 1.034000e-01 : f32
    %mul3A_71 = vector.broadcast %mul3A_70 : f32 to vector<2000x3xf32>
    %mul3A_72 = arith.mulf %mul3A_71, %div3A_36 : vector<2000x3xf32>
    %sub3A_73 = arith.subf %add3A, %mul3A_72 : vector<2000x3xf32>
    %slice3A_74 = vector.extract_strided_slice %div3A_29 {offsets = [0, 0], sizes = [2000, 1], strides = [1, 1]} : vector<2000x3xf32> to vector<2000x1xf32>
    %slice3A_75 = vector.extract_strided_slice %div3A_64 {offsets = [0, 0], sizes = [2000, 1], strides = [1, 1]} : vector<2000x3xf32> to vector<2000x1xf32>
    %slice3A_76 = vector.extract_strided_slice %div3A_36 {offsets = [0, 0], sizes = [2000, 1], strides = [1, 1]} : vector<2000x3xf32> to vector<2000x1xf32>
    %slice3A_77 = vector.extract_strided_slice %sub3A_73 {offsets = [0, 0], sizes = [2000, 1], strides = [1, 1]} : vector<2000x3xf32> to vector<2000x1xf32>
    %slice3A_78 = vector.extract_strided_slice %div3A_29 {offsets = [0, 1], sizes = [2000, 1], strides = [1, 1]} : vector<2000x3xf32> to vector<2000x1xf32>
    %slice3A_79 = vector.extract_strided_slice %div3A_64 {offsets = [0, 1], sizes = [2000, 1], strides = [1, 1]} : vector<2000x3xf32> to vector<2000x1xf32>
    %slice3A_80 = vector.extract_strided_slice %div3A_36 {offsets = [0, 1], sizes = [2000, 1], strides = [1, 1]} : vector<2000x3xf32> to vector<2000x1xf32>
    %slice3A_81 = vector.extract_strided_slice %sub3A_73 {offsets = [0, 1], sizes = [2000, 1], strides = [1, 1]} : vector<2000x3xf32> to vector<2000x1xf32>
    %slice3A_82 = vector.extract_strided_slice %div3A_29 {offsets = [0, 2], sizes = [2000, 1], strides = [1, 1]} : vector<2000x3xf32> to vector<2000x1xf32>
    %slice3A_83 = vector.extract_strided_slice %div3A_64 {offsets = [0, 2], sizes = [2000, 1], strides = [1, 1]} : vector<2000x3xf32> to vector<2000x1xf32>
    %slice3A_84 = vector.extract_strided_slice %div3A_36 {offsets = [0, 2], sizes = [2000, 1], strides = [1, 1]} : vector<2000x3xf32> to vector<2000x1xf32>
    %slice3A_85 = vector.extract_strided_slice %sub3A_73 {offsets = [0, 2], sizes = [2000, 1], strides = [1, 1]} : vector<2000x3xf32> to vector<2000x1xf32>
    %broadcast_in_dim3A_86 = arith.constant 0.000000e+00 : f32
    %broadcast_in_dim3A_87 = vector.broadcast %broadcast_in_dim3A_86 : f32 to vector<2000x3xf32>
    %broadcast_in_dim3A_88 = arith.constant 1.000000e+00 : f32
    %broadcast_in_dim3A_89 = vector.broadcast %broadcast_in_dim3A_88 : f32 to vector<2000x1xf32>
    %concatenate3A_90 = tpu.concatenate %slice3A_74, %slice3A_75, %slice3A_76, %slice3A_77, %slice3A_78, %slice3A_79, %slice3A_80, %slice3A_81, %slice3A_82, %slice3A_83, %slice3A_84, %slice3A_85, %broadcast_in_dim3A_87, %broadcast_in_dim3A_89 in 1 : vector<2000x1xf32>, vector<2000x1xf32>, vector<2000x1xf32>, vector<2000x1xf32>, vector<2000x1xf32>, vector<2000x1xf32>, vector<2000x1xf32>, vector<2000x1xf32>, vector<2000x1xf32>, vector<2000x1xf32>, vector<2000x1xf32>, vector<2000x1xf32>, vector<2000x3xf32>, vector<2000x1xf32> -> vector<2000x16xf32>
    %swap3A = arith.constant 0 : index
    %swap3A_91 = arith.constant 0 : index
    %swap3A_92 = vector.load %arg4[%swap3A, %swap3A_91] : memref<2000x16xf32, #tpu.memory_space<vmem>>, vector<2000x16xf32>
    tpu.vector_store %arg4[%swap3A, %swap3A_91], %concatenate3A_90 {strides = array<i32>} : memref<2000x16xf32, #tpu.memory_space<vmem>>, vector<2000x16xf32>,
    %concatenate3A_93 = tpu.concatenate %slice3A_6, %slice3A_7 in 1 : vector<2000x1xf32>, vector<2000x1xf32> -> vector<2000x2xf32>
    %swap3A_94 = arith.constant 0 : index
    %swap3A_95 = arith.constant 0 : index
    %swap3A_96 = vector.load %arg5[%swap3A_94, %swap3A_95] : memref<2000x2xf32, #tpu.memory_space<vmem>>, vector<2000x2xf32>
    tpu.vector_store %arg5[%swap3A_94, %swap3A_95], %concatenate3A_93 {strides = array<i32>} : memref<2000x2xf32, #tpu.memory_space<vmem>>, vector<2000x2xf32>,
    return
  }
  func.func @transform_0(%arg0: i32) -> (i32, i32) {
    %c0_i32 = arith.constant 0 : i32
    %c0_i32_0 = arith.constant 0 : i32
    return %arg0, %c0_i32 : i32, i32
  }
  func.func @transform_1(%arg0: i32) -> (i32, i32) {
    %c0_i32 = arith.constant 0 : i32
    %c0_i32_0 = arith.constant 0 : i32
    return %arg0, %c0_i32 : i32, i32
  }
  func.func @transform_2(%arg0: i32) -> (i32, i32) {
    %c0_i32 = arith.constant 0 : i32
    %c0_i32_0 = arith.constant 0 : i32
    %c0_i32_1 = arith.constant 0 : i32
    return %c0_i32, %c0_i32_0 : i32, i32
  }
  func.func @transform_3(%arg0: i32) -> (i32, i32) {
    %c0_i32 = arith.constant 0 : i32
    %c0_i32_0 = arith.constant 0 : i32
    return %arg0, %c0_i32 : i32, i32
  }
  func.func @transform_4(%arg0: i32) -> (i32, i32) {
    %c0_i32 = arith.constant 0 : i32
    %c0_i32_0 = arith.constant 0 : i32
    return %arg0, %c0_i32 : i32, i32
  }
}

</mosaic_0001>

<sc_bundles>
// kernel: kernel.11.cloned.1.call-start
scs
__scs_entry_jumppad:
0x0: {  	(pc) =	sbr.rel $0x88, $3  }
0x1: {  	(tag) =	ssettag $0x0;
	lr =	simm.s32 $0x1  }
0x2: {  	[smem:$0x3F7B] =	sst lr;
	_ =	strace $0xD0000000  }
0x3: {  	_ = 	snop  }
0x4: {  	_ = 	snop  }
0x5: {  	_ = 	snop  }
0x6: {  	_ = 	snop  }
0x7: {  	_ = 	snop  }
__scs_overlays_trampoline_lowered:
0x8: {  	[smem:$0x3F8A] =	sst s0  }
0x9: {  	[smem:$0x3F8B] =	sst s1  }
0xa: {  	[smem:$0x3F8C] =	sst s2  }
0xb: {  	[smem:$0x3F8D] =	sst s3  }
0xc: {  	[smem:$0x3F8E] =	sst s4  }
0xd: {  	[smem:$0x3F8F] =	sst s5  }
0xe: {  	[smem:$0x3F90] =	sst s6  }
0xf: {  	[smem:$0x3F91] =	sst s7  }
0x10: {  	[smem:$0x3F92] =	sst s8  }
0x11: {  	[smem:$0x3F93] =	sst s9;
	s0 =	simm.s32 @!p0 $0x0  }
0x12: {  	s1 =	sld [smem:$0x3F79];
	s0 =	simm.s32 @p0 $0x1  }
0x13: {  	[smem:$0x3F94] =	sst s0;
	s0 =	simm.s32 @!p1 $0x0  }
0x14: {  	s2 =	sld [smem:$0x3F78];
	s0 =	simm.s32 @p1 $0x1  }
0x15: {  	[smem:$0x3F95] =	sst s0;
	s0 =	simm.s32 @!p2 $0x0  }
0x16: {  	s3 =	sld [smem:$0x3FDB];
	s0 =	simm.s32 @p2 $0x1  }
0x17: {  	s4 =	simm.s32 $0x1BF5;
	[smem:$0x3F97] =	sst s0  }
0x18: {  	s0 =	sld [smem:$0x3F7A];
	_ =	swait.ge [sflag:s4], $0x0  }
0x19: {  	s7 =	sld [smem:$0x3F7B]  }
0x1a: {  	s8 =	sadd.s32 $0xFFFFE003, lr  }
0x1b: {  	s9 =	sadd.s32 $0xFFFFFEF7, lr;
	s5 =	simm.s32 $0xFFFFFFFF;
	p2 =	slt.u32 s8, $0xFFFFF086  }
0x1c: {  	p1 =	slt.u32 s9, $0xF7A;
	s5 =	simm.s32 @!p2 $0x0  }
0x1d: {  	s5 =	simm.s32 @p1 $0x1;
	p0 =	seq.s32 s7, s2  }
0x1e: {  	s7 =	smul.u32 @!p0 $0xF7A, s2;
	p2 =	seq.s32 @!p0 s5, $0x0  }
0x1f: {  	s9 =	smul.u32 $0xF7A, s1;
	s8 =	simm.s32 @!p0 $0x1BF5;
	p2 =	por !p2, p0  }
0x20: {  	[sflag:s8] =	ssyncset.s32 @!p0 $0xFFFFF086;
	s6 =	sadd.s32 @!p0 s3, s7;
	s7 =	simm.s32 @!p0 $0x108  }
0x21: {  	s3 =	sadd.s32 s3, s9;
	s6 =	sadd.s32 @!p0 $0x88, s6;
	s7 =	simm.s32 @p2 $0x1082  }
0x22: {  	[simem:s7], [sflag:s8] =	dma.local @!p0 [hbm:s6], $0xF7A  }
0x23: {  	s9 =	sor.u32 $0xD0000000, s2;
	s6 =	simm.s32 $0x108;
	_ =	swait.ge @!p0 [sflag:s8], $0x0  }
0x24: {  	s3 =	sadd.s32 $0x88, s3;
	s6 =	simm.s32 @!p1 $0x1082;
	[sflag:s4] =	ssyncset.s32 $0xFFFFF086  }
0x25: {  	[simem:s6], [sflag:s4] =	dma.local [hbm:s3], $0xF7A  }
0x26: {  	[smem:$0x3F7B] =	sst s1;
	(tag) =	ssettag s2;
	_ =	strace s9  }
0x27: {  	s1 =	sld [smem:$0x3F8B]  }
0x28: {  	s2 =	sld [smem:$0x3F8C]  }
0x29: {  	s4 =	sld [smem:$0x3F8E]  }
0x2a: {  	p0 =	seq.s32 s5, $0x0;
	s5 =	sld [smem:$0x3F8F]  }
0x2b: {  	s6 =	sld [smem:$0x3F90]  }
0x2c: {  	s7 =	sld [smem:$0x3F91]  }
0x2d: {  	s3 =	simm.s32 $0x108;
	s8 =	sld [smem:$0x3F92]  }
0x2e: {  	s3 =	simm.s32 @!p0 $0x1082;
	s9 =	sld [smem:$0x3F93]  }
0x2f: {  	lr =	sadd.s32 s0, s3;
	s0 =	sld [smem:$0x3F8A]  }
0x30: {  	s3 =	sld [smem:$0x3F8D]  }
0x31: {  	[smem:$0x3F96] =	sst s10  }
0x32: {  	s10 =	sld [smem:$0x3F94];
	_ =	sdelay $0x3  }
0x33: {  	p0 =	seq.s32 s10, $0x1;
	s10 =	sld [smem:$0x3F96];
	_ =	sdelay $0x3  }
0x34: {  	[smem:$0x3F96] =	sst s10  }
0x35: {  	s10 =	sld [smem:$0x3F95];
	_ =	sdelay $0x3  }
0x36: {  	p1 =	seq.s32 s10, $0x1;
	s10 =	sld [smem:$0x3F96];
	_ =	sdelay $0x3  }
0x37: {  	[smem:$0x3F96] =	sst s10  }
0x38: {  	s10 =	sld [smem:$0x3F97]  }
0x39: {  	_ = 	snop;
	(pc) =	sbr.ind lr, $3  }
0x3a: {  	_ = 	snop  }
0x3b: {  	_ = 	snop  }
0x3c: {  	p2 =	seq.s32 s10, $0x1;
	s10 =	sld [smem:$0x3F96]  }
0x3d: {  	_ =	shalt  }
0x3e: {  	_ =	shalt  }
0x3f: {  	_ =	shalt  }
0x40: {  	_ =	shalt  }
0x41: {  	_ =	shalt  }
0x42: {  	_ =	shalt  }
0x43: {  	_ =	shalt  }
0x44: {  	_ =	shalt  }
0x45: {  	_ =	shalt  }
0x46: {  	_ =	shalt  }
0x47: {  	_ =	shalt  }
0x48: {  	_ =	shalt  }
0x49: {  	_ =	shalt  }
0x4a: {  	_ =	shalt  }
0x4b: {  	_ =	shalt  }
0x4c: {  	_ =	shalt  }
0x4d: {  	_ =	shalt  }
0x4e: {  	_ =	shalt  }
0x4f: {  	_ =	shalt  }
0x50: {  	_ =	shalt  }
0x51: {  	_ =	shalt  }
0x52: {  	_ =	shalt  }
0x53: {  	_ =	shalt  }
0x54: {  	_ =	shalt  }
0x55: {  	_ =	shalt  }
0x56: {  	_ =	shalt  }
0x57: {  	_ =	shalt  }
0x58: {  	_ =	shalt  }
0x59: {  	_ =	shalt  }
0x5a: {  	_ =	shalt  }
0x5b: {  	_ =	shalt  }
0x5c: {  	_ =	shalt  }
0x5d: {  	_ =	shalt  }
0x5e: {  	_ =	shalt  }
0x5f: {  	_ =	shalt  }
0x60: {  	_ =	shalt  }
0x61: {  	_ =	shalt  }
0x62: {  	_ =	shalt  }
0x63: {  	_ =	shalt  }
0x64: {  	_ =	shalt  }
0x65: {  	_ =	shalt  }
0x66: {  	_ =	shalt  }
0x67: {  	_ =	shalt  }
0x68: {  	_ =	shalt  }
0x69: {  	_ =	shalt  }
0x6a: {  	_ =	shalt  }
0x6b: {  	_ =	shalt  }
0x6c: {  	_ =	shalt  }
0x6d: {  	_ =	shalt  }
0x6e: {  	_ =	shalt  }
0x6f: {  	_ =	shalt  }
0x70: {  	_ =	shalt  }
0x71: {  	_ =	shalt  }
0x72: {  	_ =	shalt  }
0x73: {  	_ =	shalt  }
0x74: {  	_ =	shalt  }
0x75: {  	_ =	shalt  }
0x76: {  	_ =	shalt  }
0x77: {  	_ =	shalt  }
0x78: {  	_ =	shalt  }
0x79: {  	_ =	shalt  }
0x7a: {  	_ =	shalt  }
0x7b: {  	_ =	shalt  }
0x7c: {  	_ =	shalt  }
0x7d: {  	_ =	shalt  }
0x7e: {  	_ =	shalt  }
0x7f: {  	_ =	shalt  }
0x80: {  	_ =	shalt  }
0x81: {  	_ =	shalt  }
0x82: {  	_ =	shalt  }
0x83: {  	_ =	shalt  }
0x84: {  	_ =	shalt  }
0x85: {  	_ =	shalt  }
0x86: {  	_ =	shalt  }
0x87: {  	_ =	shalt  }
.Lfunc_end0:
.L_simem_size_0:
called_computation_lowered:
.L_overlay_start_0:
0x88: {  	s2 =	sld [smem:$0x3FD9]  }
0x89: {  	s3 =	sld [smem:$0x3FFE];
	_ =	sdelay $0x1  }
0x8a: {  	s1 =	srdreg.scid  }
0x8b: {  	s0 =	sand.u32 $0x1, s1  }
0x8c: {  	s14 =	sshll.u32 s0, $0xA;
	s2 =	sadd.s32 s3, s2  }
0x8d: {  	s2 =	sadd.s32 s2, s14  }
0x8e: {  	[smem:$0x3FA2] =	sst s2  }
0x8f: {  	_ = 	snop  }
0x90: {  	s2 =	sld [smem:$0x3FD0];
	_ =	sdelay $0x2  }
0x91: {  	s15 =	simm.s32 $0xA;
	s4 =	simm.s32 $0x10  }
0x92: {  	[smem:s4], [sflag:s15] =	dma.local [hbm:s2], $0x1  }
0x93: {  	_ =	swait.eq [sflag:s15], $0x1  }
0x94: {  	[sflag:s15] =	ssyncset.done $0x0  }
0x95: {  	[sflag:s15] =	ssyncadd.s32 $0xFFFFFFFF  }
0x96: {  	s16 =	sld [smem:$0x10];
	(tm) =	ssettm $0x1  }
0x97: {  	s17 =	sld [smem:$0x3FFB];
	_ =	sdelay $0x3  }
0x98: {  	_ =	strace s17  }
0x99: {  	s3 =	sld [smem:$0x3FFC];
	_ =	sdelay $0x3  }
0x9a: {  	_ =	strace s3  }
0x9b: {  	s3 =	sld [smem:$0x3FFD];
	_ =	sdelay $0x3  }
0x9c: {  	_ =	strace s3  }
0x9d: {  	_ =	strace $0x8FFFFFFF  }
0x9e: {  	s18 =	sld [smem:$0x3FDB];
	_ =	sdelay $0x1  }
0x9f: {  	s19 =	simm.s32 $_scs_section_size  }
0xa0: {  	s5 =	simm.s32 $_size__tile_overlayer_lowered;
	s6 =	simm.s32 $_tile_overlayer_lowered  }
0xa1: {  	s22 =	simm.s32 $0x1BFF;
	s21 =	sshll.u32 s6, $0x1;
	s3 =	sadd.s32 s19, s18  }
0xa2: {  	s7 =	simm.s32 $0x0;
	s20 =	sshll.u32 s5, $0x1;
	s5 =	sadd.s32 s21, s3  }
0xa3: {  	[timem:s7], [sflag:s22] =	dma.local [hbm:s5], s20  }
0xa4: {  	_ =	swait.ge [sflag:s22], s20  }
0xa5: {  	s4 =	ssub.s32 $0x0, s20;
	[sflag:s22] =	ssyncset.done $0x0  }
0xa6: {  	[sflag:s22] =	ssyncadd.s32 s4;
	_ =	sdelay $0x1  }
0xa7: {  	s23 =	simm.s32 $0x1B8B  }
0xa8: {  	_ =	swait.ge [sflag:s23], $0x1  }
0xa9: {  	[sflag:s23] =	ssyncset.done $0x0  }
0xaa: {  	s25 =	simm.s32 $0x1B8E;
	s24 =	sld [smem:$0x3FFE];
	[sflag:s23] =	ssyncadd.s32 $0xFFFFFFFF  }
0xab: {  	s26 =	simm.s32 $execute0_lowered;
	[smem:$0x3FD2] =	sst s25  }
0xac: {  	s5 =	sshll.u32 s26, $0x1;
	_ =	strace $0x80000046;
	[dreg:$0x1] =	wrdreg $0xFFFFFFFF  }
0xad: {  	s28 =	simm.s32 $_size_execute0_lowered;
	s3 =	sadd.s32 s3, s5;
	[dreg:$0x0] =	wrdreg $0x0  }
0xae: {  	s5 =	sshll.u32 s28, $0x1;
	[dreg:$0x2] =	wrdreg s3  }
0xaf: {  	[dreg:$0x3] =	wrdreg s5  }
0xb0: {  	[dreg:$0x4] =	wrdreg $0xC0  }
0xb1: {  	_ =	task [dreg:s7], $0x5FFFF  }
0xb2: {  	[dreg:$0x1] =	wrdreg $0xFFFFFFFF  }
0xb3: {  	[dreg:$0x0] =	wrdreg $0x60  }
0xb4: {  	[dreg:$0x2] =	wrdreg s24  }
0xb5: {  	[dreg:$0x3] =	wrdreg s16  }
0xb6: {  	[dreg:$0x4] =	wrdreg $0x9  }
0xb7: {  	_ =	task.clear_ibuf [dreg:s7], $0x5FFFF;
	_ =	strace $0x90000046  }
0xb8: {  	s29 =	simm.s32 $0x9;
	_ =	strace $0x80000048  }
0xb9: {  	_ =	swait.ge [sflag:s29], $0x1  }
0xba: {  	[sflag:s29] =	ssyncadd.s32 $0xFFFFFFFF  }
0xbb: {  	_ =	strace $0x90000048  }
0xbc: {  	_ =	sfence  }
0xbd: {  	s30 =	sld [smem:$0x0];
	_ =	sdelay $0x2  }
0xbe: {  	s31 =	sshll.u32 s1, $0xD;
	s1 =	sshrl.u32 s1, $0x2  }
0xbf: {  	s3 =	sand.u32 $0x4000, s31;
	s1 =	sadd.s32 s1, s30  }
0xc0: {  	s0 =	sor.u32 s3, s0;
	s1 =	sshll.u32 s1, $0x11  }
0xc1: {  	s0 =	sor.u32 s1, s0  }
0xc2: {  	s0 =	sadd.s32 $0x8F2B, s0  }
0xc3: {  	[sflag:s0] =	ssyncadd.remote.s32 $0x1  }
0xc4: {  	_ =	sfence.sel $0xFFFF  }
0xc5: {  	[dreg:$0x0] =	wrdreg $0xFFFFFFFF;
	(pc) =	sbr.abs _section_cstart, $3  }
0xc6: {  	[dreg:$0x1] =	wrdreg $0xFFFFFFFF  }
0xc7: {  	_ =	task.clear_ibuf [dreg:s7], $0x2FFFF;
	_ =	strace $0x9FFFFFFF  }
0xc8: {  	(tm) =	ssettm $0x7FFFFFFF  }
0xc9: {  	_ =	shalt  }
tec
execute0_lowered:
.L_overlay_start_1:
0x0: {  	(tag) =	ssettag $0x1  }
0x1: {  	s0 =	rddreg [dreg:$0x0]  }
0x2: {  	s1 =	srdreg.scid;
	s2 =	stileid.u32;
	s3 =	simm.s32 $0x0  }
0x3: {  	s28 =	simm.s32 $0x11800;
	s29 =	simm.s32 $0x14080;
	s30 =	simm.s32 $0x18780  }
0x4: {  	s31 =	simm.s32 $0x16900;
	s1 =	sand.u32 $0x1, s1;
	s2 =	sshll.u32 s2, $0x1  }
0x5: {  	[smem:$0x7FF] =	sst s3;
	s6 =	sadd.s32 $0x6000, s0;
	s17 =	sadd.s32 $0x6600, s0  }
0x6: {  	s2 =	sor.u32 s1, s2;
	_ =	strace $0x80000047;
	[dreg:$0x3] =	wrdreg s6  }
0x7: {  	s18 =	sadd.s32 $0x7200, s0;
	[dreg:$0x4] =	wrdreg s17;
	s5 =	smul.u32 $0x500, s2  }
0x8: {  	s4 =	sadd.s32 $0x7E00, s0;
	s19 =	sadd.s32 $0x7800, s0;
	[dreg:$0x5] =	wrdreg s18  }
0x9: {  	[dreg:$0x6] =	wrdreg s19;
	s1 =	ssub.s32 $0x2, s1;
	s5 =	sshrl.u32 s5, $0x3  }
0xa: {  	s18 =	simm.s32 $0x1;
	s5 =	sadd.s32 s5, s0;
	s0 =	sadd.s32 $0x6C00, s0  }
0xb: {  	s19 =	simm.s32 $0x2800;
	[dreg:$0x7] =	wrdreg s0;
	s21 =	sadd.s32 $0x287E00, s5  }
0xc: {  	s20 =	sshrl.u32 s1, $0x1;
	s22 =	sadd.s32 $0x289200, s5;
	[dreg:$0x8] =	wrdreg s21  }
0xd: {  	v0 =	vlaneseq.u32;
	s13 =	smul.u32 $0x28, s2;
	s23 =	sadd.s32 $0x28A600, s5;
	[dreg:$0x9] =	wrdreg s22  }
0xe: {  	v1 =	vmul.u32 $0x28, v0;
	s0 =	ssub.s32 s1, s20;
	s24 =	sadd.s32 $0x28BA00, s5;
	[dreg:$0xa] =	wrdreg s23  }
.Ltmp0:
0xf: {  	v2 =	vimm.s32 $0x0;
	v3 =	vimm.f32 $1.000000020e+30;
	v5 =	vimm.f32 $0.0e+00;
	s25 =	sadd.s32 $0x28CE00, s5;
	[dreg:$0xb] =	wrdreg s24;
	(pc) =	sbr.rel .LBB2_1-.Ltmp0, $4  }
0x10: {  	v4 =	vor.u32 $0x80000000, v0;
	v6 =	vadd.s32 $0x500, v1;
	v7 =	vadd.s32 $0xA00, v1;
	s26 =	sadd.s32 $0x28E200, s5;
	s20 =	simm.s32 $0x5000;
	[dreg:$0xc] =	wrdreg s25  }
0x11: {  	v8 =	vadd.s32 $0xF00, v1;
	v9 =	vor.u32 $0x1400, v1;
	v10 =	vadd.s32 $0x1900, v1;
	s1 =	simm.s32 $0x0;
	[dreg:$0xd] =	wrdreg s26;
	s0 =	smax.u32 s0, $0x1  }
0x12: {  	v11 =	vadd.s32 $0x280, v1;
	v12 =	vadd.s32 $0x780, v1;
	v13 =	vadd.s32 $0xC80, v1;
	s21 =	simm.s32 $0x7800;
	s22 =	simm.s32 $0xA000;
	s23 =	simm.s32 $0xC800  }
0x13: {  	v14 =	vadd.s32 $0x1180, v1;
	v15 =	vadd.s32 $0x1680, v1;
	v16 =	vadd.s32 $0x1B80, v1;
	s25 =	simm.s32 $0x400;
	s26 =	simm.s32 $0xF000;
	[dreg:$0xe] =	wrdreg s0  }
.LBB2_29:
0x14: {  	s0 =	rddreg [dreg:$0x8]  }
0x15: {  	[hbm4b:s0+s3] =	stream.linear.scatter [tilespmem:s31], [sflag:$0x1], $0x500, $0x38;
	[tilespmem:$0x18800] =	vst v63  }
0x16: {  	_ =	swait.ge [sflag:s18], $0x500  }
0x17: {  	[sflag:s18] =	ssyncset.done $0x0  }
0x18: {  	s1 =	simm.s32 $0x16E00;
	s7 =	rddreg [dreg:$0x9];
	[sflag:s18] =	ssyncadd.s32 $0xFFFFFB00  }
0x19: {  	[hbm4b:s7+s3] =	stream.linear.scatter [tilespmem:s1], [sflag:$0x1], $0x500, $0x38;
	[tilespmem:$0x18800] =	vst v63  }
0x1a: {  	_ =	swait.ge [sflag:s18], $0x500  }
0x1b: {  	[sflag:s18] =	ssyncset.done $0x0  }
0x1c: {  	s9 =	simm.s32 $0x17300;
	s8 =	rddreg [dreg:$0xa];
	[sflag:s18] =	ssyncadd.s32 $0xFFFFFB00  }
0x1d: {  	[hbm4b:s8+s3] =	stream.linear.scatter [tilespmem:s9], [sflag:$0x1], $0x500, $0x38;
	[tilespmem:$0x18800] =	vst v63  }
0x1e: {  	_ =	swait.ge [sflag:s18], $0x500  }
0x1f: {  	[sflag:s18] =	ssyncset.done $0x0  }
0x20: {  	s11 =	simm.s32 $0x17800;
	s10 =	rddreg [dreg:$0xb];
	[sflag:s18] =	ssyncadd.s32 $0xFFFFFB00  }
0x21: {  	[hbm4b:s10+s3] =	stream.linear.scatter [tilespmem:s11], [sflag:$0x1], $0x500, $0x38;
	[tilespmem:$0x18800] =	vst v63  }
0x22: {  	_ =	swait.ge [sflag:s18], $0x500  }
0x23: {  	[sflag:s18] =	ssyncset.done $0x0  }
0x24: {  	s14 =	simm.s32 $0x17D00;
	s12 =	rddreg [dreg:$0xc];
	[sflag:s18] =	ssyncadd.s32 $0xFFFFFB00  }
0x25: {  	[hbm4b:s12+s3] =	stream.linear.scatter [tilespmem:s14], [sflag:$0x1], $0x500, $0x38;
	[tilespmem:$0x18800] =	vst v63  }
0x26: {  	_ =	swait.ge [sflag:s18], $0x500  }
0x27: {  	[sflag:s18] =	ssyncset.done $0x0  }
0x28: {  	s16 =	simm.s32 $0x18200;
	s15 =	rddreg [dreg:$0xd];
	[sflag:s18] =	ssyncadd.s32 $0xFFFFFB00  }
0x29: {  	[hbm4b:s15+s3] =	stream.linear.scatter [tilespmem:s16], [sflag:$0x1], $0x500, $0x38;
	[tilespmem:$0x18800] =	vst v63  }
0x2a: {  	_ =	swait.ge [sflag:s18], $0x500  }
0x2b: {  	s17 =	rddreg [dreg:$0xf]  }
0x2c: {  	s24 =	rddreg [dreg:$0xe];
	s1 =	sadd.s32 $0x1, s17  }
0x2d: {  	p0 =	sne.s32 s1, s24  }
.Ltmp1:
0x2e: {  	_ = 	snop;
	(pc) =	sbr.rel @!p0 .LBB2_30-.Ltmp1, $3  }
0x2f: {  	_ =	sdelay $0x1  }
0x30: {  	[sflag:s18] =	ssyncset.done $0x0  }
0x31: {  	[sflag:s18] =	ssyncadd.s32 $0xFFFFFB00  }
.LBB2_1:
0x32: {  	[dreg:$0xf] =	wrdreg s1  }
0x33: {  	s0 =	rddreg [dreg:$0x3]  }
0x34: {  	[tilespmem:s3], [sflag:$0x1] =	stream.linear.gather [hbm4b:s0+s3], $0x2800, $0x38;
	[tilespmem:$0x18800] =	vst v63  }
0x35: {  	_ =	swait.ge [sflag:s18], $0x2800  }
0x36: {  	[sflag:s18] =	ssyncset.done $0x0  }
0x37: {  	s14 =	rddreg [dreg:$0x4];
	[sflag:s18] =	ssyncadd.s32 $0xFFFFD800  }
0x38: {  	[tilespmem:s19], [sflag:$0x1] =	stream.linear.gather [hbm4b:s14+s3], $0x2800, $0x38;
	[tilespmem:$0x18800] =	vst v63  }
0x39: {  	_ =	swait.ge [sflag:s18], $0x2800  }
0x3a: {  	[sflag:s18] =	ssyncset.done $0x0  }
0x3b: {  	[sflag:s18] =	ssyncadd.s32 $0xFFFFD800  }
0x3c: {  	s15 =	rddreg [dreg:$0x1]  }
0x3d: {  	[tilespmem:s20], [sflag:$0x1] =	stream.linear.gather [hbm4b:s15+s3], $0x2800, $0x38;
	[tilespmem:$0x18800] =	vst v63  }
0x3e: {  	_ =	swait.ge [sflag:s18], $0x2800  }
0x3f: {  	[sflag:s18] =	ssyncset.done $0x0  }
0x40: {  	s16 =	rddreg [dreg:$0x5];
	[sflag:s18] =	ssyncadd.s32 $0xFFFFD800  }
0x41: {  	[tilespmem:s21], [sflag:$0x1] =	stream.linear.gather [hbm4b:s16+s3], $0x2800, $0x38;
	[tilespmem:$0x18800] =	vst v63  }
0x42: {  	_ =	swait.ge [sflag:s18], $0x2800  }
0x43: {  	[sflag:s18] =	ssyncset.done $0x0  }
0x44: {  	s17 =	rddreg [dreg:$0x6];
	[sflag:s18] =	ssyncadd.s32 $0xFFFFD800  }
0x45: {  	[tilespmem:s22], [sflag:$0x1] =	stream.linear.gather [hbm4b:s17+s3], $0x2800, $0x38;
	[tilespmem:$0x18800] =	vst v63  }
0x46: {  	_ =	swait.ge [sflag:s18], $0x2800  }
0x47: {  	[sflag:s18] =	ssyncset.done $0x0  }
.Ltmp2:
0x48: {  	s24 =	rddreg [dreg:$0x7];
	[sflag:s18] =	ssyncadd.s32 $0xFFFFD800;
	(pc) =	sbr.rel .LBB2_2-.Ltmp2, $4  }
0x49: {  	[tilespmem:s23], [sflag:$0x1] =	stream.linear.gather [hbm4b:s24+s3], $0x2800, $0x38;
	[tilespmem:$0x18800] =	vst v63  }
0x4a: {  	_ =	swait.ge [sflag:s18], $0x2800  }
0x4b: {  	[sflag:s18] =	ssyncset.done $0x0  }
0x4c: {  	s1 =	simm.s32 $0x0;
	[sflag:s18] =	ssyncadd.s32 $0xFFFFD800  }
.LBB2_28:
0x4d: {  	s0 =	sshll.u32 s0, $0x2  }
0x4e: {  	s0 =	ssub.s32 s0, s5  }
0x4f: {  	v20 =	vmov s0  }
0x50: {  	vm0 =	veq.s32 v20, v0  }
0x51: {  	v20 =	vsel vm0, $0x3F800000, v5  }
0x52: {  	v19 =	vmul.f32 v19, v20;
	_ =	sdelay $0x1  }
0x53: {  	(xrf2) =	vadd.scan.msk.f32 $0xffff, v19;
	v19 =	vld [tilespmem:$0x18780];
	_ =	sdelay $0x5  }
0x54: {  	v18 =	vmul.f32 v18, v20;
	_ =	sdelay $0x1  }
0x55: {  	(xrf2) =	vadd.scan.msk.f32 $0xffff, v18;
	v18 =	vld.idx.msk [tilespmem:v19+s3+$0x0], $0xffff;
	_ =	sdelay $0x1  }
0x56: {  	v22 =	vadd.s32 s1, v1;
	v21, _, _ =	vpop (xrf2)  }
0x57: {  	v21 =	vbroadcast v21, $0xF;
	_ =	sdelay $0x1  }
0x58: {  	v18 =	vsub.f32 v18, v21  }
0x59: {  	v17 =	vmul.f32 v17, v20  }
0x5a: {  	[tilespmem:v22+s31+$0x0] =	vst.idx.msk $0xffff, v18  }
0x5b: {  	(xrf2) =	vadd.scan.msk.f32 $0xffff, v17;
	v17 =	vld.idx.msk [tilespmem:v19+s19+$0x0], $0xffff;
	_ =	sdelay $0x1  }
0x5c: {  	v59 =	vadd.s32 s1, v6;
	v18, _, _ =	vpop (xrf2)  }
0x5d: {  	v18 =	vbroadcast v18, $0xF;
	_ =	sdelay $0x1  }
0x5e: {  	v17 =	vsub.f32 v17, v18;
	_ =	sdelay $0x1  }
0x5f: {  	[tilespmem:v59+s31+$0x0] =	vst.idx.msk $0xffff, v17  }
0x60: {  	v17 =	vld.idx.msk [tilespmem:v19+s20+$0x0], $0xffff;
	_ =	sdelay $0x1  }
0x61: {  	v61 =	vadd.s32 s1, v7;
	v60, _, _ =	vpop (xrf2)  }
0x62: {  	v20 =	vbroadcast v60, $0xF;
	_ =	sdelay $0x1  }
0x63: {  	v17 =	vsub.f32 v17, v20;
	_ =	sdelay $0x1  }
0x64: {  	[tilespmem:v61+s31+$0x0] =	vst.idx.msk $0xffff, v17  }
0x65: {  	v17 =	vadd.s32 s1, v8;
	v22 =	vld.idx.msk [tilespmem:v19+s21+$0x0], $0xffff;
	_ =	sdelay $0x4  }
0x66: {  	[tilespmem:v17+s31+$0x0] =	vst.idx.msk $0xffff, v22  }
0x67: {  	v17 =	vadd.s32 s1, v9;
	v22 =	vld.idx.msk [tilespmem:v19+s22+$0x0], $0xffff;
	_ =	sdelay $0x4  }
0x68: {  	[tilespmem:v17+s31+$0x0] =	vst.idx.msk $0xffff, v22  }
0x69: {  	v17 =	vadd.s32 s1, v10;
	v19 =	vld.idx.msk [tilespmem:v19+s23+$0x0], $0xffff;
	_ =	sdelay $0x4  }
0x6a: {  	[tilespmem:v17+s31+$0x0] =	vst.idx.msk $0xffff, v19  }
0x6b: {  	v17 =	vld [tilespmem:$0x18790];
	_ =	sdelay $0x7  }
0x6c: {  	v19 =	vld.idx.msk [tilespmem:v17+s3+$0x0], $0xffff;
	_ =	sdelay $0x1  }
0x6d: {  	v62 =	vadd.s32 s1, v11;
	_ =	sdelay $0x2  }
0x6e: {  	v19 =	vsub.f32 v19, v21;
	_ =	sdelay $0x1  }
0x6f: {  	[tilespmem:v62+s31+$0x0] =	vst.idx.msk $0xffff, v19  }
0x70: {  	v19 =	vld.idx.msk [tilespmem:v17+s19+$0x0], $0xffff;
	_ =	sdelay $0x1  }
0x71: {  	v63 =	vadd.s32 s1, v12;
	_ =	sdelay $0x2  }
0x72: {  	v18 =	vsub.f32 v19, v18;
	_ =	sdelay $0x1  }
0x73: {  	[tilespmem:v63+s31+$0x0] =	vst.idx.msk $0xffff, v18  }
0x74: {  	v18 =	vld.idx.msk [tilespmem:v17+s20+$0x0], $0xffff;
	_ =	sdelay $0x1  }
0x75: {  	v19 =	vadd.s32 s1, v13;
	_ =	sdelay $0x2  }
0x76: {  	v18 =	vsub.f32 v18, v20;
	_ =	sdelay $0x1  }
0x77: {  	[tilespmem:v19+s31+$0x0] =	vst.idx.msk $0xffff, v18  }
0x78: {  	v18 =	vadd.s32 s1, v14;
	v19 =	vld.idx.msk [tilespmem:v17+s21+$0x0], $0xffff;
	_ =	sdelay $0x4  }
0x79: {  	[tilespmem:v18+s31+$0x0] =	vst.idx.msk $0xffff, v19  }
0x7a: {  	v18 =	vadd.s32 s1, v15;
	v19 =	vld.idx.msk [tilespmem:v17+s22+$0x0], $0xffff;
	_ =	sdelay $0x4  }
0x7b: {  	[tilespmem:v18+s31+$0x0] =	vst.idx.msk $0xffff, v19;
	v18 =	vadd.s32 s1, v16;
	s1 =	sadd.s32 $0x1, s1  }
0x7c: {  	v17 =	vld.idx.msk [tilespmem:v17+s23+$0x0], $0xffff;
	p0 =	sne.s32 s1, $0x28  }
.Ltmp3:
0x7d: {  	_ = 	snop;
	(pc) =	sbr.rel @!p0 .LBB2_29-.Ltmp3, $2  }
0x7e: {  	_ =	sdelay $0x2  }
0x7f: {  	[tilespmem:v18+s31+$0x0] =	vst.idx.msk $0xffff, v17  }
.LBB2_2:
0x80: {  	s0 =	sadd.s32 s13, s1;
	s5 =	sand.u32 $0x3, s1  }
0x81: {  	p0 =	seq.s32 s0, $0x0;
	p1 =	sne.s32 s5, $0x0  }
0x82: {  	s24 =	sshll.u32 s1, $0x7;
	p0 =	por !p0, !p1  }
0x83: {  	s5 =	simm.s32 $0x1;
	s7 =	sshrl.u32 s0, $0x3;
	p0 =	por !p0, !p0  }
0x84: {  	s6 =	sshrl.u32 s0, $0x2;
	s17 =	smul.u32 $0x14000, s7;
	s5 =	simm.s32 @!p0 $0x0  }
0x85: {  	s7 =	sand.u32 $0x380, s24;
	s5 =	ssub.s32 s6, s5  }
0x86: {  	s6 =	sor.u32 s7, s17;
	s5 =	sshll.u32 s5, $0x4  }
0x87: {  	s6 =	sshrl.u32 s6, $0x3;
	v19 =	vld [tilespmem:s5+$0x0]  }
0x88: {  	s2 =	simm.s32 $0x80;
	v18 =	vld [tilespmem:s5+$0x2800];
	s6 =	sadd.s32 s4, s6  }
0x89: {  	v17 =	vld [tilespmem:s5+$0x5000];
	[tilespmem:s26], [sflag:$0x1] =	stream.strided.gather [hbm4b:s6+s2], $0x2800, s25, s2, $0x38  }
0x8a: {  	_ =	swait.ge [sflag:s18], $0x2800  }
0x8b: {  	[sflag:s18] =	ssyncset.done $0x0  }
0x8c: {  	v20 =	vimm.f32 $1.000000020e+30;
	[sflag:s18] =	ssyncadd.s32 $0xFFFFD800  }
0x8d: {  	[tilespmem:$0x18700] =	vst v20  }
0x8e: {  	v21 =	vimm.f32 $1.000000020e+30;
	s7 =	simm.s32 $0x0;
	s6 =	simm.s32 $0x80;
	[tilespmem:$0x18710] =	vst v20  }
.LBB2_3:
0x8f: {  	p0 =	sne.s32 s6, $0x9F80;
	v22 =	vld [tilespmem:s7+$0xF000];
	_ =	sdelay $0x4  }
0x90: {  	v20 =	vmin.f32 v20, v22  }
0x91: {  	[tilespmem:$0x18700] =	vst v20  }
0x92: {  	v22 =	vld [tilespmem:s7+$0xF010];
	_ =	sdelay $0x1  }
.Ltmp4:
0x93: {  	(pc) =	sbr.rel @p0 .LBB2_3-.Ltmp4, $3  }
0x94: {  	_ =	sdelay $0x1  }
0x95: {  	v21 =	vmin.f32 v21, v22  }
0x96: {  	s7 =	sshra.s32 s6, $0x2;
	s6 =	sadd.s32 $0x80, s6;
	[tilespmem:$0x18710] =	vst v21  }
0x97: {  	v22 =	vld [tilespmem:s7+$0xF000];
	_ =	sdelay $0x4  }
0x98: {  	v20 =	vmin.f32 v20, v22  }
0x99: {  	[tilespmem:$0x18700] =	vst v20  }
0x9a: {  	v22 =	vld [tilespmem:s7+$0xF010];
	_ =	sdelay $0x4  }
0x9b: {  	(xrf0) =	vmax.scan.msk.f32 $0xffff, v20;
	v21 =	vmin.f32 v21, v22  }
0x9c: {  	(xrf0) =	vmax.scan.msk.f32 $0xffff, v21;
	_ =	sdelay $0x4  }
0x9d: {  	v20, _, _ =	vpop (xrf0)  }
0x9e: {  	(v2sf) =	vpush v20, $0xF;
	v20, _, _ =	vpop (xrf0)  }
0x9f: {  	(v2sf) =	vpush v20, $0xF;
	_ =	sdelay $0xb  }
0xa0: {  	s6 =	simm.s32 $0xF000;
	[tilespmem:$0x18710] =	vst v21  }
0xa1: {  	v20 =	vld [tilespmem:s6+$0x0]  }
0xa2: {  	s17 =	spop (v2sf)  }
0xa3: {  	s24 =	spop (v2sf)  }
0xa4: {  	s6 =	smax.f32 s17, s24  }
0xa5: {  	v21 =	vmov s6  }
0xa6: {  	vm0 =	vle.f32 v20, v21  }
0xa7: {  	v22 =	vsel vm0, $0x1, v2  }
0xa8: {  	(xrf0) =	vadd.scan.msk.s32 $0xffff, v22;
	_ =	sdelay $0x4  }
0xa9: {  	s7 =	simm.s32 $0x0;
	v22 =	vsel vm0, $0xFFFFFFFF, v2  }
0xaa: {  	v22 =	vadd.s32 s7, v22;
	v23, _, _ =	vpop (xrf0)  }
0xab: {  	v22 =	vadd.s32 v23, v22;
	(v2sf) =	vpush v23, $0xF;
	_ =	sdelay $0x4  }
0xac: {  	[tilespmem:v22+s28+$0x0] =	vst.idx.msk vm0, v20;
	v20 =	vor.u32 s7, v0  }
0xad: {  	s8 =	simm.s32 $0xF010;
	[tilespmem:v22+s29+$0x0] =	vst.idx.msk vm0, v20  }
0xae: {  	s9 =	simm.s32 $0x20;
	s6 =	simm.s32 $0x10;
	v20 =	vld [tilespmem:s8+$0x0]  }
.LBB2_5:
0xaf: {  	p0 =	sne.s32 s9, $0x27F0;
	_ =	sdelay $0x3  }
0xb0: {  	vm0 =	vle.f32 v20, v21  }
0xb1: {  	v22 =	vsel vm0, $0xFFFFFFFF, v2;
	v23 =	vsel vm0, $0x1, v2  }
0xb2: {  	(xrf0) =	vadd.scan.msk.s32 $0xffff, v23  }
0xb3: {  	s10 =	spop (v2sf)  }
0xb4: {  	s7 =	sadd.s32 s7, s10  }
0xb5: {  	v22 =	vadd.s32 s7, v22;
	_ =	sdelay $0x2  }
0xb6: {  	v23, _, _ =	vpop (xrf0)  }
0xb7: {  	v22 =	vadd.s32 v23, v22;
	(v2sf) =	vpush v23, $0xF;
	_ =	sdelay $0x2  }
.Ltmp5:
0xb8: {  	(pc) =	sbr.rel @p0 .LBB2_5-.Ltmp5, $4  }
0xb9: {  	_ = 	snop  }
0xba: {  	[tilespmem:v22+s28+$0x0] =	vst.idx.msk vm0, v20;
	v20 =	vor.u32 s6, v0;
	s6 =	smov.u32 s9  }
0xbb: {  	s8 =	sadd.s32 $0x10, s8;
	[tilespmem:v22+s29+$0x0] =	vst.idx.msk vm0, v20  }
0xbc: {  	s9 =	sadd.s32 $0x10, s9;
	v20 =	vld [tilespmem:s8+$0x0]  }
0xbd: {  	_ =	sdelay $0x3  }
0xbe: {  	vm0 =	vle.f32 v20, v21  }
0xbf: {  	v21 =	vsel vm0, $0x1, v2  }
0xc0: {  	(xrf0) =	vadd.scan.msk.s32 $0xffff, v21;
	_ =	sdelay $0x5  }
0xc1: {  	v21, _, _ =	vpop (xrf0)  }
0xc2: {  	(v2sf) =	vpush v21, $0xF;
	_ =	sdelay $0xd  }
0xc3: {  	s8 =	spop (v2sf)  }
0xc4: {  	v22 =	vsel vm0, $0xFFFFFFFF, v2;
	s7 =	sadd.s32 s7, s8;
	s16 =	spop (v2sf)  }
0xc5: {  	v22 =	vadd.s32 s7, v22;
	s7 =	sadd.s32 s7, s16  }
0xc6: {  	s8 =	sadd.s32 $0xF, s7  }
0xc7: {  	v21 =	vadd.s32 v21, v22;
	s9 =	sand.u32 $0xF, s8  }
0xc8: {  	s17 =	sshra.s32 s8, $0x1F;
	p1 =	slt.s32 s8, $0x1;
	p0 =	sne.s32 s9, $0x0  }
0xc9: {  	v63 =	vadd.s32 s7, v0;
	s7 =	sshrl.u32 s17, $0x1C;
	p0 =	por !p1, !p0  }
0xca: {  	s7 =	sadd.s32 s7, s8;
	s8 =	simm.s32 $0x1;
	p0 =	por !p0, !p0  }
0xcb: {  	s24 =	sshra.s32 s7, $0x4;
	s8 =	simm.s32 @!p0 $0x0  }
.Ltmp6:
0xcc: {  	[tilespmem:v21+s28+$0x0] =	vst.idx.msk vm0, v20;
	v20 =	vor.u32 s6, v0;
	s6 =	ssub.s32 s24, s8;
	(pc) =	sbr.rel .LBB2_7-.Ltmp6, $4  }
0xcd: {  	p0 =	slt.s32 s6, $0x1  }
0xce: {  	s2 =	simm.s32 @!p0 $0x0  }
0xcf: {  	[tilespmem:v21+s29+$0x0] =	vst.idx.msk vm0, v20;
	s2 =	simm.s32 @p0 $0x1  }
0xd0: {  	s7 =	simm.s32 $0x0;
	[tilespmem:v63+s28+$0x0] =	vst.idx.msk $0xffff, v3;
	[smem:$0x7FD] =	sst s2  }
.LBB2_9:
0xd1: {  	p0 =	por $0x0, $0x0  }
0xd2: {  	s2 =	simm.s32 @!p0 $0x0  }
0xd3: {  	s2 =	simm.s32 @p0 $0x1;
	p0 =	por $0x0, $0x0  }
0xd4: {  	[smem:$0x7F8] =	sst s2;
	s2 =	simm.s32 @!p0 $0x0  }
0xd5: {  	s2 =	simm.s32 @p0 $0x1;
	p0 =	por $0x0, $0x0  }
0xd6: {  	s12 =	simm.s32 $0x80000000;
	[smem:$0x7F9] =	sst s2;
	s2 =	simm.s32 @!p0 $0x0  }
0xd7: {  	s14 =	simm.f32 $2.000000030e+30;
	s16 =	simm.s32 $0x0;
	s2 =	simm.s32 @p0 $0x1  }
0xd8: {  	s11 =	simm.s32 $0x11800;
	s15 =	simm.f32 $2.000000030e+30;
	[smem:$0x7FA] =	sst s2  }
.LBB2_26:
0xd9: {  	s24 =	sld [smem:$0x7FA]  }
0xda: {  	s2 =	sld [smem:$0x7F8]  }
0xdb: {  	s17 =	simm.s32 @!p4 $0x0  }
0xdc: {  	v29, _, _ =	vpop @p4 (xrf0);
	s17 =	simm.s32 @p4 $0x1;
	p4 =	seq.s32 s24, $0x1;
	s24 =	sld [smem:$0x7FB]  }
0xdd: {  	p3 =	seq.s32 s2, $0x1  }
0xde: {  	p2 =	por p1, p1;
	[smem:$0x7EF] =	sst s17;
	s2 =	spop @p3 (v2sf)  }
0xdf: {  	vm0 =	veq.f32 @p1 v22, v26;
	p6 =	por !p6, !p3;
	s17 =	spop @p4 (v2sf);
	p1 =	seq.s32 s24, $0x1  }
0xe0: {  	s2 =	sadd.s32 @p3 s12, s2;
	s24 =	simm.s32 @!p1 $0x0;
	s11 =	sadd.s32 @p1 $0x10, s11  }
0xe1: {  	s24 =	simm.s32 @p1 $0x1;
	s10 =	smov.u32 @p1 s11;
	p1 =	slt.f32 @p4 s17, s14  }
0xe2: {  	s2 =	smov.u32 @p6 s16;
	s16 =	sld [smem:$0x7EF]  }
0xe3: {  	[smem:$0x7FB] =	sst s24;
	s11 =	simm.s32 @!p1 $0x0  }
0xe4: {  	s24 =	sld [smem:$0x7FC];
	s11 =	simm.s32 @p1 $0x1  }
0xe5: {  	[smem:$0x7F2] =	sst s11  }
0xe6: {  	s11 =	sld [smem:$0x7F2]  }
0xe7: {  	v26 =	vnsel @p2 vm0, $0x80000010, v4;
	p5 =	seq.s32 s24, $0x1;
	s24 =	simm.s32 @!p2 $0x0  }
0xe8: {  	v22, _, _ =	vpop @p5 (xrf0);
	s24 =	simm.s32 @p2 $0x1;
	(xrf0) =	vmin.scan.msk.u32 @p2 $0xffff, v26;
	p2 =	seq.s32 s16, $0x1  }
0xe9: {  	s16 =	sld [smem:$0x7F9];
	(v2sf) =	vpush @p2 v29, $0xF;
	p2 =	seq.s32 s11, $0x1  }
0xea: {  	[smem:$0x7EE] =	sst s24;
	p6 =	por !p2, !p4  }
0xeb: {  	s24 =	sld [smem:$0x7FB];
	s17 =	smov.u32 @p6 s14  }
0xec: {  	s15 =	smov.u32 @p4 s17;
	s17 =	sld [smem:$0x7EF]  }
0xed: {  	v60 =	vld [tilespmem:s10+$0x0];
	s10 =	sadd.s32 @p3 $0x10, s12  }
0xee: {  	s11 =	simm.s32 $0x80000000;
	p1 =	seq.s32 s24, $0x1;
	p2 =	seq.s32 s16, $0x1  }
0xef: {  	s11 =	smov.u32 @p3 s10;
	(xrf0) =	vmin.scan.msk.f32 @p1 $0xffff, v21;
	s10 =	spop @p2 (v2sf);
	p1 =	seq.s32 s17, $0x1  }
0xf0: {  	s16 =	sld [smem:$0x7F2];
	s14 =	spop @p1 (v2sf)  }
0xf1: {  	s24 =	sld [smem:$0x7F7];
	p6 =	por @p2 p0, p0;
	p0 =	slt.f32 @p1 s14, s15  }
0xf2: {  	s12 =	simm.s32 $0x0;
	s17 =	sld [smem:$0x7EE]  }
0xf3: {  	s12 =	smov.u32 @p3 s2;
	p1 =	seq.s32 s16, $0x1;
	s2 =	simm.s32 @!p0 $0x0  }
0xf4: {  	s16 =	sld [smem:$0x7EF];
	s2 =	simm.s32 @p0 $0x1;
	p0 =	seq.s32 s24, $0x1  }
0xf5: {  	p3 =	seq.s32 s17, $0x1;
	[smem:$0x7F5] =	sst s2;
	p1 =	por @!p4 p0, p0  }
0xf6: {  	p6 =	por @!p2 p0, p0;
	s2 =	simm.s32 @!p1 $0x0;
	s17 =	sld [smem:$0x7F5]  }
0xf7: {  	s24 =	sld [smem:$0x7FB];
	p0 =	por !p6, !p2;
	s2 =	simm.s32 @p1 $0x1  }
0xf8: {  	[smem:$0x7F2] =	sst s2;
	s2 =	sadd.s32 @p2 s11, s10;
	s10 =	simm.s32 @!p0 $0x0  }
0xf9: {  	s10 =	simm.s32 @p0 $0x1;
	p0 =	seq.s32 s16, $0x1;
	p6 =	seq.s32 s17, $0x1  }
0xfa: {  	p6 =	por !p6, !p0  }
0xfb: {  	[smem:$0x7F0] =	sst s10;
	s10 =	simm.s32 @!p6 $0x0  }
0xfc: {  	p1 =	seq.s32 s24, $0x1;
	s24 =	sld [smem:$0x7F0];
	s10 =	simm.s32 @p6 $0x1  }
0xfd: {  	[smem:$0x7F1] =	sst s10  }
0xfe: {  	s16 =	sld [smem:$0x7F1]  }
0xff: {  	s17 =	sld [smem:$0x7F2]  }
0x100: {  	p6 =	seq.s32 s24, $0x1  }
0x101: {  	s2 =	smov.u32 @p6 s12;
	p6 =	seq.s32 s16, $0x1  }
0x102: {  	s14 =	smov.u32 @p6 s15;
	p6 =	seq.s32 s17, $0x1  }
0x103: {  	p6 =	por @p4 p6, p6  }
0x104: {  	v30 =	vbroadcast @p5 v22, $0xF;
	s10 =	simm.s32 @!p6 $0x0  }
0x105: {  	s10 =	simm.s32 @p6 $0x1  }
0x106: {  	v24 =	vpsel p5, v28, v24;
	v27 =	vpsel p5, v30, v27;
	[smem:$0x7F3] =	sst s10  }
0x107: {  	vm0 =	veq.f32 @p5 v24, v27;
	s24 =	sld [smem:$0x7F3]  }
0x108: {  	(v2sf) =	vpush @p5 v22, $0xF;
	v22 =	vnsel @p5 vm0, $0x80000010, v4;
	s15 =	simm.s32 $0x80000000;
	s10 =	sadd.s32 @p2 $0x10, s11  }
0x109: {  	(xrf0) =	vmin.scan.msk.u32 @p5 $0xffff, v22;
	s15 =	smov.u32 @p2 s10;
	s10 =	simm.s32 $0x0  }
0x10a: {  	(xrf0) =	vmin.scan.msk.f32 $0xffff, v60;
	s10 =	smov.u32 @p2 s2;
	p2 =	seq.s32 s24, $0x1  }
0x10b: {  	v22, _, _ =	vpop @p3 (xrf0);
	s11 =	simm.f32 $2.000000030e+30;
	p2 =	por @!p4 p0, p0  }
0x10c: {  	v24, _, _ =	vpop @p1 (xrf0);
	v61 =	vpsel p1, v21, v25;
	s12 =	spop @p4 (v2sf);
	s11 =	smov.u32 @p0 s14;
	p2 =	por !p2, !p4  }
0x10d: {  	v25 =	vbroadcast @p1 v24, $0xF;
	v20 =	vpsel p1, v61, v20;
	s14 =	spop @p3 (v2sf);
	s2 =	sadd.s32 @p4 s15, s12;
	s12 =	simm.s32 @!p2 $0x0  }
0x10e: {  	p6 =	slt.f32 @p3 s14, s11;
	s12 =	simm.s32 @p2 $0x1  }
0x10f: {  	(v2sf) =	vpush @p3 v22, $0xF;
	v22, _, _ =	vpop @p5 (xrf0);
	v21 =	vpsel p1, v25, v23;
	[smem:$0x7F4] =	sst s12  }
0x110: {  	vm0 =	veq.f32 @p1 v20, v21;
	v20, _, _ =	vpop (xrf0);
	(v2sf) =	vpush @p1 v24, $0xF;
	s16 =	simm.s32 @!p6 $0x0;
	s12 =	sld [smem:$0x7F4]  }
0x111: {  	v62 =	vbroadcast v20, $0xF;
	s16 =	simm.s32 @p6 $0x1  }
0x112: {  	v21 =	vnsel @p1 vm0, $0x80000010, v4;
	[smem:$0x7F6] =	sst s16  }
0x113: {  	(xrf0) =	vmin.scan.msk.u32 @p1 $0xffff, v21;
	vm15 =	veq.f32 v60, v62;
	p2 =	por !p6, !p3;
	p6 =	seq.s32 s12, $0x1;
	s12 =	sld [smem:$0x7F5]  }
0x114: {  	v63 =	vnsel vm15, $0x80000010, v4;
	s16 =	sld [smem:$0x7F6];
	s14 =	smov.u32 @p2 s11  }
0x115: {  	(v2sf) =	vpush @p5 v22, $0xF;
	(xrf0) =	vmin.scan.msk.u32 $0xffff, v63;
	s11 =	simm.s32 $0x80000000;
	s2 =	smov.u32 @p6 s10;
	s10 =	sadd.s32 @p4 $0x10, s15  }
0x116: {  	s15 =	simm.s32 $0x0;
	s11 =	smov.u32 @p4 s10;
	p2 =	seq.s32 s12, $0x1  }
0x117: {  	s10 =	simm.f32 $2.000000030e+30;
	s12 =	spop @p0 (v2sf);
	p2 =	por @!p0 p0, p0  }
0x118: {  	s10 =	smov.u32 @p3 s14;
	s14 =	spop @p5 (v2sf);
	p2 =	por @p0 p2, p2  }
0x119: {  	s15 =	smov.u32 @p4 s2;
	(v2sf) =	vpush v20, $0xF;
	v20, _, _ =	vpop @p1 (xrf0);
	p6 =	slt.f32 @p5 s14, s10;
	p2 =	por @!p0 p0, p0  }
0x11a: {  	s2 =	sadd.s32 @p0 s11, s12;
	(v2sf) =	vpush @p1 v20, $0xF;
	p4 =	por !p2, !p0;
	p2 =	seq.s32 s16, $0x1  }
0x11b: {  	v20, _, _ =	vpop (xrf0);
	s2 =	smov.u32 @p4 s15;
	p4 =	por !p6, !p5;
	p2 =	por @!p3 p0, p0  }
0x11c: {  	(v2sf) =	vpush v20, $0xF;
	s14 =	smov.u32 @p4 s10;
	s10 =	sadd.s32 @p0 $0x10, s11;
	s11 =	simm.s32 $0x80000000  }
0x11d: {  	s12 =	simm.f32 $2.000000030e+30;
	p2 =	por @p3 p2, p2;
	s11 =	smov.u32 @p0 s10  }
0x11e: {  	s12 =	smov.u32 @p5 s14;
	s10 =	simm.s32 $0x0;
	s14 =	spop @p3 (v2sf)  }
0x11f: {  	p2 =	por @!p3 p0, p0;
	s10 =	smov.u32 @p0 s2;
	s2 =	spop @p1 (v2sf)  }
0x120: {  	s14 =	sadd.s32 @p3 s11, s14;
	p0 =	por !p2, !p3;
	p4 =	slt.f32 @p1 s2, s12  }
0x121: {  	p6 =	por @!p5 p0, p0;
	s14 =	smov.u32 @p0 s10  }
0x122: {  	s10 =	sadd.s32 @p3 $0x10, s11;
	s11 =	simm.s32 $0x80000000;
	p0 =	por !p4, !p1  }
0x123: {  	s11 =	smov.u32 @p3 s10;
	s2 =	smov.u32 @p0 s12;
	p0 =	por @p5 p6, p6  }
0x124: {  	s10 =	simm.s32 $0x0;
	s12 =	spop @p5 (v2sf);
	p0 =	por @!p5 p0, p0  }
0x125: {  	s10 =	smov.u32 @p3 s14;
	s12 =	sadd.s32 @p5 s11, s12;
	p0 =	por !p0, !p5  }
0x126: {  	s9 =	smov.u32 @p1 s2;
	s12 =	smov.u32 @p0 s10  }
0x127: {  	s10 =	sadd.s32 @p5 $0x10, s11;
	s11 =	simm.s32 $0x80000000;
	p4 =	por @!p1 p0, p0  }
0x128: {  	s17 =	spop (v2sf);
	s11 =	smov.u32 @p5 s10;
	s10 =	simm.s32 $0x0  }
0x129: {  	p0 =	por @p1 p4, p4;
	s14 =	spop @p1 (v2sf);
	p6 =	slt.f32 s17, s9  }
0x12a: {  	s10 =	smov.u32 @p5 s12;
	p0 =	por @!p1 p0, p0;
	s2 =	sadd.s32 @p1 s11, s14  }
0x12b: {  	s9 =	sadd.s32 @p1 $0x10, s11;
	s24 =	spop (v2sf);
	p0 =	por !p0, !p1  }
0x12c: {  	s8 =	smov.u32 @p1 s9;
	s9 =	simm.s32 $0x0;
	s2 =	smov.u32 @p0 s10  }
0x12d: {  	p0 =	por p6, p6;
	s9 =	smov.u32 @p1 s2;
	s2 =	sadd.s32 s8, s24  }
0x12e: {  	s9 =	smov.u32 @p0 s2  }
.LBB2_27:
0x12f: {  	s2 =	sand.u32 $0xF, s9  }
0x130: {  	s8 =	sshra.s32 s9, $0x1F;
	p0 =	slt.s32 s9, $0x1;
	p1 =	sne.s32 s2, $0x0  }
0x131: {  	s17 =	sshrl.u32 s8, $0x1C;
	p0 =	por !p0, !p1  }
0x132: {  	s8 =	simm.s32 $0x1;
	s2 =	sadd.s32 s17, s9;
	p0 =	por !p0, !p0  }
0x133: {  	s2 =	sshrl.u32 s2, $0x4;
	s8 =	simm.s32 @!p0 $0x0  }
0x134: {  	s2 =	ssub.s32 s2, s8  }
0x135: {  	s2 =	sshll.u32 s2, $0x4  }
0x136: {  	v20 =	vld [tilespmem:s2+$0x14080];
	_ =	sdelay $0x1  }
0x137: {  	s24 =	ssub.s32 s9, s2  }
0x138: {  	v21 =	vmov s24  }
0x139: {  	vm0 =	veq.s32 v21, v0  }
0x13a: {  	v20 =	vnsel vm0, $0x0, v20  }
0x13b: {  	(xrf0) =	vadd.scan.msk.s32 $0xffff, v20;
	_ =	sdelay $0x1  }
0x13c: {  	v20 =	vld [tilespmem:s2+$0x11800]  }
0x13d: {  	v63 =	vmov s7;
	s7 =	sadd.s32 $0x1, s7  }
0x13e: {  	p0 =	sne.s32 s7, $0x20  }
.Ltmp7:
0x13f: {  	_ = 	snop;
	(pc) =	sbr.rel @!p0 .LBB2_28-.Ltmp7, $4  }
0x140: {  	v22, _, _ =	vpop (xrf0)  }
0x141: {  	v20 =	vsel vm0, $0x7149F2CA, v20;
	v22 =	vbroadcast v22, $0xF  }
0x142: {  	[tilespmem:s2+$0x11800] =	vst v20  }
0x143: {  	[tilespmem:v63+s30+$0x0] =	vst.idx.msk $0x1, v22  }
.LBB2_7:
0x144: {  	s2 =	sld [smem:$0x7FD];
	_ =	sdelay $0x2  }
0x145: {  	p0 =	seq.s32 s2, $0x1  }
.Ltmp8:
0x146: {  	_ = 	snop;
	(pc) =	sbr.rel @p0 .LBB2_27-.Ltmp8, $2  }
0x147: {  	_ =	sdelay $0x2  }
0x148: {  	s9 =	simm.s32 $0x0  }
0x149: {  	p0 =	sne.s32 s6, $0x1;
	p1 =	por $0x0, $0x0  }
.Ltmp9:
0x14a: {  	s2 =	simm.s32 @!p1 $0x0;
	(pc) =	sbr.rel @!p0 .LBB2_9-.Ltmp9, $4  }
0x14b: {  	s9 =	simm.f32 $2.000000030e+30;
	p2 =	por $0x0, $0x0;
	s2 =	simm.s32 @p1 $0x1  }
0x14c: {  	s10 =	simm.s32 $0x11800;
	[smem:$0x7FB] =	sst s2;
	s2 =	simm.s32 @!p2 $0x0  }
0x14d: {  	s8 =	simm.s32 $0x80000000;
	s11 =	sadd.s32 $0xFFFFFFFF, s6;
	s2 =	simm.s32 @p2 $0x1  }
0x14e: {  	p4 =	por $0x0, $0x0;
	p1 =	por $0x0, $0x0;
	[smem:$0x7FC] =	sst s2  }
0x14f: {  	p0 =	sne.s32 s11, $0x1  }
.Ltmp10:
0x150: {  	_ = 	snop;
	(pc) =	sbr.rel @!p0 .LBB2_11-.Ltmp10, $4  }
0x151: {  	p2 =	por $0x1, $0x1  }
0x152: {  	s2 =	simm.s32 @!p2 $0x0  }
0x153: {  	s2 =	simm.s32 @p2 $0x1  }
0x154: {  	s12 =	sadd.s32 $0xFFFFFFFF, s11;
	v22 =	vld [tilespmem:s10+$0x0];
	[smem:$0x7FB] =	sst s2  }
0x155: {  	p0 =	sne.s32 s12, $0x1  }
.Ltmp11:
0x156: {  	_ = 	snop;
	(pc) =	sbr.rel @!p0 .LBB2_13-.Ltmp11, $4  }
0x157: {  	p3 =	por $0x1, $0x1  }
0x158: {  	s2 =	simm.s32 @!p3 $0x0  }
0x159: {  	s11 =	simm.s32 $0x11810;
	s2 =	simm.s32 @p3 $0x1  }
0x15a: {  	s12 =	sadd.s32 $0xFFFFFFFF, s12;
	v21 =	vld [tilespmem:s11+$0x0];
	[smem:$0x7FC] =	sst s2;
	(xrf0) =	vmin.scan.msk.f32 $0xffff, v22  }
0x15b: {  	_ =	sdelay $0x4  }
0x15c: {  	v23, _, _ =	vpop (xrf0)  }
0x15d: {  	(v2sf) =	vpush v23, $0xF;
	_ =	sdelay $0x2  }
0x15e: {  	p0 =	sne.s32 s12, $0x1  }
.Ltmp12:
0x15f: {  	_ = 	snop;
	(pc) =	sbr.rel @!p0 .LBB2_15-.Ltmp12, $3  }
0x160: {  	_ =	sdelay $0x1  }
0x161: {  	s11 =	simm.s32 $0x11820  }
0x162: {  	s12 =	sadd.s32 $0xFFFFFFFF, s12;
	p1 =	por $0x1, $0x1;
	v20 =	vld [tilespmem:s11+$0x0];
	(xrf0) =	vmin.scan.msk.f32 $0xffff, v21;
	v26 =	vbroadcast v23, $0xF  }
0x163: {  	_ = 	snop  }
0x164: {  	p0 =	sne.s32 s12, $0x1;
	vm0 =	veq.f32 v22, v26  }
.Ltmp13:
0x165: {  	v22 =	vnsel vm0, $0x80000010, v4;
	(pc) =	sbr.rel @!p0 .LBB2_17-.Ltmp13, $3  }
0x166: {  	_ =	sdelay $0x1  }
0x167: {  	s11 =	simm.s32 $0x11830;
	(xrf0) =	vmin.scan.msk.u32 $0xffff, v22;
	v22, _, _ =	vpop (xrf0)  }
0x168: {  	s12 =	sadd.s32 $0xFFFFFFFF, s12;
	p4 =	por $0x1, $0x1;
	v24 =	vld [tilespmem:s11+$0x0];
	(xrf0) =	vmin.scan.msk.f32 $0xffff, v20;
	v26 =	vbroadcast v22, $0xF;
	(v2sf) =	vpush v22, $0xF  }
0x169: {  	_ = 	snop  }
0x16a: {  	vm0 =	veq.f32 v21, v26  }
0x16b: {  	v21 =	vnsel vm0, $0x80000010, v4;
	_ =	sdelay $0x1  }
0x16c: {  	v22, _, _ =	vpop (xrf0)  }
0x16d: {  	(xrf0) =	vmin.scan.msk.u32 $0xffff, v21;
	v21, _, _ =	vpop (xrf0);
	(v2sf) =	vpush v22, $0xF  }
0x16e: {  	(v2sf) =	vpush v21, $0xF;
	_ =	sdelay $0x7  }
0x16f: {  	p0 =	sne.s32 s12, $0x1  }
.Ltmp14:
0x170: {  	_ = 	snop;
	(pc) =	sbr.rel @!p0 .LBB2_19-.Ltmp14, $3  }
0x171: {  	_ =	sdelay $0x1  }
0x172: {  	s11 =	simm.s32 $0x11840  }
0x173: {  	s12 =	sadd.s32 $0xFFFFFFFF, s12;
	v25 =	vld [tilespmem:s11+$0x0];
	(xrf0) =	vmin.scan.msk.f32 $0xffff, v24;
	v23 =	vbroadcast v21, $0xF  }
0x174: {  	_ =	sdelay $0x3  }
0x175: {  	v22, _, _ =	vpop (xrf0)  }
0x176: {  	(v2sf) =	vpush v22, $0xF;
	v26, _, _ =	vpop (xrf0)  }
0x177: {  	(v2sf) =	vpush v26, $0xF;
	_ =	sdelay $0x1  }
0x178: {  	p0 =	por $0x1, $0x1;
	s14 =	spop (v2sf)  }
0x179: {  	s11 =	simm.s32 $0x11850;
	p5 =	por $0x1, $0x1;
	s2 =	simm.s32 @!p0 $0x0;
	vm0 =	veq.f32 v20, v23  }
0x17a: {  	p3 =	slt.f32 s14, s9;
	s2 =	simm.s32 @p0 $0x1;
	v21 =	vnsel vm0, $0x80000010, v4;
	p0 =	sne.s32 s12, $0x1  }
.Ltmp15:
0x17b: {  	[smem:$0x7FA] =	sst s2;
	(xrf0) =	vmin.scan.msk.u32 $0xffff, v21;
	v21 =	vld [tilespmem:s11+$0x0];
	s2 =	simm.s32 @!p5 $0x0;
	(pc) =	sbr.rel @!p0 .LBB2_21-.Ltmp15, $4  }
0x17c: {  	s2 =	simm.s32 @p5 $0x1  }
0x17d: {  	[smem:$0x7F9] =	sst s2;
	s2 =	simm.s32 @!p3 $0x0  }
0x17e: {  	s15 =	simm.f32 $2.000000030e+30;
	s2 =	simm.s32 @p3 $0x1  }
0x17f: {  	s12 =	sadd.s32 $0xFFFFFFFF, s12;
	s15 =	smov.u32 @p3 s14;
	(xrf0) =	vmin.scan.msk.f32 $0xffff, v25;
	v27 =	vbroadcast v26, $0xF;
	[smem:$0x7F7] =	sst s2  }
0x180: {  	_ = 	snop  }
0x181: {  	vm0 =	veq.f32 v24, v27  }
0x182: {  	v22 =	vnsel vm0, $0x80000010, v4;
	_ =	sdelay $0x1  }
0x183: {  	v26, _, _ =	vpop (xrf0)  }
0x184: {  	(v2sf) =	vpush v26, $0xF;
	(xrf0) =	vmin.scan.msk.u32 $0xffff, v22;
	v22, _, _ =	vpop (xrf0)  }
0x185: {  	(v2sf) =	vpush v22, $0xF;
	_ =	sdelay $0x3  }
0x186: {  	p5 =	sne.s32 s12, $0x1  }
.Ltmp16:
0x187: {  	s16 =	spop (v2sf);
	(pc) =	sbr.rel @!p5 .LBB2_23-.Ltmp16, $4  }
0x188: {  	s17 =	sadd.s32 $0xFFFFFFFF, s12;
	p6 =	por p3, p3;
	p3 =	por $0x1, $0x1  }
0x189: {  	s11 =	simm.s32 $0x11860;
	p0 =	slt.f32 s16, s15;
	s2 =	simm.s32 @!p3 $0x0;
	(xrf0) =	vmin.scan.msk.f32 $0xffff, v21  }
0x18a: {  	s14 =	smov.u32 s15;
	s12 =	simm.s32 $0x80000000;
	v29 =	vld [tilespmem:s11+$0x0];
	s2 =	simm.s32 @p3 $0x1;
	v26 =	vbroadcast v22, $0xF  }
0x18b: {  	s14 =	smov.u32 @p0 s16;
	[smem:$0x7F8] =	sst s2;
	s16 =	simm.s32 $0x0;
	v22 =	vmov v25  }
.LBB2_24:
0x18c: {  	p5 =	sne.s32 s17, $0x1;
	s17 =	sadd.s32 $0xFFFFFFFF, s17;
	vm0 =	veq.f32 v22, v26;
	s2 =	spop (v2sf);
	v22 =	vmov v21  }
.Ltmp17:
0x18d: {  	v26 =	vnsel vm0, $0x80000010, v4;
	s24 =	spop (v2sf);
	s2 =	sadd.s32 s12, s2;
	(pc) =	sbr.rel @p5 .LBB2_24-.Ltmp17, $4  }
0x18e: {  	(xrf0) =	vmin.scan.msk.u32 $0xffff, v26;
	v21, _, _ =	vpop (xrf0);
	s16 =	smov.u32 @p6 s2;
	p6 =	por p0, p0;
	p0 =	slt.f32 s24, s14  }
0x18f: {  	s11 =	sadd.s32 $0x10, s11;
	(xrf0) =	vmin.scan.msk.f32 $0xffff, v29;
	v28, _, _ =	vpop (xrf0);
	(v2sf) =	vpush v21, $0xF;
	v21 =	vmov v29  }
0x190: {  	v29 =	vld [tilespmem:s11+$0x0];
	v26 =	vbroadcast v28, $0xF;
	(v2sf) =	vpush v28, $0xF;
	s14 =	smov.u32 @p0 s24  }
0x191: {  	s12 =	sadd.s32 $0x10, s12  }
.Ltmp18:
0x192: {  	(pc) =	sbr.rel .LBB2_26-.Ltmp18, $2  }
0x193: {  	_ =	sdelay $0x2  }
0x194: {  	v28 =	vmov v21;
	v21 =	vmov v29  }
.LBB2_11:
0x195: {  	p0 =	por $0x0, $0x0  }
0x196: {  	s2 =	simm.s32 @!p0 $0x0  }
0x197: {  	s2 =	simm.s32 @p0 $0x1;
	p0 =	por $0x0, $0x0  }
.Ltmp19:
0x198: {  	[smem:$0x7F8] =	sst s2;
	s2 =	simm.s32 @!p0 $0x0;
	(pc) =	sbr.rel .LBB2_26-.Ltmp19, $4  }
0x199: {  	s2 =	simm.s32 @p0 $0x1;
	p0 =	por $0x0, $0x0  }
0x19a: {  	s12 =	simm.s32 $0x80000000;
	[smem:$0x7F9] =	sst s2;
	s2 =	simm.s32 @!p0 $0x0  }
0x19b: {  	s14 =	simm.f32 $2.000000030e+30;
	s16 =	simm.s32 $0x0;
	s2 =	simm.s32 @p0 $0x1  }
0x19c: {  	s11 =	simm.s32 $0x11800;
	s15 =	simm.f32 $2.000000030e+30;
	v21 =	vmov v22;
	[smem:$0x7FA] =	sst s2  }
.LBB2_13:
0x19d: {  	p0 =	por $0x0, $0x0  }
0x19e: {  	s2 =	simm.s32 @!p0 $0x0  }
0x19f: {  	s2 =	simm.s32 @p0 $0x1;
	p0 =	por $0x0, $0x0  }
.Ltmp20:
0x1a0: {  	[smem:$0x7F8] =	sst s2;
	s2 =	simm.s32 @!p0 $0x0;
	(pc) =	sbr.rel .LBB2_26-.Ltmp20, $4  }
0x1a1: {  	s2 =	simm.s32 @p0 $0x1;
	p0 =	por $0x0, $0x0  }
0x1a2: {  	[smem:$0x7F9] =	sst s2;
	s2 =	simm.s32 @!p0 $0x0  }
0x1a3: {  	s12 =	simm.s32 $0x80000000;
	s14 =	simm.f32 $2.000000030e+30;
	s2 =	simm.s32 @p0 $0x1  }
0x1a4: {  	v28 =	vmov v22;
	s16 =	simm.s32 $0x0;
	s15 =	simm.f32 $2.000000030e+30;
	[smem:$0x7FA] =	sst s2  }
.LBB2_15:
0x1a5: {  	p0 =	por $0x0, $0x0  }
0x1a6: {  	s2 =	simm.s32 @!p0 $0x0  }
0x1a7: {  	s2 =	simm.s32 @p0 $0x1;
	p0 =	por $0x0, $0x0  }
.Ltmp21:
0x1a8: {  	[smem:$0x7F8] =	sst s2;
	s2 =	simm.s32 @!p0 $0x0;
	(pc) =	sbr.rel .LBB2_26-.Ltmp21, $4  }
0x1a9: {  	s2 =	simm.s32 @p0 $0x1;
	p0 =	por $0x0, $0x0  }
0x1aa: {  	[smem:$0x7F9] =	sst s2;
	s2 =	simm.s32 @!p0 $0x0  }
0x1ab: {  	s12 =	simm.s32 $0x80000000;
	s14 =	simm.f32 $2.000000030e+30;
	s2 =	simm.s32 @p0 $0x1  }
0x1ac: {  	v28 =	vmov v21;
	s16 =	simm.s32 $0x0;
	s15 =	simm.f32 $2.000000030e+30;
	v21 =	vmov v20;
	[smem:$0x7FA] =	sst s2  }
.LBB2_17:
0x1ad: {  	p0 =	por $0x0, $0x0  }
0x1ae: {  	s2 =	simm.s32 @!p0 $0x0  }
0x1af: {  	s2 =	simm.s32 @p0 $0x1;
	p0 =	por $0x0, $0x0  }
.Ltmp22:
0x1b0: {  	[smem:$0x7F8] =	sst s2;
	s2 =	simm.s32 @!p0 $0x0;
	(pc) =	sbr.rel .LBB2_26-.Ltmp22, $4  }
0x1b1: {  	s2 =	simm.s32 @p0 $0x1;
	p0 =	por $0x0, $0x0  }
0x1b2: {  	[smem:$0x7F9] =	sst s2;
	s2 =	simm.s32 @!p0 $0x0  }
0x1b3: {  	s12 =	simm.s32 $0x80000000;
	s14 =	simm.f32 $2.000000030e+30;
	s2 =	simm.s32 @p0 $0x1  }
0x1b4: {  	v22 =	vmov v21;
	v28 =	vmov v20;
	s16 =	simm.s32 $0x0;
	s15 =	simm.f32 $2.000000030e+30;
	v21 =	vmov v24;
	[smem:$0x7FA] =	sst s2  }
.LBB2_19:
0x1b5: {  	p0 =	por $0x0, $0x0  }
0x1b6: {  	s2 =	simm.s32 @!p0 $0x0  }
0x1b7: {  	s2 =	simm.s32 @p0 $0x1;
	p0 =	por $0x0, $0x0  }
.Ltmp23:
0x1b8: {  	[smem:$0x7F8] =	sst s2;
	s2 =	simm.s32 @!p0 $0x0;
	(pc) =	sbr.rel .LBB2_26-.Ltmp23, $4  }
0x1b9: {  	s2 =	simm.s32 @p0 $0x1;
	p0 =	por $0x1, $0x1  }
0x1ba: {  	[smem:$0x7F9] =	sst s2;
	s2 =	simm.s32 @!p0 $0x0  }
0x1bb: {  	s12 =	simm.s32 $0x80000000;
	s14 =	simm.f32 $2.000000030e+30;
	s2 =	simm.s32 @p0 $0x1  }
0x1bc: {  	v28 =	vmovc v24;
	v22 =	vmov v20;
	s16 =	simm.s32 $0x0;
	s15 =	simm.f32 $2.000000030e+30;
	v26 =	vmov v23;
	v21 =	vmov v25;
	[smem:$0x7FA] =	sst s2  }
.LBB2_21:
.Ltmp24:
0x1bd: {  	(pc) =	sbr.rel .LBB2_26-.Ltmp24, $4  }
0x1be: {  	p0 =	por $0x0, $0x0  }
0x1bf: {  	s2 =	simm.s32 @!p0 $0x0  }
0x1c0: {  	s12 =	simm.s32 $0x80000000;
	s14 =	smov.u32 s15;
	s2 =	simm.s32 @p0 $0x1  }
0x1c1: {  	v22 =	vmov v24;
	v28 =	vmov v25;
	s16 =	simm.s32 $0x0;
	v26 =	vmov v27;
	p0 =	por p3, p3;
	[smem:$0x7F8] =	sst s2  }
0x1c2: {  	_ = 	snop  }
.LBB2_23:
.Ltmp25:
0x1c3: {  	(pc) =	sbr.rel .LBB2_26-.Ltmp25, $2  }
0x1c4: {  	_ =	sdelay $0x2  }
0x1c5: {  	v28 =	vmov v21;
	v22 =	vmov v25;
	s12 =	simm.s32 $0x80000000;
	s16 =	simm.s32 $0x0;
	v21 =	vmov v29  }
.LBB2_30:
0x1c6: {  	_ =	sfence.sel $0x180000  }
0x1c7: {  	[bflag:$0x0] =	sbarrier.arrive $0xFFFF  }
0x1c8: {  	_ =	strace $0x90000047  }
0x1c9: {  	s0 =	stileid.u32;
	[bflag:$0x2] =	sbarrier.arrive $0xFFFF  }
0x1ca: {  	p0 =	sne.s32 s0, $0x0;
	s0 =	rddreg [dreg:$0x2]  }
0x1cb: {  	s0 =	sadd.s32 @!p0 $0x100000, s0  }
0x1cc: {  	[sflag:s0] =	ssyncadd.tile.s32 @!p0 $0x1;
	_ =	shalt  }
.Lfunc_end2:
_tile_overlayer_lowered:
.L_overlay_start_2:
0x1cd: {  	(tag) =	ssettag $0x2  }
0x1ce: {  	s0 =	rddreg [dreg:$0x0];
	s2 =	stileid.u32  }
0x1cf: {  	s1 =	rddreg [dreg:$0x1];
	p0 =	sne.s32 s2, $0x0  }
0x1d0: {  	s3 =	rddreg [dreg:$0x2];
	[bflag:$0x3] =	sbarrier.arrive $0xFFFF;
	s2 =	simm.s32 @!p0 $0x1C01  }
0x1d1: {  	[timem:s3], [sflag:s2] =	dma.local @!p0 [hbm:s0], s1  }
0x1d2: {  	s0 =	simm.s32 @!p0 $0x1  }
0x1d3: {  	_ =	swait.ge @!p0 [sflag:s0], s1  }
0x1d4: {  	s1 =	ssub.s32 @!p0 $0x0, s1;
	[sflag:s0] =	ssyncset.done @!p0 $0x0  }
0x1d5: {  	[sflag:s0] =	ssyncadd.s32 @!p0 s1  }
0x1d6: {  	[bflag:$0x3] =	sbarrier.arrive $0xFFFF  }
0x1d7: {  	_ =	shalt  }

</sc_bundles>
